<compile_context>
chip_gen: v7x
topology: tpu7x:2x2x1
jax: 0.10.2.dev20260603
libtpu: 0.0.44.dev20260713+nightly
codegen_flags: <defaults>
</compile_context>

<pallas_src>
import functools

import jax
import jax.numpy as jnp
from jax import lax
from jax.experimental import pallas as pl
from jax.experimental.pallas import tpu as pltpu
from jax.experimental.pallas import tpu_sc as plsc

_RADIUS = 10.0
_S = 16
_B, _N, _C = 8, 2048, 64
_EPS = 1e-5
_D = 128
_TNK = 128
_TN = 128
_TM = _TN * _S
_NTM = _N // _TN
_ROWS = (_B * _N * _S) // 128
_M0 = float(_B * _N * _S)
_MP = float(_B * _N)


def _knn_body(p1_ref, p2_ref, idx_ref):
    p1 = p1_ref[0]
    p2 = p2_ref[0]
    cross = lax.dot_general(p1, p2, (((1,), (0,)), ((), ())),
                            preferred_element_type=jnp.float32,
                            precision=lax.Precision.HIGHEST)
    p1sq = jnp.sum(p1 * p1, axis=1, keepdims=True)
    p2sq = jnp.sum(p2 * p2, axis=0, keepdims=True)
    d = jnp.maximum((p1sq - 2.0 * cross) + p2sq, 0.0)
    coli = lax.broadcasted_iota(jnp.int32, (_TNK, _N), 1)
    colf = coli.astype(jnp.float32)
    kb = ((lax.bitcast_convert_type(d, jnp.int32) >> 3) & (~15)) | (coli >> 7)
    kf = lax.bitcast_convert_type(kb, jnp.float32)
    gcf = lax.broadcasted_iota(jnp.int32, (_TNK, 128), 1).astype(jnp.float32)

    def gmin(k2d):
        g = k2d[:, 0:128]
        for a in range(1, _S):
            g = jnp.minimum(g, k2d[:, a * 128:(a + 1) * 128])
        return g

    gmf = gmin(kf)
    ms, ids = [], []
    for s in range(_S):
        m = jnp.min(gmf, axis=1, keepdims=True)
        cf = jnp.min(jnp.where(gmf == m, gcf, 128.0), axis=1, keepdims=True)
        mb = lax.bitcast_convert_type(m, jnp.int32)
        af = (mb & 15).astype(jnp.float32)
        ids.append(af * 128.0 + cf)
        ms.append(lax.bitcast_convert_type((mb & (~15)) << 3, jnp.float32))
        if s + 1 < _S:
            kf = jnp.where(colf == ids[-1], jnp.float32(jnp.inf), kf)
            gmf = gmin(kf)
    mall = jnp.concatenate(ms, axis=1)
    iall = jnp.concatenate(ids, axis=1)
    dist = jnp.sqrt(jnp.maximum(mall, 0.0))
    iall = jnp.where(dist > _RADIUS, iall[:, 0:1], iall)
    b = pl.program_id(0)
    idx_ref[0] = jnp.transpose(iall).astype(jnp.int32) + b * _N


def _knn(pos1t, pos2):
    grid = (_B, _N // _TNK)
    return pl.pallas_call(
        _knn_body,
        grid=grid,
        in_specs=[
            pl.BlockSpec((1, _TNK, 3), lambda b, t: (b, t, 0)),
            pl.BlockSpec((1, 3, _N), lambda b, t: (b, 0, 0)),
        ],
        out_specs=pl.BlockSpec((1, _S, _TNK), lambda b, t: (b, 0, t)),
        out_shape=jax.ShapeDtypeStruct((_B, _S, _N), jnp.int32),
    )(pos1t, pos2)


def _gather(table, idx2d):
    info = plsc.get_sparse_core_info()
    nc, ns = info.num_cores, info.num_subcores
    nw = nc * ns
    rpw = _ROWS // nw
    mesh = plsc.VectorSubcoreMesh(core_axis_name="c", subcore_axis_name="s")

    @functools.partial(
        pl.kernel,
        mesh=mesh,
        out_type=jax.ShapeDtypeStruct((_B * _N * _S, _D), jnp.float32),
        scratch_types=[
            pltpu.VMEM((4, 128), jnp.int32),
            pltpu.VMEM((4, 128, _D), jnp.float32),
            pltpu.SemaphoreType.DMA,
            pltpu.SemaphoreType.DMA,
            pltpu.SemaphoreType.DMA,
            pltpu.SemaphoreType.DMA,
        ],
    )
    def k(table_hbm, idx_hbm, out_hbm, idx_v, rows_v, s0, s1, s2, s3):
        wid = lax.axis_index("s") * nc + lax.axis_index("c")
        sems = (s0, s1, s2, s3)

        def body(i, carry):
            r0 = wid * rpw + 4 * i
            cs = [pltpu.async_copy(idx_hbm.at[r0 + j], idx_v.at[j], sems[j])
                  for j in range(4)]
            gs = []
            for j in range(4):
                cs[j].wait()
                gs.append(pltpu.async_copy(table_hbm.at[idx_v.at[j]],
                                           rows_v.at[j], sems[j]))
            ws = []
            for j in range(4):
                gs[j].wait()
                ws.append(pltpu.async_copy(
                    rows_v.at[j],
                    out_hbm.at[pl.ds((r0 + j) * 128, 128)], sems[j]))
            for w in ws:
                w.wait()
            return carry

        lax.fori_loop(0, rpw // 4, body, 0)

    return k(table, idx2d)


def _dot(x, w):
    return lax.dot_general(x, w, (((1,), (0,)), ((), ())),
                           preferred_element_type=jnp.float32)


def _zl(ab_ref, y, l, c):
    a = ab_ref[2 * l:2 * l + 1, :c]
    bb = ab_ref[2 * l + 1:2 * l + 2, :c]
    return jnp.maximum(y * a + bb, 0.0)


def _tree8(y, c):
    a = y.reshape(_TM // 8, 8, c)
    k = _TM // 8
    while k > 1:
        h = k // 2
        a = a[:h] + a[h:k]
        k = h
    return a[0]


def _acc(sums_ref, y, l, c):
    sums_ref[2 * l, :, :c] += _tree8(y, c)
    sums_ref[2 * l + 1, :, :c] += _tree8(y * y, c)


def _fin(s_ref, gb_ref, ab_ref, l):
    s = jnp.sum(s_ref[2 * l], axis=0, keepdims=True)
    ss = jnp.sum(s_ref[2 * l + 1], axis=0, keepdims=True)
    mean = s * (1.0 / _M0)
    var = ss * (1.0 / _M0) - mean * mean
    a = gb_ref[2 * l:2 * l + 1, :] * lax.rsqrt(var + _EPS)
    bb = gb_ref[2 * l + 1:2 * l + 2, :] - mean * a
    ab_ref[2 * l:2 * l + 1, :] = a
    ab_ref[2 * l + 1:2 * l + 2, :] = bb


def _y0_body(g_ref, p1_ref, f1_ref, wa_ref, wg_ref, wc_ref, y0_ref, s0_ref):
    b = pl.program_id(0)
    t = pl.program_id(1)
    first = jnp.logical_and(b == 0, t == 0)

    @pl.when(first)
    def _():
        s0_ref[...] = jnp.zeros_like(s0_ref)

    gt = g_ref[0, :, 0].reshape(_TM, _D)
    h = _dot(f1_ref[0], wc_ref[...]) - _dot(p1_ref[0], wa_ref[...])
    hb = jnp.broadcast_to(h[None, :, :], (_S, _TN, 64)).reshape(_TM, 64)
    y0 = _dot(gt, wg_ref[...]) + hb
    y0_ref[0, :, 0] = y0.reshape(_S, _TN, 64).astype(jnp.bfloat16)
    _acc(s0_ref, y0, 0, 64)


def _ab_body(y0_ref, w1_ref, w2_ref, gb_ref, s0_ref, ab_ref, sums_ref):
    p = pl.program_id(0)
    b = pl.program_id(1)
    t = pl.program_id(2)
    first = jnp.logical_and(b == 0, t == 0)
    last = jnp.logical_and(b == _B - 1, t == _NTM - 1)

    @pl.when(jnp.logical_and(first, p == 0))
    def _():
        sums_ref[...] = jnp.zeros_like(sums_ref)
        _fin(s0_ref, gb_ref, ab_ref, 0)

    @pl.when(jnp.logical_and(first, p == 1))
    def _():
        _fin(sums_ref, gb_ref, ab_ref, 1)

    y0 = y0_ref[0, :, 0].reshape(_TM, 64).astype(jnp.float32)
    y1 = _dot(_zl(ab_ref, y0, 0, 64), w1_ref[...])

    @pl.when(p == 0)
    def _():
        _acc(sums_ref, y1, 1, 64)

    @pl.when(p == 1)
    def _():
        _acc(sums_ref, _dot(_zl(ab_ref, y1, 1, 64), w2_ref[...]), 2, 128)

    @pl.when(jnp.logical_and(last, p == 1))
    def _():
        _fin(sums_ref, gb_ref, ab_ref, 2)


def _final_body(y0_ref, w1_ref, w2_ref, ab_ref, o_ref):
    y0 = y0_ref[0, :, 0].reshape(_TM, 64).astype(jnp.float32)
    y1 = _dot(_zl(ab_ref, y0, 0, 64), w1_ref[...])
    y2 = _dot(_zl(ab_ref, y1, 1, 64), w2_ref[...])
    m = jnp.max(y2.reshape(_S, _TN, 128), axis=0)
    o_ref[0] = jnp.transpose(_zl(ab_ref, m, 2, 128))


def _y0_spec(nargs):
    return pl.BlockSpec((1, _S, 1, _TN, 64),
                        (lambda p, b, t: (b, 0, t, 0, 0)) if nargs == 3
                        else (lambda b, t: (b, 0, t, 0, 0)))


def _mlp(g5, p1t, f1t, wa, wg, wc, w1t, w2t, gbp):
    y05, s0 = pl.pallas_call(
        _y0_body,
        grid=(_B, _NTM),
        in_specs=[
            pl.BlockSpec((1, _S, 1, _TN, _D), lambda b, t: (b, 0, t, 0, 0)),
            pl.BlockSpec((1, _TN, 3), lambda b, t: (b, t, 0)),
            pl.BlockSpec((1, _TN, _C), lambda b, t: (b, t, 0)),
            pl.BlockSpec((3, 64), lambda b, t: (0, 0)),
            pl.BlockSpec((_D, 64), lambda b, t: (0, 0)),
            pl.BlockSpec((64, 64), lambda b, t: (0, 0)),
        ],
        out_specs=[
            _y0_spec(2),
            pl.BlockSpec((6, 8, 128), lambda b, t: (0, 0, 0)),
        ],
        out_shape=[
            jax.ShapeDtypeStruct((_B, _S, _NTM, _TN, 64), jnp.bfloat16),
            jax.ShapeDtypeStruct((6, 8, 128), jnp.float32),
        ],
    )(g5, p1t, f1t, wa, wg, wc)

    ab = pl.pallas_call(
        _ab_body,
        grid=(2, _B, _NTM),
        in_specs=[
            _y0_spec(3),
            pl.BlockSpec((64, 64), lambda p, b, t: (0, 0)),
            pl.BlockSpec((64, 128), lambda p, b, t: (0, 0)),
            pl.BlockSpec((8, 128), lambda p, b, t: (0, 0)),
            pl.BlockSpec((6, 8, 128), lambda p, b, t: (0, 0, 0)),
        ],
        out_specs=pl.BlockSpec((8, 128), lambda p, b, t: (0, 0)),
        out_shape=jax.ShapeDtypeStruct((8, 128), jnp.float32),
        scratch_shapes=[pltpu.VMEM((6, 8, 128), jnp.float32)],
    )(y05, w1t, w2t, gbp, s0)

    return pl.pallas_call(
        _final_body,
        grid=(_B, _NTM),
        in_specs=[
            _y0_spec(2),
            pl.BlockSpec((64, 64), lambda b, t: (0, 0)),
            pl.BlockSpec((64, 128), lambda b, t: (0, 0)),
            pl.BlockSpec((8, 128), lambda b, t: (0, 0)),
        ],
        out_specs=pl.BlockSpec((1, 128, _TN), lambda b, t: (b, 0, t)),
        out_shape=jax.ShapeDtypeStruct((_B, 128, _N), jnp.float32),
    )(y05, w1t, w2t, ab)


def kernel(pos1, pos2, feature1, feature2, W0, gamma0, beta0, W1, gamma1,
           beta1, W2, gamma2, beta2):
    pos1t = jnp.transpose(pos1, (0, 2, 1))
    idx = _knn(pos1t, pos2)
    idx2d = idx.reshape(_ROWS, 128)

    pos2t = jnp.transpose(pos2, (0, 2, 1))
    feat2t = jnp.transpose(feature2, (0, 2, 1))
    table = jnp.concatenate(
        [pos2t, feat2t, jnp.zeros((_B, _N, _D - 3 - _C), jnp.float32)],
        axis=-1).reshape(_B * _N, _D)

    g = _gather(table, idx2d)
    g5 = g.reshape(_B, _S, _NTM, _TN, _D)

    f1t = jnp.transpose(feature1, (0, 2, 1))
    wa = jnp.transpose(W0[:, 0:3])
    wg = jnp.concatenate(
        [jnp.transpose(W0[:, 0:3 + _C]),
         jnp.zeros((_D - 3 - _C, 64), jnp.float32)], axis=0)
    wc = jnp.transpose(W0[:, 3 + _C:])
    w1t = jnp.transpose(W1)
    w2t = jnp.transpose(W2)

    def pad128(v):
        return jnp.pad(v, (0, 128 - v.shape[0]))

    gbp = jnp.stack([
        pad128(gamma0), pad128(beta0), pad128(gamma1), pad128(beta1),
        gamma2, beta2, jnp.zeros((128,), jnp.float32),
        jnp.zeros((128,), jnp.float32),
    ])

    feat1_new = _mlp(g5, pos1t, f1t, wa, wg, wc, w1t, w2t, gbp)
    return (pos1, feat1_new)

# --- scband reference (transcript-rebuilt; emitter-appended) ---
"""Pipeline reference for scband-flow-embedding-12008728560017 (READ-ONLY COPY).

The authoritative reference and input builder live on the scoring server;
editing this copy changes nothing except your own understanding.
"""

import jax, jax.numpy as jnp
import numpy as np

RADIUS = 10.0
NSAMPLE = 16
B, N, C = 8, 2048, 64
MLP = [64, 64, 128]
EPS = 1e-5


def setup_inputs(seed: int = 0) -> dict:
    key = jax.random.key(seed)
    ks = jax.random.split(key, 16)
    inp = {
        "pos1": jax.random.normal(ks[0], (B, 3, N), dtype=jnp.float32),
        "pos2": jax.random.normal(ks[1], (B, 3, N), dtype=jnp.float32),
        "feature1": jax.random.normal(ks[2], (B, C, N), dtype=jnp.float32),
        "feature2": jax.random.normal(ks[3], (B, C, N), dtype=jnp.float32),
    }
    last = 2 * C + 3
    for i, out in enumerate(MLP):
        inp[f"W{i}"] = jax.random.normal(ks[4 + 3 * i], (out, last), dtype=jnp.float32) * (1.0 / np.sqrt(last))
        inp[f"gamma{i}"] = jnp.ones((out,), dtype=jnp.float32)
        inp[f"beta{i}"] = jnp.zeros((out,), dtype=jnp.float32)
        last = out
    return inp


def reference(pos1, pos2, feature1, feature2, W0, gamma0, beta0, W1, gamma1, beta1, W2, gamma2, beta2):
    # pos*: (B, 3, N); feature*: (B, C, N)
    pos1_t = jnp.transpose(pos1, (0, 2, 1))  # (B, N, 3)
    pos2_t = jnp.transpose(pos2, (0, 2, 1))  # (B, N2, 3)

    # kNN of each pos1 point among pos2 points (squared L2 -> top_k smallest)
    d2 = jnp.sum((pos1_t[:, :, None, :] - pos2_t[:, None, :, :]) ** 2, axis=-1)  # (B, N, N2)
    neg_vals, idx = jax.lax.top_k(-d2, NSAMPLE)  # idx: (B, N, S)
    dist = jnp.sqrt(jnp.maximum(-neg_vals, 0.0))
    # idx[dist > radius] = idx[:, :, 0] (nearest neighbor fallback)
    idx = jnp.where(dist > RADIUS, idx[:, :, 0:1], idx)

    gather = jax.vmap(lambda src, i: src[i])  # (N2, D), (N, S) -> (N, S, D)

    pos2_grouped = jnp.transpose(gather(pos2_t, idx), (0, 3, 1, 2))  # (B, 3, N, S)
    pos_diff = pos2_grouped - pos1[:, :, :, None]

    feat2_t = jnp.transpose(feature2, (0, 2, 1))  # (B, N2, C)
    feat2_grouped = jnp.transpose(gather(feat2_t, idx), (0, 3, 1, 2))  # (B, C, N, S)
    feat1_rep = jnp.broadcast_to(feature1[:, :, :, None], (B, C, N, NSAMPLE))

    # corr_func == 'concat'
    feat = jnp.concatenate([pos_diff, feat2_grouped, feat1_rep], axis=1)  # (B, 2C+3, N, S)

    for W, g, b in ((W0, gamma0, beta0), (W1, gamma1, beta1), (W2, gamma2, beta2)):
        feat = jnp.einsum('oc,bcns->bons', W, feat)  # 1x1 Conv2d, no bias
        mean = jnp.mean(feat, axis=(0, 2, 3), keepdims=True)  # BatchNorm2d (training stats)
        var = jnp.mean((feat - mean) ** 2, axis=(0, 2, 3), keepdims=True)
        feat = (feat - mean) / jnp.sqrt(var + EPS)
        feat = feat * g[None, :, None, None] + b[None, :, None, None]
        feat = jax.nn.relu(feat)

    feat1_new = jnp.max(feat, axis=-1)  # (B, mlp[-1], N)
    return (pos1, feat1_new)

if __name__ == "__main__":
    import jax
    _d = setup_inputs()
    print(jax.jit(kernel)(*tuple(_d.values())))

</pallas_src>

<mosaic_0001>
#map = affine_map<(d0, d1) -> (0, 0)>
module attributes {stable_mosaic.version = 14 : i64} {
  func.func @k(%arg0: i32, %arg1: i32, %arg2: memref<16384x128xf32, #tpu.memory_space<hbm>>, %arg3: memref<2048x128xi32, #tpu.memory_space<hbm>>, %arg4: memref<262144x128xf32, #tpu.memory_space<hbm>>, %arg5: memref<4x128xi32, #tpu.memory_space<vmem>>, %arg6: memref<4x128x128xf32, #tpu.memory_space<vmem>>, %arg7: memref<!tpu.dma_semaphore, #tpu.memory_space<semaphore_mem>>, %arg8: memref<!tpu.dma_semaphore, #tpu.memory_space<semaphore_mem>>, %arg9: memref<!tpu.dma_semaphore, #tpu.memory_space<semaphore_mem>>, %arg10: memref<!tpu.dma_semaphore, #tpu.memory_space<semaphore_mem>>) attributes {dimension_semantics = [#tpu.dimension_semantics<core_parallel>, #tpu.dimension_semantics<subcore_parallel>], iteration_bounds = array<i64: 2, 16>, scalar_prefetch = 0 : i64, scratch_operands = 6 : i64, tpu.core_type = #tpu.core_type<sc_vector_subcore>, window_params = [{transform_indices = #map}, {transform_indices = #map}, {transform_indices = #map}]} {
    %mul3A = arith.constant 2 : i32
    %mul3A_0 = arith.muli %arg1, %mul3A : i32
    %add3A = arith.addi %mul3A_0, %arg0 : i32
    %scan3A = arith.constant 0 : i32
    %scan3A_1 = arith.constant 0 : i32
    %scan3A_2 = arith.constant 16 : i32
    %scan3A_3 = arith.addi %scan3A_1, %scan3A_2 : i32
    %scan3A_4 = arith.constant 1 : i32
    scf.for %scan3A_6 = %scan3A_1 to %scan3A_3 step %scan3A_4  : i32 {
      %mul3A_7 = arith.constant 64 : i32
      %mul3A_8 = arith.muli %add3A, %mul3A_7 : i32
      %mul3A_9 = arith.constant 4 : i32
      %mul3A_10 = arith.muli %mul3A_9, %scan3A_6 : i32
      %add3A_11 = arith.addi %mul3A_8, %mul3A_10 : i32
      %add3A_12 = arith.constant 0 : i32
      %add3A_13 = arith.addi %add3A_11, %add3A_12 : i32
      %dma_start3A = arith.constant 0 : i32
      %dma_start3A_14 = arith.constant 0 : i32
      %dma_start3A_15 = tpu.memref_slice %arg5[%dma_start3A, %dma_start3A_14] : memref<4x128xi32, #tpu.memory_space<vmem>> -> memref<1x128xi32, #tpu.memory_space<vmem>>
      %dma_start3A_16 = tpu.memref_squeeze %dma_start3A_15 : memref<1x128xi32, #tpu.memory_space<vmem>> -> memref<128xi32, #tpu.memory_space<vmem>>
      %dma_start3A_17 = arith.constant 0 : i32
      %dma_start3A_18 = tpu.memref_slice %arg3[%add3A_13, %dma_start3A_17] : memref<2048x128xi32, #tpu.memory_space<hbm>> -> memref<1x128xi32, #tpu.memory_space<hbm>>
      %dma_start3A_19 = tpu.memref_squeeze %dma_start3A_18 : memref<1x128xi32, #tpu.memory_space<hbm>> -> memref<128xi32, #tpu.memory_space<hbm>>
      %dma_start3A_20 = arith.constant 0 : i32
      %dma_start3A_21 = tpu.memref_slice %arg5[%dma_start3A, %dma_start3A_20] : memref<4x128xi32, #tpu.memory_space<vmem>> -> memref<1x128xi32, #tpu.memory_space<vmem>>
      %dma_start3A_22 = tpu.memref_squeeze %dma_start3A_21 : memref<1x128xi32, #tpu.memory_space<vmem>> -> memref<128xi32, #tpu.memory_space<vmem>>
      %dma_start3A_23 = arith.constant 0 : i32
      %dma_start3A_24 = tpu.memref_slice %arg3[%add3A_13, %dma_start3A_23] : memref<2048x128xi32, #tpu.memory_space<hbm>> -> memref<1x128xi32, #tpu.memory_space<hbm>>
      %dma_start3A_25 = tpu.memref_squeeze %dma_start3A_24 : memref<1x128xi32, #tpu.memory_space<hbm>> -> memref<128xi32, #tpu.memory_space<hbm>>
      tpu.enqueue_dma source(%dma_start3A_25 : memref<128xi32, #tpu.memory_space<hbm>>) target(%dma_start3A_22 : memref<128xi32, #tpu.memory_space<vmem>>) target_semaphore(%arg7 : memref<!tpu.dma_semaphore, #tpu.memory_space<semaphore_mem>>)
      %add3A_26 = arith.constant 1 : i32
      %add3A_27 = arith.addi %add3A_11, %add3A_26 : i32
      %dma_start3A_28 = arith.constant 1 : i32
      %dma_start3A_29 = arith.constant 0 : i32
      %dma_start3A_30 = tpu.memref_slice %arg5[%dma_start3A_28, %dma_start3A_29] : memref<4x128xi32, #tpu.memory_space<vmem>> -> memref<1x128xi32, #tpu.memory_space<vmem>>
      %dma_start3A_31 = tpu.memref_squeeze %dma_start3A_30 : memref<1x128xi32, #tpu.memory_space<vmem>> -> memref<128xi32, #tpu.memory_space<vmem>>
      %dma_start3A_32 = arith.constant 0 : i32
      %dma_start3A_33 = tpu.memref_slice %arg3[%add3A_27, %dma_start3A_32] : memref<2048x128xi32, #tpu.memory_space<hbm>> -> memref<1x128xi32, #tpu.memory_space<hbm>>
      %dma_start3A_34 = tpu.memref_squeeze %dma_start3A_33 : memref<1x128xi32, #tpu.memory_space<hbm>> -> memref<128xi32, #tpu.memory_space<hbm>>
      %dma_start3A_35 = arith.constant 0 : i32
      %dma_start3A_36 = tpu.memref_slice %arg5[%dma_start3A_28, %dma_start3A_35] : memref<4x128xi32, #tpu.memory_space<vmem>> -> memref<1x128xi32, #tpu.memory_space<vmem>>
      %dma_start3A_37 = tpu.memref_squeeze %dma_start3A_36 : memref<1x128xi32, #tpu.memory_space<vmem>> -> memref<128xi32, #tpu.memory_space<vmem>>
      %dma_start3A_38 = arith.constant 0 : i32
      %dma_start3A_39 = tpu.memref_slice %arg3[%add3A_27, %dma_start3A_38] : memref<2048x128xi32, #tpu.memory_space<hbm>> -> memref<1x128xi32, #tpu.memory_space<hbm>>
      %dma_start3A_40 = tpu.memref_squeeze %dma_start3A_39 : memref<1x128xi32, #tpu.memory_space<hbm>> -> memref<128xi32, #tpu.memory_space<hbm>>
      tpu.enqueue_dma source(%dma_start3A_40 : memref<128xi32, #tpu.memory_space<hbm>>) target(%dma_start3A_37 : memref<128xi32, #tpu.memory_space<vmem>>) target_semaphore(%arg8 : memref<!tpu.dma_semaphore, #tpu.memory_space<semaphore_mem>>)
      %add3A_41 = arith.constant 2 : i32
      %add3A_42 = arith.addi %add3A_11, %add3A_41 : i32
      %dma_start3A_43 = arith.constant 2 : i32
      %dma_start3A_44 = arith.constant 0 : i32
      %dma_start3A_45 = tpu.memref_slice %arg5[%dma_start3A_43, %dma_start3A_44] : memref<4x128xi32, #tpu.memory_space<vmem>> -> memref<1x128xi32, #tpu.memory_space<vmem>>
      %dma_start3A_46 = tpu.memref_squeeze %dma_start3A_45 : memref<1x128xi32, #tpu.memory_space<vmem>> -> memref<128xi32, #tpu.memory_space<vmem>>
      %dma_start3A_47 = arith.constant 0 : i32
      %dma_start3A_48 = tpu.memref_slice %arg3[%add3A_42, %dma_start3A_47] : memref<2048x128xi32, #tpu.memory_space<hbm>> -> memref<1x128xi32, #tpu.memory_space<hbm>>
      %dma_start3A_49 = tpu.memref_squeeze %dma_start3A_48 : memref<1x128xi32, #tpu.memory_space<hbm>> -> memref<128xi32, #tpu.memory_space<hbm>>
      %dma_start3A_50 = arith.constant 0 : i32
      %dma_start3A_51 = tpu.memref_slice %arg5[%dma_start3A_43, %dma_start3A_50] : memref<4x128xi32, #tpu.memory_space<vmem>> -> memref<1x128xi32, #tpu.memory_space<vmem>>
      %dma_start3A_52 = tpu.memref_squeeze %dma_start3A_51 : memref<1x128xi32, #tpu.memory_space<vmem>> -> memref<128xi32, #tpu.memory_space<vmem>>
      %dma_start3A_53 = arith.constant 0 : i32
      %dma_start3A_54 = tpu.memref_slice %arg3[%add3A_42, %dma_start3A_53] : memref<2048x128xi32, #tpu.memory_space<hbm>> -> memref<1x128xi32, #tpu.memory_space<hbm>>
      %dma_start3A_55 = tpu.memref_squeeze %dma_start3A_54 : memref<1x128xi32, #tpu.memory_space<hbm>> -> memref<128xi32, #tpu.memory_space<hbm>>
      tpu.enqueue_dma source(%dma_start3A_55 : memref<128xi32, #tpu.memory_space<hbm>>) target(%dma_start3A_52 : memref<128xi32, #tpu.memory_space<vmem>>) target_semaphore(%arg9 : memref<!tpu.dma_semaphore, #tpu.memory_space<semaphore_mem>>)
      %add3A_56 = arith.constant 3 : i32
      %add3A_57 = arith.addi %add3A_11, %add3A_56 : i32
      %dma_start3A_58 = arith.constant 3 : i32
      %dma_start3A_59 = arith.constant 0 : i32
      %dma_start3A_60 = tpu.memref_slice %arg5[%dma_start3A_58, %dma_start3A_59] : memref<4x128xi32, #tpu.memory_space<vmem>> -> memref<1x128xi32, #tpu.memory_space<vmem>>
      %dma_start3A_61 = tpu.memref_squeeze %dma_start3A_60 : memref<1x128xi32, #tpu.memory_space<vmem>> -> memref<128xi32, #tpu.memory_space<vmem>>
      %dma_start3A_62 = arith.constant 0 : i32
      %dma_start3A_63 = tpu.memref_slice %arg3[%add3A_57, %dma_start3A_62] : memref<2048x128xi32, #tpu.memory_space<hbm>> -> memref<1x128xi32, #tpu.memory_space<hbm>>
      %dma_start3A_64 = tpu.memref_squeeze %dma_start3A_63 : memref<1x128xi32, #tpu.memory_space<hbm>> -> memref<128xi32, #tpu.memory_space<hbm>>
      %dma_start3A_65 = arith.constant 0 : i32
      %dma_start3A_66 = tpu.memref_slice %arg5[%dma_start3A_58, %dma_start3A_65] : memref<4x128xi32, #tpu.memory_space<vmem>> -> memref<1x128xi32, #tpu.memory_space<vmem>>
      %dma_start3A_67 = tpu.memref_squeeze %dma_start3A_66 : memref<1x128xi32, #tpu.memory_space<vmem>> -> memref<128xi32, #tpu.memory_space<vmem>>
      %dma_start3A_68 = arith.constant 0 : i32
      %dma_start3A_69 = tpu.memref_slice %arg3[%add3A_57, %dma_start3A_68] : memref<2048x128xi32, #tpu.memory_space<hbm>> -> memref<1x128xi32, #tpu.memory_space<hbm>>
      %dma_start3A_70 = tpu.memref_squeeze %dma_start3A_69 : memref<1x128xi32, #tpu.memory_space<hbm>> -> memref<128xi32, #tpu.memory_space<hbm>>
      tpu.enqueue_dma source(%dma_start3A_70 : memref<128xi32, #tpu.memory_space<hbm>>) target(%dma_start3A_67 : memref<128xi32, #tpu.memory_space<vmem>>) target_semaphore(%arg10 : memref<!tpu.dma_semaphore, #tpu.memory_space<semaphore_mem>>)
      %dma_wait3A = arith.constant 0 : i32
      %dma_wait3A_71 = arith.constant 0 : i32
      %dma_wait3A_72 = tpu.memref_slice %arg5[%dma_wait3A, %dma_wait3A_71] : memref<4x128xi32, #tpu.memory_space<vmem>> -> memref<1x128xi32, #tpu.memory_space<vmem>>
      %dma_wait3A_73 = tpu.memref_squeeze %dma_wait3A_72 : memref<1x128xi32, #tpu.memory_space<vmem>> -> memref<128xi32, #tpu.memory_space<vmem>>
      %dma_wait3A_74 = arith.constant 0 : i32
      %dma_wait3A_75 = tpu.memref_slice %arg3[%add3A_13, %dma_wait3A_74] : memref<2048x128xi32, #tpu.memory_space<hbm>> -> memref<1x128xi32, #tpu.memory_space<hbm>>
      %dma_wait3A_76 = tpu.memref_squeeze %dma_wait3A_75 : memref<1x128xi32, #tpu.memory_space<hbm>> -> memref<128xi32, #tpu.memory_space<hbm>>
      %dma_wait3A_77 = arith.constant 0 : i32
      %dma_wait3A_78 = tpu.memref_slice %arg5[%dma_wait3A, %dma_wait3A_77] : memref<4x128xi32, #tpu.memory_space<vmem>> -> memref<1x128xi32, #tpu.memory_space<vmem>>
      %dma_wait3A_79 = tpu.memref_squeeze %dma_wait3A_78 : memref<1x128xi32, #tpu.memory_space<vmem>> -> memref<128xi32, #tpu.memory_space<vmem>>
      %dma_wait3A_80 = arith.constant 0 : i32
      %dma_wait3A_81 = tpu.memref_slice %arg3[%add3A_13, %dma_wait3A_80] : memref<2048x128xi32, #tpu.memory_space<hbm>> -> memref<1x128xi32, #tpu.memory_space<hbm>>
      %dma_wait3A_82 = tpu.memref_squeeze %dma_wait3A_81 : memref<1x128xi32, #tpu.memory_space<hbm>> -> memref<128xi32, #tpu.memory_space<hbm>>
      tpu.wait_dma2 semaphore(%arg7 : memref<!tpu.dma_semaphore, #tpu.memory_space<semaphore_mem>>) src(%dma_wait3A_82 : memref<128xi32, #tpu.memory_space<hbm>>) dst(%dma_wait3A_79 : memref<128xi32, #tpu.memory_space<vmem>>)
      %dma_start3A_83 = arith.constant 0 : i32
      %dma_start3A_84 = arith.constant 0 : i32
      %dma_start3A_85 = arith.constant 0 : i32
      %dma_start3A_86 = arith.constant 0 : i32
      %dma_start3A_87 = tpu.memref_slice %arg6[%dma_start3A_84, %dma_start3A_85, %dma_start3A_86] : memref<4x128x128xf32, #tpu.memory_space<vmem>> -> memref<1x128x128xf32, #tpu.memory_space<vmem>>
      %dma_start3A_88 = tpu.memref_squeeze %dma_start3A_87 : memref<1x128x128xf32, #tpu.memory_space<vmem>> -> memref<128x128xf32, #tpu.memory_space<vmem>>
      %dma_start3A_89 = arith.constant 0 : i32
      %dma_start3A_90 = tpu.memref_slice %arg5[%dma_start3A_83, %dma_start3A_89] : memref<4x128xi32, #tpu.memory_space<vmem>> -> memref<1x128xi32, #tpu.memory_space<vmem>>
      %dma_start3A_91 = tpu.memref_squeeze %dma_start3A_90 : memref<1x128xi32, #tpu.memory_space<vmem>> -> memref<128xi32, #tpu.memory_space<vmem>>
      %dma_start3A_92 = arith.constant 0 : i32
      %dma_start3A_93 = arith.constant 0 : i32
      %dma_start3A_94 = tpu.memref_slice %arg2[%dma_start3A_92, %dma_start3A_93] : memref<16384x128xf32, #tpu.memory_space<hbm>> -> memref<16384x128xf32, #tpu.memory_space<hbm>>
      tpu.enqueue_indirect_dma source(%dma_start3A_94 : memref<16384x128xf32, #tpu.memory_space<hbm>>) target(%dma_start3A_88 : memref<128x128xf32, #tpu.memory_space<vmem>>) offsets(%dma_start3A_91 : memref<128xi32, #tpu.memory_space<vmem>>) semaphore(%arg7 : memref<!tpu.dma_semaphore, #tpu.memory_space<semaphore_mem>>)
      %dma_wait3A_95 = arith.constant 1 : i32
      %dma_wait3A_96 = arith.constant 0 : i32
      %dma_wait3A_97 = tpu.memref_slice %arg5[%dma_wait3A_95, %dma_wait3A_96] : memref<4x128xi32, #tpu.memory_space<vmem>> -> memref<1x128xi32, #tpu.memory_space<vmem>>
      %dma_wait3A_98 = tpu.memref_squeeze %dma_wait3A_97 : memref<1x128xi32, #tpu.memory_space<vmem>> -> memref<128xi32, #tpu.memory_space<vmem>>
      %dma_wait3A_99 = arith.constant 0 : i32
      %dma_wait3A_100 = tpu.memref_slice %arg3[%add3A_27, %dma_wait3A_99] : memref<2048x128xi32, #tpu.memory_space<hbm>> -> memref<1x128xi32, #tpu.memory_space<hbm>>
      %dma_wait3A_101 = tpu.memref_squeeze %dma_wait3A_100 : memref<1x128xi32, #tpu.memory_space<hbm>> -> memref<128xi32, #tpu.memory_space<hbm>>
      %dma_wait3A_102 = arith.constant 0 : i32
      %dma_wait3A_103 = tpu.memref_slice %arg5[%dma_wait3A_95, %dma_wait3A_102] : memref<4x128xi32, #tpu.memory_space<vmem>> -> memref<1x128xi32, #tpu.memory_space<vmem>>
      %dma_wait3A_104 = tpu.memref_squeeze %dma_wait3A_103 : memref<1x128xi32, #tpu.memory_space<vmem>> -> memref<128xi32, #tpu.memory_space<vmem>>
      %dma_wait3A_105 = arith.constant 0 : i32
      %dma_wait3A_106 = tpu.memref_slice %arg3[%add3A_27, %dma_wait3A_105] : memref<2048x128xi32, #tpu.memory_space<hbm>> -> memref<1x128xi32, #tpu.memory_space<hbm>>
      %dma_wait3A_107 = tpu.memref_squeeze %dma_wait3A_106 : memref<1x128xi32, #tpu.memory_space<hbm>> -> memref<128xi32, #tpu.memory_space<hbm>>
      tpu.wait_dma2 semaphore(%arg8 : memref<!tpu.dma_semaphore, #tpu.memory_space<semaphore_mem>>) src(%dma_wait3A_107 : memref<128xi32, #tpu.memory_space<hbm>>) dst(%dma_wait3A_104 : memref<128xi32, #tpu.memory_space<vmem>>)
      %dma_start3A_108 = arith.constant 1 : i32
      %dma_start3A_109 = arith.constant 1 : i32
      %dma_start3A_110 = arith.constant 0 : i32
      %dma_start3A_111 = arith.constant 0 : i32
      %dma_start3A_112 = tpu.memref_slice %arg6[%dma_start3A_109, %dma_start3A_110, %dma_start3A_111] : memref<4x128x128xf32, #tpu.memory_space<vmem>> -> memref<1x128x128xf32, #tpu.memory_space<vmem>>
      %dma_start3A_113 = tpu.memref_squeeze %dma_start3A_112 : memref<1x128x128xf32, #tpu.memory_space<vmem>> -> memref<128x128xf32, #tpu.memory_space<vmem>>
      %dma_start3A_114 = arith.constant 0 : i32
      %dma_start3A_115 = tpu.memref_slice %arg5[%dma_start3A_108, %dma_start3A_114] : memref<4x128xi32, #tpu.memory_space<vmem>> -> memref<1x128xi32, #tpu.memory_space<vmem>>
      %dma_start3A_116 = tpu.memref_squeeze %dma_start3A_115 : memref<1x128xi32, #tpu.memory_space<vmem>> -> memref<128xi32, #tpu.memory_space<vmem>>
      %dma_start3A_117 = arith.constant 0 : i32
      %dma_start3A_118 = arith.constant 0 : i32
      %dma_start3A_119 = tpu.memref_slice %arg2[%dma_start3A_117, %dma_start3A_118] : memref<16384x128xf32, #tpu.memory_space<hbm>> -> memref<16384x128xf32, #tpu.memory_space<hbm>>
      tpu.enqueue_indirect_dma source(%dma_start3A_119 : memref<16384x128xf32, #tpu.memory_space<hbm>>) target(%dma_start3A_113 : memref<128x128xf32, #tpu.memory_space<vmem>>) offsets(%dma_start3A_116 : memref<128xi32, #tpu.memory_space<vmem>>) semaphore(%arg8 : memref<!tpu.dma_semaphore, #tpu.memory_space<semaphore_mem>>)
      %dma_wait3A_120 = arith.constant 2 : i32
      %dma_wait3A_121 = arith.constant 0 : i32
      %dma_wait3A_122 = tpu.memref_slice %arg5[%dma_wait3A_120, %dma_wait3A_121] : memref<4x128xi32, #tpu.memory_space<vmem>> -> memref<1x128xi32, #tpu.memory_space<vmem>>
      %dma_wait3A_123 = tpu.memref_squeeze %dma_wait3A_122 : memref<1x128xi32, #tpu.memory_space<vmem>> -> memref<128xi32, #tpu.memory_space<vmem>>
      %dma_wait3A_124 = arith.constant 0 : i32
      %dma_wait3A_125 = tpu.memref_slice %arg3[%add3A_42, %dma_wait3A_124] : memref<2048x128xi32, #tpu.memory_space<hbm>> -> memref<1x128xi32, #tpu.memory_space<hbm>>
      %dma_wait3A_126 = tpu.memref_squeeze %dma_wait3A_125 : memref<1x128xi32, #tpu.memory_space<hbm>> -> memref<128xi32, #tpu.memory_space<hbm>>
      %dma_wait3A_127 = arith.constant 0 : i32
      %dma_wait3A_128 = tpu.memref_slice %arg5[%dma_wait3A_120, %dma_wait3A_127] : memref<4x128xi32, #tpu.memory_space<vmem>> -> memref<1x128xi32, #tpu.memory_space<vmem>>
      %dma_wait3A_129 = tpu.memref_squeeze %dma_wait3A_128 : memref<1x128xi32, #tpu.memory_space<vmem>> -> memref<128xi32, #tpu.memory_space<vmem>>
      %dma_wait3A_130 = arith.constant 0 : i32
      %dma_wait3A_131 = tpu.memref_slice %arg3[%add3A_42, %dma_wait3A_130] : memref<2048x128xi32, #tpu.memory_space<hbm>> -> memref<1x128xi32, #tpu.memory_space<hbm>>
      %dma_wait3A_132 = tpu.memref_squeeze %dma_wait3A_131 : memref<1x128xi32, #tpu.memory_space<hbm>> -> memref<128xi32, #tpu.memory_space<hbm>>
      tpu.wait_dma2 semaphore(%arg9 : memref<!tpu.dma_semaphore, #tpu.memory_space<semaphore_mem>>) src(%dma_wait3A_132 : memref<128xi32, #tpu.memory_space<hbm>>) dst(%dma_wait3A_129 : memref<128xi32, #tpu.memory_space<vmem>>)
      %dma_start3A_133 = arith.constant 2 : i32
      %dma_start3A_134 = arith.constant 2 : i32
      %dma_start3A_135 = arith.constant 0 : i32
      %dma_start3A_136 = arith.constant 0 : i32
      %dma_start3A_137 = tpu.memref_slice %arg6[%dma_start3A_134, %dma_start3A_135, %dma_start3A_136] : memref<4x128x128xf32, #tpu.memory_space<vmem>> -> memref<1x128x128xf32, #tpu.memory_space<vmem>>
      %dma_start3A_138 = tpu.memref_squeeze %dma_start3A_137 : memref<1x128x128xf32, #tpu.memory_space<vmem>> -> memref<128x128xf32, #tpu.memory_space<vmem>>
      %dma_start3A_139 = arith.constant 0 : i32
      %dma_start3A_140 = tpu.memref_slice %arg5[%dma_start3A_133, %dma_start3A_139] : memref<4x128xi32, #tpu.memory_space<vmem>> -> memref<1x128xi32, #tpu.memory_space<vmem>>
      %dma_start3A_141 = tpu.memref_squeeze %dma_start3A_140 : memref<1x128xi32, #tpu.memory_space<vmem>> -> memref<128xi32, #tpu.memory_space<vmem>>
      %dma_start3A_142 = arith.constant 0 : i32
      %dma_start3A_143 = arith.constant 0 : i32
      %dma_start3A_144 = tpu.memref_slice %arg2[%dma_start3A_142, %dma_start3A_143] : memref<16384x128xf32, #tpu.memory_space<hbm>> -> memref<16384x128xf32, #tpu.memory_space<hbm>>
      tpu.enqueue_indirect_dma source(%dma_start3A_144 : memref<16384x128xf32, #tpu.memory_space<hbm>>) target(%dma_start3A_138 : memref<128x128xf32, #tpu.memory_space<vmem>>) offsets(%dma_start3A_141 : memref<128xi32, #tpu.memory_space<vmem>>) semaphore(%arg9 : memref<!tpu.dma_semaphore, #tpu.memory_space<semaphore_mem>>)
      %dma_wait3A_145 = arith.constant 3 : i32
      %dma_wait3A_146 = arith.constant 0 : i32
      %dma_wait3A_147 = tpu.memref_slice %arg5[%dma_wait3A_145, %dma_wait3A_146] : memref<4x128xi32, #tpu.memory_space<vmem>> -> memref<1x128xi32, #tpu.memory_space<vmem>>
      %dma_wait3A_148 = tpu.memref_squeeze %dma_wait3A_147 : memref<1x128xi32, #tpu.memory_space<vmem>> -> memref<128xi32, #tpu.memory_space<vmem>>
      %dma_wait3A_149 = arith.constant 0 : i32
      %dma_wait3A_150 = tpu.memref_slice %arg3[%add3A_57, %dma_wait3A_149] : memref<2048x128xi32, #tpu.memory_space<hbm>> -> memref<1x128xi32, #tpu.memory_space<hbm>>
      %dma_wait3A_151 = tpu.memref_squeeze %dma_wait3A_150 : memref<1x128xi32, #tpu.memory_space<hbm>> -> memref<128xi32, #tpu.memory_space<hbm>>
      %dma_wait3A_152 = arith.constant 0 : i32
      %dma_wait3A_153 = tpu.memref_slice %arg5[%dma_wait3A_145, %dma_wait3A_152] : memref<4x128xi32, #tpu.memory_space<vmem>> -> memref<1x128xi32, #tpu.memory_space<vmem>>
      %dma_wait3A_154 = tpu.memref_squeeze %dma_wait3A_153 : memref<1x128xi32, #tpu.memory_space<vmem>> -> memref<128xi32, #tpu.memory_space<vmem>>
      %dma_wait3A_155 = arith.constant 0 : i32
      %dma_wait3A_156 = tpu.memref_slice %arg3[%add3A_57, %dma_wait3A_155] : memref<2048x128xi32, #tpu.memory_space<hbm>> -> memref<1x128xi32, #tpu.memory_space<hbm>>
      %dma_wait3A_157 = tpu.memref_squeeze %dma_wait3A_156 : memref<1x128xi32, #tpu.memory_space<hbm>> -> memref<128xi32, #tpu.memory_space<hbm>>
      tpu.wait_dma2 semaphore(%arg10 : memref<!tpu.dma_semaphore, #tpu.memory_space<semaphore_mem>>) src(%dma_wait3A_157 : memref<128xi32, #tpu.memory_space<hbm>>) dst(%dma_wait3A_154 : memref<128xi32, #tpu.memory_space<vmem>>)
      %dma_start3A_158 = arith.constant 3 : i32
      %dma_start3A_159 = arith.constant 3 : i32
      %dma_start3A_160 = arith.constant 0 : i32
      %dma_start3A_161 = arith.constant 0 : i32
      %dma_start3A_162 = tpu.memref_slice %arg6[%dma_start3A_159, %dma_start3A_160, %dma_start3A_161] : memref<4x128x128xf32, #tpu.memory_space<vmem>> -> memref<1x128x128xf32, #tpu.memory_space<vmem>>
      %dma_start3A_163 = tpu.memref_squeeze %dma_start3A_162 : memref<1x128x128xf32, #tpu.memory_space<vmem>> -> memref<128x128xf32, #tpu.memory_space<vmem>>
      %dma_start3A_164 = arith.constant 0 : i32
      %dma_start3A_165 = tpu.memref_slice %arg5[%dma_start3A_158, %dma_start3A_164] : memref<4x128xi32, #tpu.memory_space<vmem>> -> memref<1x128xi32, #tpu.memory_space<vmem>>
      %dma_start3A_166 = tpu.memref_squeeze %dma_start3A_165 : memref<1x128xi32, #tpu.memory_space<vmem>> -> memref<128xi32, #tpu.memory_space<vmem>>
      %dma_start3A_167 = arith.constant 0 : i32
      %dma_start3A_168 = arith.constant 0 : i32
      %dma_start3A_169 = tpu.memref_slice %arg2[%dma_start3A_167, %dma_start3A_168] : memref<16384x128xf32, #tpu.memory_space<hbm>> -> memref<16384x128xf32, #tpu.memory_space<hbm>>
      tpu.enqueue_indirect_dma source(%dma_start3A_169 : memref<16384x128xf32, #tpu.memory_space<hbm>>) target(%dma_start3A_163 : memref<128x128xf32, #tpu.memory_space<vmem>>) offsets(%dma_start3A_166 : memref<128xi32, #tpu.memory_space<vmem>>) semaphore(%arg10 : memref<!tpu.dma_semaphore, #tpu.memory_space<semaphore_mem>>)
      %dma_wait3A_170 = arith.constant 0 : i32
      %dma_wait3A_171 = arith.constant 0 : i32
      %dma_wait3A_172 = arith.constant 0 : i32
      %dma_wait3A_173 = arith.constant 0 : i32
      %dma_wait3A_174 = tpu.memref_slice %arg6[%dma_wait3A_171, %dma_wait3A_172, %dma_wait3A_173] : memref<4x128x128xf32, #tpu.memory_space<vmem>> -> memref<1x128x128xf32, #tpu.memory_space<vmem>>
      %dma_wait3A_175 = tpu.memref_squeeze %dma_wait3A_174 : memref<1x128x128xf32, #tpu.memory_space<vmem>> -> memref<128x128xf32, #tpu.memory_space<vmem>>
      %dma_wait3A_176 = arith.constant 0 : i32
      %dma_wait3A_177 = tpu.memref_slice %arg5[%dma_wait3A_170, %dma_wait3A_176] : memref<4x128xi32, #tpu.memory_space<vmem>> -> memref<1x128xi32, #tpu.memory_space<vmem>>
      %dma_wait3A_178 = tpu.memref_squeeze %dma_wait3A_177 : memref<1x128xi32, #tpu.memory_space<vmem>> -> memref<128xi32, #tpu.memory_space<vmem>>
      %dma_wait3A_179 = arith.constant 0 : i32
      %dma_wait3A_180 = arith.constant 0 : i32
      %dma_wait3A_181 = tpu.memref_slice %arg2[%dma_wait3A_179, %dma_wait3A_180] : memref<16384x128xf32, #tpu.memory_space<hbm>> -> memref<16384x128xf32, #tpu.memory_space<hbm>>
      tpu.wait_indirect_dma semaphore(%arg7 : memref<!tpu.dma_semaphore, #tpu.memory_space<semaphore_mem>>) src(%dma_wait3A_181 : memref<16384x128xf32, #tpu.memory_space<hbm>>) dst(%dma_wait3A_175 : memref<128x128xf32, #tpu.memory_space<vmem>>)
      %add3A_182 = arith.constant 0 : i32
      %add3A_183 = arith.addi %add3A_11, %add3A_182 : i32
      %mul3A_184 = arith.constant 128 : i32
      %mul3A_185 = arith.muli %add3A_183, %mul3A_184 : i32
      %dma_start3A_186 = arith.constant 0 : i32
      %dma_start3A_187 = arith.constant 0 : i32
      %dma_start3A_188 = arith.constant 0 : i32
      %dma_start3A_189 = tpu.memref_slice %arg6[%dma_start3A_186, %dma_start3A_187, %dma_start3A_188] : memref<4x128x128xf32, #tpu.memory_space<vmem>> -> memref<1x128x128xf32, #tpu.memory_space<vmem>>
      %dma_start3A_190 = tpu.memref_squeeze %dma_start3A_189 : memref<1x128x128xf32, #tpu.memory_space<vmem>> -> memref<128x128xf32, #tpu.memory_space<vmem>>
      %dma_start3A_191 = arith.constant 0 : i32
      %dma_start3A_192 = tpu.memref_slice %arg4[%mul3A_185, %dma_start3A_191] : memref<262144x128xf32, #tpu.memory_space<hbm>> -> memref<128x128xf32, #tpu.memory_space<hbm>>
      %dma_start3A_193 = arith.constant 0 : i32
      %dma_start3A_194 = tpu.memref_slice %arg4[%mul3A_185, %dma_start3A_193] : memref<262144x128xf32, #tpu.memory_space<hbm>> -> memref<128x128xf32, #tpu.memory_space<hbm>>
      %dma_start3A_195 = arith.constant 0 : i32
      %dma_start3A_196 = arith.constant 0 : i32
      %dma_start3A_197 = tpu.memref_slice %arg6[%dma_start3A_186, %dma_start3A_195, %dma_start3A_196] : memref<4x128x128xf32, #tpu.memory_space<vmem>> -> memref<1x128x128xf32, #tpu.memory_space<vmem>>
      %dma_start3A_198 = tpu.memref_squeeze %dma_start3A_197 : memref<1x128x128xf32, #tpu.memory_space<vmem>> -> memref<128x128xf32, #tpu.memory_space<vmem>>
      tpu.enqueue_dma source(%dma_start3A_198 : memref<128x128xf32, #tpu.memory_space<vmem>>) target(%dma_start3A_194 : memref<128x128xf32, #tpu.memory_space<hbm>>) target_semaphore(%arg7 : memref<!tpu.dma_semaphore, #tpu.memory_space<semaphore_mem>>)
      %dma_wait3A_199 = arith.constant 1 : i32
      %dma_wait3A_200 = arith.constant 1 : i32
      %dma_wait3A_201 = arith.constant 0 : i32
      %dma_wait3A_202 = arith.constant 0 : i32
      %dma_wait3A_203 = tpu.memref_slice %arg6[%dma_wait3A_200, %dma_wait3A_201, %dma_wait3A_202] : memref<4x128x128xf32, #tpu.memory_space<vmem>> -> memref<1x128x128xf32, #tpu.memory_space<vmem>>
      %dma_wait3A_204 = tpu.memref_squeeze %dma_wait3A_203 : memref<1x128x128xf32, #tpu.memory_space<vmem>> -> memref<128x128xf32, #tpu.memory_space<vmem>>
      %dma_wait3A_205 = arith.constant 0 : i32
      %dma_wait3A_206 = tpu.memref_slice %arg5[%dma_wait3A_199, %dma_wait3A_205] : memref<4x128xi32, #tpu.memory_space<vmem>> -> memref<1x128xi32, #tpu.memory_space<vmem>>
      %dma_wait3A_207 = tpu.memref_squeeze %dma_wait3A_206 : memref<1x128xi32, #tpu.memory_space<vmem>> -> memref<128xi32, #tpu.memory_space<vmem>>
      %dma_wait3A_208 = arith.constant 0 : i32
      %dma_wait3A_209 = arith.constant 0 : i32
      %dma_wait3A_210 = tpu.memref_slice %arg2[%dma_wait3A_208, %dma_wait3A_209] : memref<16384x128xf32, #tpu.memory_space<hbm>> -> memref<16384x128xf32, #tpu.memory_space<hbm>>
      tpu.wait_indirect_dma semaphore(%arg8 : memref<!tpu.dma_semaphore, #tpu.memory_space<semaphore_mem>>) src(%dma_wait3A_210 : memref<16384x128xf32, #tpu.memory_space<hbm>>) dst(%dma_wait3A_204 : memref<128x128xf32, #tpu.memory_space<vmem>>)
      %add3A_211 = arith.constant 1 : i32
      %add3A_212 = arith.addi %add3A_11, %add3A_211 : i32
      %mul3A_213 = arith.constant 128 : i32
      %mul3A_214 = arith.muli %add3A_212, %mul3A_213 : i32
      %dma_start3A_215 = arith.constant 1 : i32
      %dma_start3A_216 = arith.constant 0 : i32
      %dma_start3A_217 = arith.constant 0 : i32
      %dma_start3A_218 = tpu.memref_slice %arg6[%dma_start3A_215, %dma_start3A_216, %dma_start3A_217] : memref<4x128x128xf32, #tpu.memory_space<vmem>> -> memref<1x128x128xf32, #tpu.memory_space<vmem>>
      %dma_start3A_219 = tpu.memref_squeeze %dma_start3A_218 : memref<1x128x128xf32, #tpu.memory_space<vmem>> -> memref<128x128xf32, #tpu.memory_space<vmem>>
      %dma_start3A_220 = arith.constant 0 : i32
      %dma_start3A_221 = tpu.memref_slice %arg4[%mul3A_214, %dma_start3A_220] : memref<262144x128xf32, #tpu.memory_space<hbm>> -> memref<128x128xf32, #tpu.memory_space<hbm>>
      %dma_start3A_222 = arith.constant 0 : i32
      %dma_start3A_223 = tpu.memref_slice %arg4[%mul3A_214, %dma_start3A_222] : memref<262144x128xf32, #tpu.memory_space<hbm>> -> memref<128x128xf32, #tpu.memory_space<hbm>>
      %dma_start3A_224 = arith.constant 0 : i32
      %dma_start3A_225 = arith.constant 0 : i32
      %dma_start3A_226 = tpu.memref_slice %arg6[%dma_start3A_215, %dma_start3A_224, %dma_start3A_225] : memref<4x128x128xf32, #tpu.memory_space<vmem>> -> memref<1x128x128xf32, #tpu.memory_space<vmem>>
      %dma_start3A_227 = tpu.memref_squeeze %dma_start3A_226 : memref<1x128x128xf32, #tpu.memory_space<vmem>> -> memref<128x128xf32, #tpu.memory_space<vmem>>
      tpu.enqueue_dma source(%dma_start3A_227 : memref<128x128xf32, #tpu.memory_space<vmem>>) target(%dma_start3A_223 : memref<128x128xf32, #tpu.memory_space<hbm>>) target_semaphore(%arg8 : memref<!tpu.dma_semaphore, #tpu.memory_space<semaphore_mem>>)
      %dma_wait3A_228 = arith.constant 2 : i32
      %dma_wait3A_229 = arith.constant 2 : i32
      %dma_wait3A_230 = arith.constant 0 : i32
      %dma_wait3A_231 = arith.constant 0 : i32
      %dma_wait3A_232 = tpu.memref_slice %arg6[%dma_wait3A_229, %dma_wait3A_230, %dma_wait3A_231] : memref<4x128x128xf32, #tpu.memory_space<vmem>> -> memref<1x128x128xf32, #tpu.memory_space<vmem>>
      %dma_wait3A_233 = tpu.memref_squeeze %dma_wait3A_232 : memref<1x128x128xf32, #tpu.memory_space<vmem>> -> memref<128x128xf32, #tpu.memory_space<vmem>>
      %dma_wait3A_234 = arith.constant 0 : i32
      %dma_wait3A_235 = tpu.memref_slice %arg5[%dma_wait3A_228, %dma_wait3A_234] : memref<4x128xi32, #tpu.memory_space<vmem>> -> memref<1x128xi32, #tpu.memory_space<vmem>>
      %dma_wait3A_236 = tpu.memref_squeeze %dma_wait3A_235 : memref<1x128xi32, #tpu.memory_space<vmem>> -> memref<128xi32, #tpu.memory_space<vmem>>
      %dma_wait3A_237 = arith.constant 0 : i32
      %dma_wait3A_238 = arith.constant 0 : i32
      %dma_wait3A_239 = tpu.memref_slice %arg2[%dma_wait3A_237, %dma_wait3A_238] : memref<16384x128xf32, #tpu.memory_space<hbm>> -> memref<16384x128xf32, #tpu.memory_space<hbm>>
      tpu.wait_indirect_dma semaphore(%arg9 : memref<!tpu.dma_semaphore, #tpu.memory_space<semaphore_mem>>) src(%dma_wait3A_239 : memref<16384x128xf32, #tpu.memory_space<hbm>>) dst(%dma_wait3A_233 : memref<128x128xf32, #tpu.memory_space<vmem>>)
      %add3A_240 = arith.constant 2 : i32
      %add3A_241 = arith.addi %add3A_11, %add3A_240 : i32
      %mul3A_242 = arith.constant 128 : i32
      %mul3A_243 = arith.muli %add3A_241, %mul3A_242 : i32
      %dma_start3A_244 = arith.constant 2 : i32
      %dma_start3A_245 = arith.constant 0 : i32
      %dma_start3A_246 = arith.constant 0 : i32
      %dma_start3A_247 = tpu.memref_slice %arg6[%dma_start3A_244, %dma_start3A_245, %dma_start3A_246] : memref<4x128x128xf32, #tpu.memory_space<vmem>> -> memref<1x128x128xf32, #tpu.memory_space<vmem>>
      %dma_start3A_248 = tpu.memref_squeeze %dma_start3A_247 : memref<1x128x128xf32, #tpu.memory_space<vmem>> -> memref<128x128xf32, #tpu.memory_space<vmem>>
      %dma_start3A_249 = arith.constant 0 : i32
      %dma_start3A_250 = tpu.memref_slice %arg4[%mul3A_243, %dma_start3A_249] : memref<262144x128xf32, #tpu.memory_space<hbm>> -> memref<128x128xf32, #tpu.memory_space<hbm>>
      %dma_start3A_251 = arith.constant 0 : i32
      %dma_start3A_252 = tpu.memref_slice %arg4[%mul3A_243, %dma_start3A_251] : memref<262144x128xf32, #tpu.memory_space<hbm>> -> memref<128x128xf32, #tpu.memory_space<hbm>>
      %dma_start3A_253 = arith.constant 0 : i32
      %dma_start3A_254 = arith.constant 0 : i32
      %dma_start3A_255 = tpu.memref_slice %arg6[%dma_start3A_244, %dma_start3A_253, %dma_start3A_254] : memref<4x128x128xf32, #tpu.memory_space<vmem>> -> memref<1x128x128xf32, #tpu.memory_space<vmem>>
      %dma_start3A_256 = tpu.memref_squeeze %dma_start3A_255 : memref<1x128x128xf32, #tpu.memory_space<vmem>> -> memref<128x128xf32, #tpu.memory_space<vmem>>
      tpu.enqueue_dma source(%dma_start3A_256 : memref<128x128xf32, #tpu.memory_space<vmem>>) target(%dma_start3A_252 : memref<128x128xf32, #tpu.memory_space<hbm>>) target_semaphore(%arg9 : memref<!tpu.dma_semaphore, #tpu.memory_space<semaphore_mem>>)
      %dma_wait3A_257 = arith.constant 3 : i32
      %dma_wait3A_258 = arith.constant 3 : i32
      %dma_wait3A_259 = arith.constant 0 : i32
      %dma_wait3A_260 = arith.constant 0 : i32
      %dma_wait3A_261 = tpu.memref_slice %arg6[%dma_wait3A_258, %dma_wait3A_259, %dma_wait3A_260] : memref<4x128x128xf32, #tpu.memory_space<vmem>> -> memref<1x128x128xf32, #tpu.memory_space<vmem>>
      %dma_wait3A_262 = tpu.memref_squeeze %dma_wait3A_261 : memref<1x128x128xf32, #tpu.memory_space<vmem>> -> memref<128x128xf32, #tpu.memory_space<vmem>>
      %dma_wait3A_263 = arith.constant 0 : i32
      %dma_wait3A_264 = tpu.memref_slice %arg5[%dma_wait3A_257, %dma_wait3A_263] : memref<4x128xi32, #tpu.memory_space<vmem>> -> memref<1x128xi32, #tpu.memory_space<vmem>>
      %dma_wait3A_265 = tpu.memref_squeeze %dma_wait3A_264 : memref<1x128xi32, #tpu.memory_space<vmem>> -> memref<128xi32, #tpu.memory_space<vmem>>
      %dma_wait3A_266 = arith.constant 0 : i32
      %dma_wait3A_267 = arith.constant 0 : i32
      %dma_wait3A_268 = tpu.memref_slice %arg2[%dma_wait3A_266, %dma_wait3A_267] : memref<16384x128xf32, #tpu.memory_space<hbm>> -> memref<16384x128xf32, #tpu.memory_space<hbm>>
      tpu.wait_indirect_dma semaphore(%arg10 : memref<!tpu.dma_semaphore, #tpu.memory_space<semaphore_mem>>) src(%dma_wait3A_268 : memref<16384x128xf32, #tpu.memory_space<hbm>>) dst(%dma_wait3A_262 : memref<128x128xf32, #tpu.memory_space<vmem>>)
      %add3A_269 = arith.constant 3 : i32
      %add3A_270 = arith.addi %add3A_11, %add3A_269 : i32
      %mul3A_271 = arith.constant 128 : i32
      %mul3A_272 = arith.muli %add3A_270, %mul3A_271 : i32
      %dma_start3A_273 = arith.constant 3 : i32
      %dma_start3A_274 = arith.constant 0 : i32
      %dma_start3A_275 = arith.constant 0 : i32
      %dma_start3A_276 = tpu.memref_slice %arg6[%dma_start3A_273, %dma_start3A_274, %dma_start3A_275] : memref<4x128x128xf32, #tpu.memory_space<vmem>> -> memref<1x128x128xf32, #tpu.memory_space<vmem>>
      %dma_start3A_277 = tpu.memref_squeeze %dma_start3A_276 : memref<1x128x128xf32, #tpu.memory_space<vmem>> -> memref<128x128xf32, #tpu.memory_space<vmem>>
      %dma_start3A_278 = arith.constant 0 : i32
      %dma_start3A_279 = tpu.memref_slice %arg4[%mul3A_272, %dma_start3A_278] : memref<262144x128xf32, #tpu.memory_space<hbm>> -> memref<128x128xf32, #tpu.memory_space<hbm>>
      %dma_start3A_280 = arith.constant 0 : i32
      %dma_start3A_281 = tpu.memref_slice %arg4[%mul3A_272, %dma_start3A_280] : memref<262144x128xf32, #tpu.memory_space<hbm>> -> memref<128x128xf32, #tpu.memory_space<hbm>>
      %dma_start3A_282 = arith.constant 0 : i32
      %dma_start3A_283 = arith.constant 0 : i32
      %dma_start3A_284 = tpu.memref_slice %arg6[%dma_start3A_273, %dma_start3A_282, %dma_start3A_283] : memref<4x128x128xf32, #tpu.memory_space<vmem>> -> memref<1x128x128xf32, #tpu.memory_space<vmem>>
      %dma_start3A_285 = tpu.memref_squeeze %dma_start3A_284 : memref<1x128x128xf32, #tpu.memory_space<vmem>> -> memref<128x128xf32, #tpu.memory_space<vmem>>
      tpu.enqueue_dma source(%dma_start3A_285 : memref<128x128xf32, #tpu.memory_space<vmem>>) target(%dma_start3A_281 : memref<128x128xf32, #tpu.memory_space<hbm>>) target_semaphore(%arg10 : memref<!tpu.dma_semaphore, #tpu.memory_space<semaphore_mem>>)
      %dma_wait3A_286 = arith.constant 0 : i32
      %dma_wait3A_287 = arith.constant 0 : i32
      %dma_wait3A_288 = arith.constant 0 : i32
      %dma_wait3A_289 = tpu.memref_slice %arg6[%dma_wait3A_286, %dma_wait3A_287, %dma_wait3A_288] : memref<4x128x128xf32, #tpu.memory_space<vmem>> -> memref<1x128x128xf32, #tpu.memory_space<vmem>>
      %dma_wait3A_290 = tpu.memref_squeeze %dma_wait3A_289 : memref<1x128x128xf32, #tpu.memory_space<vmem>> -> memref<128x128xf32, #tpu.memory_space<vmem>>
      %dma_wait3A_291 = arith.constant 0 : i32
      %dma_wait3A_292 = tpu.memref_slice %arg4[%mul3A_185, %dma_wait3A_291] : memref<262144x128xf32, #tpu.memory_space<hbm>> -> memref<128x128xf32, #tpu.memory_space<hbm>>
      %dma_wait3A_293 = arith.constant 0 : i32
      %dma_wait3A_294 = tpu.memref_slice %arg4[%mul3A_185, %dma_wait3A_293] : memref<262144x128xf32, #tpu.memory_space<hbm>> -> memref<128x128xf32, #tpu.memory_space<hbm>>
      %dma_wait3A_295 = arith.constant 0 : i32
      %dma_wait3A_296 = arith.constant 0 : i32
      %dma_wait3A_297 = tpu.memref_slice %arg6[%dma_wait3A_286, %dma_wait3A_295, %dma_wait3A_296] : memref<4x128x128xf32, #tpu.memory_space<vmem>> -> memref<1x128x128xf32, #tpu.memory_space<vmem>>
      %dma_wait3A_298 = tpu.memref_squeeze %dma_wait3A_297 : memref<1x128x128xf32, #tpu.memory_space<vmem>> -> memref<128x128xf32, #tpu.memory_space<vmem>>
      tpu.wait_dma2 semaphore(%arg7 : memref<!tpu.dma_semaphore, #tpu.memory_space<semaphore_mem>>) src(%dma_wait3A_298 : memref<128x128xf32, #tpu.memory_space<vmem>>) dst(%dma_wait3A_294 : memref<128x128xf32, #tpu.memory_space<hbm>>)
      %dma_wait3A_299 = arith.constant 1 : i32
      %dma_wait3A_300 = arith.constant 0 : i32
      %dma_wait3A_301 = arith.constant 0 : i32
      %dma_wait3A_302 = tpu.memref_slice %arg6[%dma_wait3A_299, %dma_wait3A_300, %dma_wait3A_301] : memref<4x128x128xf32, #tpu.memory_space<vmem>> -> memref<1x128x128xf32, #tpu.memory_space<vmem>>
      %dma_wait3A_303 = tpu.memref_squeeze %dma_wait3A_302 : memref<1x128x128xf32, #tpu.memory_space<vmem>> -> memref<128x128xf32, #tpu.memory_space<vmem>>
      %dma_wait3A_304 = arith.constant 0 : i32
      %dma_wait3A_305 = tpu.memref_slice %arg4[%mul3A_214, %dma_wait3A_304] : memref<262144x128xf32, #tpu.memory_space<hbm>> -> memref<128x128xf32, #tpu.memory_space<hbm>>
      %dma_wait3A_306 = arith.constant 0 : i32
      %dma_wait3A_307 = tpu.memref_slice %arg4[%mul3A_214, %dma_wait3A_306] : memref<262144x128xf32, #tpu.memory_space<hbm>> -> memref<128x128xf32, #tpu.memory_space<hbm>>
      %dma_wait3A_308 = arith.constant 0 : i32
      %dma_wait3A_309 = arith.constant 0 : i32
      %dma_wait3A_310 = tpu.memref_slice %arg6[%dma_wait3A_299, %dma_wait3A_308, %dma_wait3A_309] : memref<4x128x128xf32, #tpu.memory_space<vmem>> -> memref<1x128x128xf32, #tpu.memory_space<vmem>>
      %dma_wait3A_311 = tpu.memref_squeeze %dma_wait3A_310 : memref<1x128x128xf32, #tpu.memory_space<vmem>> -> memref<128x128xf32, #tpu.memory_space<vmem>>
      tpu.wait_dma2 semaphore(%arg8 : memref<!tpu.dma_semaphore, #tpu.memory_space<semaphore_mem>>) src(%dma_wait3A_311 : memref<128x128xf32, #tpu.memory_space<vmem>>) dst(%dma_wait3A_307 : memref<128x128xf32, #tpu.memory_space<hbm>>)
      %dma_wait3A_312 = arith.constant 2 : i32
      %dma_wait3A_313 = arith.constant 0 : i32
      %dma_wait3A_314 = arith.constant 0 : i32
      %dma_wait3A_315 = tpu.memref_slice %arg6[%dma_wait3A_312, %dma_wait3A_313, %dma_wait3A_314] : memref<4x128x128xf32, #tpu.memory_space<vmem>> -> memref<1x128x128xf32, #tpu.memory_space<vmem>>
      %dma_wait3A_316 = tpu.memref_squeeze %dma_wait3A_315 : memref<1x128x128xf32, #tpu.memory_space<vmem>> -> memref<128x128xf32, #tpu.memory_space<vmem>>
      %dma_wait3A_317 = arith.constant 0 : i32
      %dma_wait3A_318 = tpu.memref_slice %arg4[%mul3A_243, %dma_wait3A_317] : memref<262144x128xf32, #tpu.memory_space<hbm>> -> memref<128x128xf32, #tpu.memory_space<hbm>>
      %dma_wait3A_319 = arith.constant 0 : i32
      %dma_wait3A_320 = tpu.memref_slice %arg4[%mul3A_243, %dma_wait3A_319] : memref<262144x128xf32, #tpu.memory_space<hbm>> -> memref<128x128xf32, #tpu.memory_space<hbm>>
      %dma_wait3A_321 = arith.constant 0 : i32
      %dma_wait3A_322 = arith.constant 0 : i32
      %dma_wait3A_323 = tpu.memref_slice %arg6[%dma_wait3A_312, %dma_wait3A_321, %dma_wait3A_322] : memref<4x128x128xf32, #tpu.memory_space<vmem>> -> memref<1x128x128xf32, #tpu.memory_space<vmem>>
      %dma_wait3A_324 = tpu.memref_squeeze %dma_wait3A_323 : memref<1x128x128xf32, #tpu.memory_space<vmem>> -> memref<128x128xf32, #tpu.memory_space<vmem>>
      tpu.wait_dma2 semaphore(%arg9 : memref<!tpu.dma_semaphore, #tpu.memory_space<semaphore_mem>>) src(%dma_wait3A_324 : memref<128x128xf32, #tpu.memory_space<vmem>>) dst(%dma_wait3A_320 : memref<128x128xf32, #tpu.memory_space<hbm>>)
      %dma_wait3A_325 = arith.constant 3 : i32
      %dma_wait3A_326 = arith.constant 0 : i32
      %dma_wait3A_327 = arith.constant 0 : i32
      %dma_wait3A_328 = tpu.memref_slice %arg6[%dma_wait3A_325, %dma_wait3A_326, %dma_wait3A_327] : memref<4x128x128xf32, #tpu.memory_space<vmem>> -> memref<1x128x128xf32, #tpu.memory_space<vmem>>
      %dma_wait3A_329 = tpu.memref_squeeze %dma_wait3A_328 : memref<1x128x128xf32, #tpu.memory_space<vmem>> -> memref<128x128xf32, #tpu.memory_space<vmem>>
      %dma_wait3A_330 = arith.constant 0 : i32
      %dma_wait3A_331 = tpu.memref_slice %arg4[%mul3A_272, %dma_wait3A_330] : memref<262144x128xf32, #tpu.memory_space<hbm>> -> memref<128x128xf32, #tpu.memory_space<hbm>>
      %dma_wait3A_332 = arith.constant 0 : i32
      %dma_wait3A_333 = tpu.memref_slice %arg4[%mul3A_272, %dma_wait3A_332] : memref<262144x128xf32, #tpu.memory_space<hbm>> -> memref<128x128xf32, #tpu.memory_space<hbm>>
      %dma_wait3A_334 = arith.constant 0 : i32
      %dma_wait3A_335 = arith.constant 0 : i32
      %dma_wait3A_336 = tpu.memref_slice %arg6[%dma_wait3A_325, %dma_wait3A_334, %dma_wait3A_335] : memref<4x128x128xf32, #tpu.memory_space<vmem>> -> memref<1x128x128xf32, #tpu.memory_space<vmem>>
      %dma_wait3A_337 = tpu.memref_squeeze %dma_wait3A_336 : memref<1x128x128xf32, #tpu.memory_space<vmem>> -> memref<128x128xf32, #tpu.memory_space<vmem>>
      tpu.wait_dma2 semaphore(%arg10 : memref<!tpu.dma_semaphore, #tpu.memory_space<semaphore_mem>>) src(%dma_wait3A_337 : memref<128x128xf32, #tpu.memory_space<vmem>>) dst(%dma_wait3A_333 : memref<128x128xf32, #tpu.memory_space<hbm>>)
    }
    %scan3A_5 = arith.constant 16 : i32
    return
  }
}

module attributes {stable_mosaic.version = 14 : i64} {
  func.func @_knn_body(%arg0: i32, %arg1: i32, %arg2: memref<1x128x3xf32, #tpu.memory_space<vmem>>, %arg3: memref<1x3x2048xf32, #tpu.memory_space<vmem>>, %arg4: memref<1x16x128xi32, #tpu.memory_space<vmem>>) attributes {dimension_semantics = [#tpu.dimension_semantics<arbitrary>, #tpu.dimension_semantics<arbitrary>], iteration_bounds = array<i64: 8, 16>, scalar_prefetch = 0 : i64, scratch_operands = 0 : i64, tpu.core_type = #tpu.core_type<tc>, window_params = [{transform_indices = @transform_0, window_bounds = array<i64: 1, 128, 3>}, {transform_indices = @transform_1, window_bounds = array<i64: 1, 3, 2048>}, {transform_indices = @transform_2, window_bounds = array<i64: 1, 16, 128>}]} {
    %get3A = arith.constant 0 : index
    %get3A_0 = arith.constant 0 : index
    %get3A_1 = arith.constant 0 : index
    %get3A_2 = vector.load %arg2[%get3A, %get3A_0, %get3A_1] : memref<1x128x3xf32, #tpu.memory_space<vmem>>, vector<1x128x3xf32>
    %get3A_3 = vector.shape_cast %get3A_2 : vector<1x128x3xf32> to vector<128x3xf32>
    %get3A_4 = arith.constant 0 : index
    %get3A_5 = arith.constant 0 : index
    %get3A_6 = arith.constant 0 : index
    %get3A_7 = vector.load %arg3[%get3A_4, %get3A_5, %get3A_6] : memref<1x3x2048xf32, #tpu.memory_space<vmem>>, vector<1x3x2048xf32>
    %get3A_8 = vector.shape_cast %get3A_7 : vector<1x3x2048xf32> to vector<3x2048xf32>
    %dot_general3A = arith.constant dense<0.000000e+00> : vector<128x2048xf32>
    %dot_general3A_9 = tpu.matmul %get3A_3, %get3A_8, %dot_general3A {dimension_numbers = #tpu.dot_dimension_numbers<[1], [0], [0], [1], [0, 0, 1, 1], [], []>, precision = #tpu.contract_precision<fp32>, transpose_lhs_hint = false} : vector<128x3xf32>, vector<3x2048xf32>, vector<128x2048xf32> -> vector<128x2048xf32>
    %mul3A = arith.mulf %get3A_3, %get3A_3 : vector<128x3xf32>
    %reduce_sum3A = arith.constant dense<0.000000e+00> : vector<128xf32>
    %reduce_sum3A_10 = vector.multi_reduction <add>, %mul3A, %reduce_sum3A [1] : vector<128x3xf32> to vector<128xf32>
    %broadcast_in_dim3A = vector.shape_cast %reduce_sum3A_10 : vector<128xf32> to vector<128x1xf32>
    %mul3A_11 = arith.mulf %get3A_8, %get3A_8 : vector<3x2048xf32>
    %reduce_sum3A_12 = arith.constant dense<0.000000e+00> : vector<2048xf32>
    %reduce_sum3A_13 = vector.multi_reduction <add>, %mul3A_11, %reduce_sum3A_12 [0] : vector<3x2048xf32> to vector<2048xf32>
    %broadcast_in_dim3A_14 = vector.shape_cast %reduce_sum3A_13 : vector<2048xf32> to vector<1x2048xf32>
    %mul3A_15 = arith.constant 2.000000e+00 : f32
    %mul3A_16 = vector.broadcast %mul3A_15 : f32 to vector<128x2048xf32>
    %mul3A_17 = arith.mulf %mul3A_16, %dot_general3A_9 : vector<128x2048xf32>
    %sub3A = vector.broadcast %broadcast_in_dim3A : vector<128x1xf32> to vector<128x2048xf32>
    %sub3A_18 = arith.subf %sub3A, %mul3A_17 : vector<128x2048xf32>
    %add3A = vector.broadcast %broadcast_in_dim3A_14 : vector<1x2048xf32> to vector<128x2048xf32>
    %add3A_19 = arith.addf %sub3A_18, %add3A : vector<128x2048xf32>
    %max3A = arith.constant 0.000000e+00 : f32
    %max3A_20 = vector.broadcast %max3A : f32 to vector<128x2048xf32>
    %max3A_21 = arith.maximumf %add3A_19, %max3A_20 : vector<128x2048xf32>
    %iota3A = tpu.iota {dimensions = array<i32: 1>} : vector<128x2048xi32>
    %convert_element_type3A = arith.sitofp %iota3A : vector<128x2048xi32> to vector<128x2048xf32>
    %bitcast_convert_type3A = tpu.bitcast %max3A_21 : vector<128x2048xf32> -> vector<128x2048xi32>
    %shift_right_arithmetic3A = arith.constant 3 : i32
    %shift_right_arithmetic3A_22 = vector.broadcast %shift_right_arithmetic3A : i32 to vector<128x2048xi32>
    %shift_right_arithmetic3A_23 = arith.shrsi %bitcast_convert_type3A, %shift_right_arithmetic3A_22 : vector<128x2048xi32>
    %and3A = arith.constant -16 : i32
    %and3A_24 = vector.broadcast %and3A : i32 to vector<128x2048xi32>
    %and3A_25 = arith.andi %shift_right_arithmetic3A_23, %and3A_24 : vector<128x2048xi32>
    %shift_right_arithmetic3A_26 = arith.constant 7 : i32
    %shift_right_arithmetic3A_27 = vector.broadcast %shift_right_arithmetic3A_26 : i32 to vector<128x2048xi32>
    %shift_right_arithmetic3A_28 = arith.shrsi %iota3A, %shift_right_arithmetic3A_27 : vector<128x2048xi32>
    %or3A = arith.ori %and3A_25, %shift_right_arithmetic3A_28 : vector<128x2048xi32>
    %bitcast_convert_type3A_29 = tpu.bitcast %or3A : vector<128x2048xi32> -> vector<128x2048xf32>
    %iota3A_30 = tpu.iota {dimensions = array<i32: 1>} : vector<128x128xi32>
    %convert_element_type3A_31 = arith.sitofp %iota3A_30 : vector<128x128xi32> to vector<128x128xf32>
    %slice3A = vector.extract_strided_slice %bitcast_convert_type3A_29 {offsets = [0, 0], sizes = [128, 128], strides = [1, 1]} : vector<128x2048xf32> to vector<128x128xf32>
    %slice3A_32 = vector.extract_strided_slice %bitcast_convert_type3A_29 {offsets = [0, 128], sizes = [128, 128], strides = [1, 1]} : vector<128x2048xf32> to vector<128x128xf32>
    %min3A = arith.minimumf %slice3A, %slice3A_32 : vector<128x128xf32>
    %slice3A_33 = vector.extract_strided_slice %bitcast_convert_type3A_29 {offsets = [0, 256], sizes = [128, 128], strides = [1, 1]} : vector<128x2048xf32> to vector<128x128xf32>
    %min3A_34 = arith.minimumf %min3A, %slice3A_33 : vector<128x128xf32>
    %slice3A_35 = vector.extract_strided_slice %bitcast_convert_type3A_29 {offsets = [0, 384], sizes = [128, 128], strides = [1, 1]} : vector<128x2048xf32> to vector<128x128xf32>
    %min3A_36 = arith.minimumf %min3A_34, %slice3A_35 : vector<128x128xf32>
    %slice3A_37 = vector.extract_strided_slice %bitcast_convert_type3A_29 {offsets = [0, 512], sizes = [128, 128], strides = [1, 1]} : vector<128x2048xf32> to vector<128x128xf32>
    %min3A_38 = arith.minimumf %min3A_36, %slice3A_37 : vector<128x128xf32>
    %slice3A_39 = vector.extract_strided_slice %bitcast_convert_type3A_29 {offsets = [0, 640], sizes = [128, 128], strides = [1, 1]} : vector<128x2048xf32> to vector<128x128xf32>
    %min3A_40 = arith.minimumf %min3A_38, %slice3A_39 : vector<128x128xf32>
    %slice3A_41 = vector.extract_strided_slice %bitcast_convert_type3A_29 {offsets = [0, 768], sizes = [128, 128], strides = [1, 1]} : vector<128x2048xf32> to vector<128x128xf32>
    %min3A_42 = arith.minimumf %min3A_40, %slice3A_41 : vector<128x128xf32>
    %slice3A_43 = vector.extract_strided_slice %bitcast_convert_type3A_29 {offsets = [0, 896], sizes = [128, 128], strides = [1, 1]} : vector<128x2048xf32> to vector<128x128xf32>
    %min3A_44 = arith.minimumf %min3A_42, %slice3A_43 : vector<128x128xf32>
    %slice3A_45 = vector.extract_strided_slice %bitcast_convert_type3A_29 {offsets = [0, 1024], sizes = [128, 128], strides = [1, 1]} : vector<128x2048xf32> to vector<128x128xf32>
    %min3A_46 = arith.minimumf %min3A_44, %slice3A_45 : vector<128x128xf32>
    %slice3A_47 = vector.extract_strided_slice %bitcast_convert_type3A_29 {offsets = [0, 1152], sizes = [128, 128], strides = [1, 1]} : vector<128x2048xf32> to vector<128x128xf32>
    %min3A_48 = arith.minimumf %min3A_46, %slice3A_47 : vector<128x128xf32>
    %slice3A_49 = vector.extract_strided_slice %bitcast_convert_type3A_29 {offsets = [0, 1280], sizes = [128, 128], strides = [1, 1]} : vector<128x2048xf32> to vector<128x128xf32>
    %min3A_50 = arith.minimumf %min3A_48, %slice3A_49 : vector<128x128xf32>
    %slice3A_51 = vector.extract_strided_slice %bitcast_convert_type3A_29 {offsets = [0, 1408], sizes = [128, 128], strides = [1, 1]} : vector<128x2048xf32> to vector<128x128xf32>
    %min3A_52 = arith.minimumf %min3A_50, %slice3A_51 : vector<128x128xf32>
    %slice3A_53 = vector.extract_strided_slice %bitcast_convert_type3A_29 {offsets = [0, 1536], sizes = [128, 128], strides = [1, 1]} : vector<128x2048xf32> to vector<128x128xf32>
    %min3A_54 = arith.minimumf %min3A_52, %slice3A_53 : vector<128x128xf32>
    %slice3A_55 = vector.extract_strided_slice %bitcast_convert_type3A_29 {offsets = [0, 1664], sizes = [128, 128], strides = [1, 1]} : vector<128x2048xf32> to vector<128x128xf32>
    %min3A_56 = arith.minimumf %min3A_54, %slice3A_55 : vector<128x128xf32>
    %slice3A_57 = vector.extract_strided_slice %bitcast_convert_type3A_29 {offsets = [0, 1792], sizes = [128, 128], strides = [1, 1]} : vector<128x2048xf32> to vector<128x128xf32>
    %min3A_58 = arith.minimumf %min3A_56, %slice3A_57 : vector<128x128xf32>
    %slice3A_59 = vector.extract_strided_slice %bitcast_convert_type3A_29 {offsets = [0, 1920], sizes = [128, 128], strides = [1, 1]} : vector<128x2048xf32> to vector<128x128xf32>
    %min3A_60 = arith.minimumf %min3A_58, %slice3A_59 : vector<128x128xf32>
    %reduce_min3A = arith.constant dense<0x7F800000> : vector<128xf32>
    %reduce_min3A_61 = vector.multi_reduction <minimumf>, %min3A_60, %reduce_min3A [1] : vector<128x128xf32> to vector<128xf32>
    %broadcast_in_dim3A_62 = vector.shape_cast %reduce_min3A_61 : vector<128xf32> to vector<128x1xf32>
    %eq3A = vector.broadcast %broadcast_in_dim3A_62 : vector<128x1xf32> to vector<128x128xf32>
    %eq3A_63 = arith.cmpf oeq, %min3A_60, %eq3A : vector<128x128xf32>
    %jit3A = arith.constant 1.280000e+02 : f32
    %broadcast_in_dim3A_64 = vector.broadcast %jit3A : f32 to vector<128x128xf32>
    %select_n3A = arith.select %eq3A_63, %convert_element_type3A_31, %broadcast_in_dim3A_64 : vector<128x128xi1>, vector<128x128xf32>
    %reduce_min3A_65 = arith.constant dense<0x7F800000> : vector<128xf32>
    %reduce_min3A_66 = vector.multi_reduction <minimumf>, %select_n3A, %reduce_min3A_65 [1] : vector<128x128xf32> to vector<128xf32>
    %broadcast_in_dim3A_67 = vector.shape_cast %reduce_min3A_66 : vector<128xf32> to vector<128x1xf32>
    %bitcast_convert_type3A_68 = tpu.bitcast %broadcast_in_dim3A_62 : vector<128x1xf32> -> vector<128x1xi32>
    %and3A_69 = arith.constant 15 : i32
    %and3A_70 = vector.broadcast %and3A_69 : i32 to vector<128x1xi32>
    %and3A_71 = arith.andi %bitcast_convert_type3A_68, %and3A_70 : vector<128x1xi32>
    %convert_element_type3A_72 = arith.sitofp %and3A_71 : vector<128x1xi32> to vector<128x1xf32>
    %mul3A_73 = arith.constant 1.280000e+02 : f32
    %mul3A_74 = vector.broadcast %mul3A_73 : f32 to vector<128x1xf32>
    %mul3A_75 = arith.mulf %convert_element_type3A_72, %mul3A_74 : vector<128x1xf32>
    %add3A_76 = arith.addf %mul3A_75, %broadcast_in_dim3A_67 : vector<128x1xf32>
    %and3A_77 = arith.constant -16 : i32
    %and3A_78 = vector.broadcast %and3A_77 : i32 to vector<128x1xi32>
    %and3A_79 = arith.andi %bitcast_convert_type3A_68, %and3A_78 : vector<128x1xi32>
    %shift_left3A = arith.constant 3 : i32
    %shift_left3A_80 = vector.broadcast %shift_left3A : i32 to vector<128x1xi32>
    %shift_left3A_81 = arith.shli %and3A_79, %shift_left3A_80 : vector<128x1xi32>
    %bitcast_convert_type3A_82 = tpu.bitcast %shift_left3A_81 : vector<128x1xi32> -> vector<128x1xf32>
    %eq3A_83 = vector.broadcast %add3A_76 : vector<128x1xf32> to vector<128x2048xf32>
    %eq3A_84 = arith.cmpf oeq, %convert_element_type3A, %eq3A_83 : vector<128x2048xf32>
    %jit3A_85 = arith.constant 0x7F800000 : f32
    %broadcast_in_dim3A_86 = vector.broadcast %jit3A_85 : f32 to vector<128x2048xf32>
    %select_n3A_87 = arith.select %eq3A_84, %broadcast_in_dim3A_86, %bitcast_convert_type3A_29 : vector<128x2048xi1>, vector<128x2048xf32>
    %slice3A_88 = vector.extract_strided_slice %select_n3A_87 {offsets = [0, 0], sizes = [128, 128], strides = [1, 1]} : vector<128x2048xf32> to vector<128x128xf32>
    %slice3A_89 = vector.extract_strided_slice %select_n3A_87 {offsets = [0, 128], sizes = [128, 128], strides = [1, 1]} : vector<128x2048xf32> to vector<128x128xf32>
    %min3A_90 = arith.minimumf %slice3A_88, %slice3A_89 : vector<128x128xf32>
    %slice3A_91 = vector.extract_strided_slice %select_n3A_87 {offsets = [0, 256], sizes = [128, 128], strides = [1, 1]} : vector<128x2048xf32> to vector<128x128xf32>
    %min3A_92 = arith.minimumf %min3A_90, %slice3A_91 : vector<128x128xf32>
    %slice3A_93 = vector.extract_strided_slice %select_n3A_87 {offsets = [0, 384], sizes = [128, 128], strides = [1, 1]} : vector<128x2048xf32> to vector<128x128xf32>
    %min3A_94 = arith.minimumf %min3A_92, %slice3A_93 : vector<128x128xf32>
    %slice3A_95 = vector.extract_strided_slice %select_n3A_87 {offsets = [0, 512], sizes = [128, 128], strides = [1, 1]} : vector<128x2048xf32> to vector<128x128xf32>
    %min3A_96 = arith.minimumf %min3A_94, %slice3A_95 : vector<128x128xf32>
    %slice3A_97 = vector.extract_strided_slice %select_n3A_87 {offsets = [0, 640], sizes = [128, 128], strides = [1, 1]} : vector<128x2048xf32> to vector<128x128xf32>
    %min3A_98 = arith.minimumf %min3A_96, %slice3A_97 : vector<128x128xf32>
    %slice3A_99 = vector.extract_strided_slice %select_n3A_87 {offsets = [0, 768], sizes = [128, 128], strides = [1, 1]} : vector<128x2048xf32> to vector<128x128xf32>
    %min3A_100 = arith.minimumf %min3A_98, %slice3A_99 : vector<128x128xf32>
    %slice3A_101 = vector.extract_strided_slice %select_n3A_87 {offsets = [0, 896], sizes = [128, 128], strides = [1, 1]} : vector<128x2048xf32> to vector<128x128xf32>
    %min3A_102 = arith.minimumf %min3A_100, %slice3A_101 : vector<128x128xf32>
    %slice3A_103 = vector.extract_strided_slice %select_n3A_87 {offsets = [0, 1024], sizes = [128, 128], strides = [1, 1]} : vector<128x2048xf32> to vector<128x128xf32>
    %min3A_104 = arith.minimumf %min3A_102, %slice3A_103 : vector<128x128xf32>
    %slice3A_105 = vector.extract_strided_slice %select_n3A_87 {offsets = [0, 1152], sizes = [128, 128], strides = [1, 1]} : vector<128x2048xf32> to vector<128x128xf32>
    %min3A_106 = arith.minimumf %min3A_104, %slice3A_105 : vector<128x128xf32>
    %slice3A_107 = vector.extract_strided_slice %select_n3A_87 {offsets = [0, 1280], sizes = [128, 128], strides = [1, 1]} : vector<128x2048xf32> to vector<128x128xf32>
    %min3A_108 = arith.minimumf %min3A_106, %slice3A_107 : vector<128x128xf32>
    %slice3A_109 = vector.extract_strided_slice %select_n3A_87 {offsets = [0, 1408], sizes = [128, 128], strides = [1, 1]} : vector<128x2048xf32> to vector<128x128xf32>
    %min3A_110 = arith.minimumf %min3A_108, %slice3A_109 : vector<128x128xf32>
    %slice3A_111 = vector.extract_strided_slice %select_n3A_87 {offsets = [0, 1536], sizes = [128, 128], strides = [1, 1]} : vector<128x2048xf32> to vector<128x128xf32>
    %min3A_112 = arith.minimumf %min3A_110, %slice3A_111 : vector<128x128xf32>
    %slice3A_113 = vector.extract_strided_slice %select_n3A_87 {offsets = [0, 1664], sizes = [128, 128], strides = [1, 1]} : vector<128x2048xf32> to vector<128x128xf32>
    %min3A_114 = arith.minimumf %min3A_112, %slice3A_113 : vector<128x128xf32>
    %slice3A_115 = vector.extract_strided_slice %select_n3A_87 {offsets = [0, 1792], sizes = [128, 128], strides = [1, 1]} : vector<128x2048xf32> to vector<128x128xf32>
    %min3A_116 = arith.minimumf %min3A_114, %slice3A_115 : vector<128x128xf32>
    %slice3A_117 = vector.extract_strided_slice %select_n3A_87 {offsets = [0, 1920], sizes = [128, 128], strides = [1, 1]} : vector<128x2048xf32> to vector<128x128xf32>
    %min3A_118 = arith.minimumf %min3A_116, %slice3A_117 : vector<128x128xf32>
    %reduce_min3A_119 = arith.constant dense<0x7F800000> : vector<128xf32>
    %reduce_min3A_120 = vector.multi_reduction <minimumf>, %min3A_118, %reduce_min3A_119 [1] : vector<128x128xf32> to vector<128xf32>
    %broadcast_in_dim3A_121 = vector.shape_cast %reduce_min3A_120 : vector<128xf32> to vector<128x1xf32>
    %eq3A_122 = vector.broadcast %broadcast_in_dim3A_121 : vector<128x1xf32> to vector<128x128xf32>
    %eq3A_123 = arith.cmpf oeq, %min3A_118, %eq3A_122 : vector<128x128xf32>
    %jit3A_124 = arith.constant 1.280000e+02 : f32
    %broadcast_in_dim3A_125 = vector.broadcast %jit3A_124 : f32 to vector<128x128xf32>
    %select_n3A_126 = arith.select %eq3A_123, %convert_element_type3A_31, %broadcast_in_dim3A_125 : vector<128x128xi1>, vector<128x128xf32>
    %reduce_min3A_127 = arith.constant dense<0x7F800000> : vector<128xf32>
    %reduce_min3A_128 = vector.multi_reduction <minimumf>, %select_n3A_126, %reduce_min3A_127 [1] : vector<128x128xf32> to vector<128xf32>
    %broadcast_in_dim3A_129 = vector.shape_cast %reduce_min3A_128 : vector<128xf32> to vector<128x1xf32>
    %bitcast_convert_type3A_130 = tpu.bitcast %broadcast_in_dim3A_121 : vector<128x1xf32> -> vector<128x1xi32>
    %and3A_131 = arith.constant 15 : i32
    %and3A_132 = vector.broadcast %and3A_131 : i32 to vector<128x1xi32>
    %and3A_133 = arith.andi %bitcast_convert_type3A_130, %and3A_132 : vector<128x1xi32>
    %convert_element_type3A_134 = arith.sitofp %and3A_133 : vector<128x1xi32> to vector<128x1xf32>
    %mul3A_135 = arith.constant 1.280000e+02 : f32
    %mul3A_136 = vector.broadcast %mul3A_135 : f32 to vector<128x1xf32>
    %mul3A_137 = arith.mulf %convert_element_type3A_134, %mul3A_136 : vector<128x1xf32>
    %add3A_138 = arith.addf %mul3A_137, %broadcast_in_dim3A_129 : vector<128x1xf32>
    %and3A_139 = arith.constant -16 : i32
    %and3A_140 = vector.broadcast %and3A_139 : i32 to vector<128x1xi32>
    %and3A_141 = arith.andi %bitcast_convert_type3A_130, %and3A_140 : vector<128x1xi32>
    %shift_left3A_142 = arith.constant 3 : i32
    %shift_left3A_143 = vector.broadcast %shift_left3A_142 : i32 to vector<128x1xi32>
    %shift_left3A_144 = arith.shli %and3A_141, %shift_left3A_143 : vector<128x1xi32>
    %bitcast_convert_type3A_145 = tpu.bitcast %shift_left3A_144 : vector<128x1xi32> -> vector<128x1xf32>
    %eq3A_146 = vector.broadcast %add3A_138 : vector<128x1xf32> to vector<128x2048xf32>
    %eq3A_147 = arith.cmpf oeq, %convert_element_type3A, %eq3A_146 : vector<128x2048xf32>
    %jit3A_148 = arith.constant 0x7F800000 : f32
    %broadcast_in_dim3A_149 = vector.broadcast %jit3A_148 : f32 to vector<128x2048xf32>
    %select_n3A_150 = arith.select %eq3A_147, %broadcast_in_dim3A_149, %select_n3A_87 : vector<128x2048xi1>, vector<128x2048xf32>
    %slice3A_151 = vector.extract_strided_slice %select_n3A_150 {offsets = [0, 0], sizes = [128, 128], strides = [1, 1]} : vector<128x2048xf32> to vector<128x128xf32>
    %slice3A_152 = vector.extract_strided_slice %select_n3A_150 {offsets = [0, 128], sizes = [128, 128], strides = [1, 1]} : vector<128x2048xf32> to vector<128x128xf32>
    %min3A_153 = arith.minimumf %slice3A_151, %slice3A_152 : vector<128x128xf32>
    %slice3A_154 = vector.extract_strided_slice %select_n3A_150 {offsets = [0, 256], sizes = [128, 128], strides = [1, 1]} : vector<128x2048xf32> to vector<128x128xf32>
    %min3A_155 = arith.minimumf %min3A_153, %slice3A_154 : vector<128x128xf32>
    %slice3A_156 = vector.extract_strided_slice %select_n3A_150 {offsets = [0, 384], sizes = [128, 128], strides = [1, 1]} : vector<128x2048xf32> to vector<128x128xf32>
    %min3A_157 = arith.minimumf %min3A_155, %slice3A_156 : vector<128x128xf32>
    %slice3A_158 = vector.extract_strided_slice %select_n3A_150 {offsets = [0, 512], sizes = [128, 128], strides = [1, 1]} : vector<128x2048xf32> to vector<128x128xf32>
    %min3A_159 = arith.minimumf %min3A_157, %slice3A_158 : vector<128x128xf32>
    %slice3A_160 = vector.extract_strided_slice %select_n3A_150 {offsets = [0, 640], sizes = [128, 128], strides = [1, 1]} : vector<128x2048xf32> to vector<128x128xf32>
    %min3A_161 = arith.minimumf %min3A_159, %slice3A_160 : vector<128x128xf32>
    %slice3A_162 = vector.extract_strided_slice %select_n3A_150 {offsets = [0, 768], sizes = [128, 128], strides = [1, 1]} : vector<128x2048xf32> to vector<128x128xf32>
    %min3A_163 = arith.minimumf %min3A_161, %slice3A_162 : vector<128x128xf32>
    %slice3A_164 = vector.extract_strided_slice %select_n3A_150 {offsets = [0, 896], sizes = [128, 128], strides = [1, 1]} : vector<128x2048xf32> to vector<128x128xf32>
    %min3A_165 = arith.minimumf %min3A_163, %slice3A_164 : vector<128x128xf32>
    %slice3A_166 = vector.extract_strided_slice %select_n3A_150 {offsets = [0, 1024], sizes = [128, 128], strides = [1, 1]} : vector<128x2048xf32> to vector<128x128xf32>
    %min3A_167 = arith.minimumf %min3A_165, %slice3A_166 : vector<128x128xf32>
    %slice3A_168 = vector.extract_strided_slice %select_n3A_150 {offsets = [0, 1152], sizes = [128, 128], strides = [1, 1]} : vector<128x2048xf32> to vector<128x128xf32>
    %min3A_169 = arith.minimumf %min3A_167, %slice3A_168 : vector<128x128xf32>
    %slice3A_170 = vector.extract_strided_slice %select_n3A_150 {offsets = [0, 1280], sizes = [128, 128], strides = [1, 1]} : vector<128x2048xf32> to vector<128x128xf32>
    %min3A_171 = arith.minimumf %min3A_169, %slice3A_170 : vector<128x128xf32>
    %slice3A_172 = vector.extract_strided_slice %select_n3A_150 {offsets = [0, 1408], sizes = [128, 128], strides = [1, 1]} : vector<128x2048xf32> to vector<128x128xf32>
    %min3A_173 = arith.minimumf %min3A_171, %slice3A_172 : vector<128x128xf32>
    %slice3A_174 = vector.extract_strided_slice %select_n3A_150 {offsets = [0, 1536], sizes = [128, 128], strides = [1, 1]} : vector<128x2048xf32> to vector<128x128xf32>
    %min3A_175 = arith.minimumf %min3A_173, %slice3A_174 : vector<128x128xf32>
    %slice3A_176 = vector.extract_strided_slice %select_n3A_150 {offsets = [0, 1664], sizes = [128, 128], strides = [1, 1]} : vector<128x2048xf32> to vector<128x128xf32>
    %min3A_177 = arith.minimumf %min3A_175, %slice3A_176 : vector<128x128xf32>
    %slice3A_178 = vector.extract_strided_slice %select_n3A_150 {offsets = [0, 1792], sizes = [128, 128], strides = [1, 1]} : vector<128x2048xf32> to vector<128x128xf32>
    %min3A_179 = arith.minimumf %min3A_177, %slice3A_178 : vector<128x128xf32>
    %slice3A_180 = vector.extract_strided_slice %select_n3A_150 {offsets = [0, 1920], sizes = [128, 128], strides = [1, 1]} : vector<128x2048xf32> to vector<128x128xf32>
    %min3A_181 = arith.minimumf %min3A_179, %slice3A_180 : vector<128x128xf32>
    %reduce_min3A_182 = arith.constant dense<0x7F800000> : vector<128xf32>
    %reduce_min3A_183 = vector.multi_reduction <minimumf>, %min3A_181, %reduce_min3A_182 [1] : vector<128x128xf32> to vector<128xf32>
    %broadcast_in_dim3A_184 = vector.shape_cast %reduce_min3A_183 : vector<128xf32> to vector<128x1xf32>
    %eq3A_185 = vector.broadcast %broadcast_in_dim3A_184 : vector<128x1xf32> to vector<128x128xf32>
    %eq3A_186 = arith.cmpf oeq, %min3A_181, %eq3A_185 : vector<128x128xf32>
    %jit3A_187 = arith.constant 1.280000e+02 : f32
    %broadcast_in_dim3A_188 = vector.broadcast %jit3A_187 : f32 to vector<128x128xf32>
    %select_n3A_189 = arith.select %eq3A_186, %convert_element_type3A_31, %broadcast_in_dim3A_188 : vector<128x128xi1>, vector<128x128xf32>
    %reduce_min3A_190 = arith.constant dense<0x7F800000> : vector<128xf32>
    %reduce_min3A_191 = vector.multi_reduction <minimumf>, %select_n3A_189, %reduce_min3A_190 [1] : vector<128x128xf32> to vector<128xf32>
    %broadcast_in_dim3A_192 = vector.shape_cast %reduce_min3A_191 : vector<128xf32> to vector<128x1xf32>
    %bitcast_convert_type3A_193 = tpu.bitcast %broadcast_in_dim3A_184 : vector<128x1xf32> -> vector<128x1xi32>
    %and3A_194 = arith.constant 15 : i32
    %and3A_195 = vector.broadcast %and3A_194 : i32 to vector<128x1xi32>
    %and3A_196 = arith.andi %bitcast_convert_type3A_193, %and3A_195 : vector<128x1xi32>
    %convert_element_type3A_197 = arith.sitofp %and3A_196 : vector<128x1xi32> to vector<128x1xf32>
    %mul3A_198 = arith.constant 1.280000e+02 : f32
    %mul3A_199 = vector.broadcast %mul3A_198 : f32 to vector<128x1xf32>
    %mul3A_200 = arith.mulf %convert_element_type3A_197, %mul3A_199 : vector<128x1xf32>
    %add3A_201 = arith.addf %mul3A_200, %broadcast_in_dim3A_192 : vector<128x1xf32>
    %and3A_202 = arith.constant -16 : i32
    %and3A_203 = vector.broadcast %and3A_202 : i32 to vector<128x1xi32>
    %and3A_204 = arith.andi %bitcast_convert_type3A_193, %and3A_203 : vector<128x1xi32>
    %shift_left3A_205 = arith.constant 3 : i32
    %shift_left3A_206 = vector.broadcast %shift_left3A_205 : i32 to vector<128x1xi32>
    %shift_left3A_207 = arith.shli %and3A_204, %shift_left3A_206 : vector<128x1xi32>
    %bitcast_convert_type3A_208 = tpu.bitcast %shift_left3A_207 : vector<128x1xi32> -> vector<128x1xf32>
    %eq3A_209 = vector.broadcast %add3A_201 : vector<128x1xf32> to vector<128x2048xf32>
    %eq3A_210 = arith.cmpf oeq, %convert_element_type3A, %eq3A_209 : vector<128x2048xf32>
    %jit3A_211 = arith.constant 0x7F800000 : f32
    %broadcast_in_dim3A_212 = vector.broadcast %jit3A_211 : f32 to vector<128x2048xf32>
    %select_n3A_213 = arith.select %eq3A_210, %broadcast_in_dim3A_212, %select_n3A_150 : vector<128x2048xi1>, vector<128x2048xf32>
    %slice3A_214 = vector.extract_strided_slice %select_n3A_213 {offsets = [0, 0], sizes = [128, 128], strides = [1, 1]} : vector<128x2048xf32> to vector<128x128xf32>
    %slice3A_215 = vector.extract_strided_slice %select_n3A_213 {offsets = [0, 128], sizes = [128, 128], strides = [1, 1]} : vector<128x2048xf32> to vector<128x128xf32>
    %min3A_216 = arith.minimumf %slice3A_214, %slice3A_215 : vector<128x128xf32>
    %slice3A_217 = vector.extract_strided_slice %select_n3A_213 {offsets = [0, 256], sizes = [128, 128], strides = [1, 1]} : vector<128x2048xf32> to vector<128x128xf32>
    %min3A_218 = arith.minimumf %min3A_216, %slice3A_217 : vector<128x128xf32>
    %slice3A_219 = vector.extract_strided_slice %select_n3A_213 {offsets = [0, 384], sizes = [128, 128], strides = [1, 1]} : vector<128x2048xf32> to vector<128x128xf32>
    %min3A_220 = arith.minimumf %min3A_218, %slice3A_219 : vector<128x128xf32>
    %slice3A_221 = vector.extract_strided_slice %select_n3A_213 {offsets = [0, 512], sizes = [128, 128], strides = [1, 1]} : vector<128x2048xf32> to vector<128x128xf32>
    %min3A_222 = arith.minimumf %min3A_220, %slice3A_221 : vector<128x128xf32>
    %slice3A_223 = vector.extract_strided_slice %select_n3A_213 {offsets = [0, 640], sizes = [128, 128], strides = [1, 1]} : vector<128x2048xf32> to vector<128x128xf32>
    %min3A_224 = arith.minimumf %min3A_222, %slice3A_223 : vector<128x128xf32>
    %slice3A_225 = vector.extract_strided_slice %select_n3A_213 {offsets = [0, 768], sizes = [128, 128], strides = [1, 1]} : vector<128x2048xf32> to vector<128x128xf32>
    %min3A_226 = arith.minimumf %min3A_224, %slice3A_225 : vector<128x128xf32>
    %slice3A_227 = vector.extract_strided_slice %select_n3A_213 {offsets = [0, 896], sizes = [128, 128], strides = [1, 1]} : vector<128x2048xf32> to vector<128x128xf32>
    %min3A_228 = arith.minimumf %min3A_226, %slice3A_227 : vector<128x128xf32>
    %slice3A_229 = vector.extract_strided_slice %select_n3A_213 {offsets = [0, 1024], sizes = [128, 128], strides = [1, 1]} : vector<128x2048xf32> to vector<128x128xf32>
    %min3A_230 = arith.minimumf %min3A_228, %slice3A_229 : vector<128x128xf32>
    %slice3A_231 = vector.extract_strided_slice %select_n3A_213 {offsets = [0, 1152], sizes = [128, 128], strides = [1, 1]} : vector<128x2048xf32> to vector<128x128xf32>
    %min3A_232 = arith.minimumf %min3A_230, %slice3A_231 : vector<128x128xf32>
    %slice3A_233 = vector.extract_strided_slice %select_n3A_213 {offsets = [0, 1280], sizes = [128, 128], strides = [1, 1]} : vector<128x2048xf32> to vector<128x128xf32>
    %min3A_234 = arith.minimumf %min3A_232, %slice3A_233 : vector<128x128xf32>
    %slice3A_235 = vector.extract_strided_slice %select_n3A_213 {offsets = [0, 1408], sizes = [128, 128], strides = [1, 1]} : vector<128x2048xf32> to vector<128x128xf32>
    %min3A_236 = arith.minimumf %min3A_234, %slice3A_235 : vector<128x128xf32>
    %slice3A_237 = vector.extract_strided_slice %select_n3A_213 {offsets = [0, 1536], sizes = [128, 128], strides = [1, 1]} : vector<128x2048xf32> to vector<128x128xf32>
    %min3A_238 = arith.minimumf %min3A_236, %slice3A_237 : vector<128x128xf32>
    %slice3A_239 = vector.extract_strided_slice %select_n3A_213 {offsets = [0, 1664], sizes = [128, 128], strides = [1, 1]} : vector<128x2048xf32> to vector<128x128xf32>
    %min3A_240 = arith.minimumf %min3A_238, %slice3A_239 : vector<128x128xf32>
    %slice3A_241 = vector.extract_strided_slice %select_n3A_213 {offsets = [0, 1792], sizes = [128, 128], strides = [1, 1]} : vector<128x2048xf32> to vector<128x128xf32>
    %min3A_242 = arith.minimumf %min3A_240, %slice3A_241 : vector<128x128xf32>
    %slice3A_243 = vector.extract_strided_slice %select_n3A_213 {offsets = [0, 1920], sizes = [128, 128], strides = [1, 1]} : vector<128x2048xf32> to vector<128x128xf32>
    %min3A_244 = arith.minimumf %min3A_242, %slice3A_243 : vector<128x128xf32>
    %reduce_min3A_245 = arith.constant dense<0x7F800000> : vector<128xf32>
    %reduce_min3A_246 = vector.multi_reduction <minimumf>, %min3A_244, %reduce_min3A_245 [1] : vector<128x128xf32> to vector<128xf32>
    %broadcast_in_dim3A_247 = vector.shape_cast %reduce_min3A_246 : vector<128xf32> to vector<128x1xf32>
    %eq3A_248 = vector.broadcast %broadcast_in_dim3A_247 : vector<128x1xf32> to vector<128x128xf32>
    %eq3A_249 = arith.cmpf oeq, %min3A_244, %eq3A_248 : vector<128x128xf32>
    %jit3A_250 = arith.constant 1.280000e+02 : f32
    %broadcast_in_dim3A_251 = vector.broadcast %jit3A_250 : f32 to vector<128x128xf32>
    %select_n3A_252 = arith.select %eq3A_249, %convert_element_type3A_31, %broadcast_in_dim3A_251 : vector<128x128xi1>, vector<128x128xf32>
    %reduce_min3A_253 = arith.constant dense<0x7F800000> : vector<128xf32>
    %reduce_min3A_254 = vector.multi_reduction <minimumf>, %select_n3A_252, %reduce_min3A_253 [1] : vector<128x128xf32> to vector<128xf32>
    %broadcast_in_dim3A_255 = vector.shape_cast %reduce_min3A_254 : vector<128xf32> to vector<128x1xf32>
    %bitcast_convert_type3A_256 = tpu.bitcast %broadcast_in_dim3A_247 : vector<128x1xf32> -> vector<128x1xi32>
    %and3A_257 = arith.constant 15 : i32
    %and3A_258 = vector.broadcast %and3A_257 : i32 to vector<128x1xi32>
    %and3A_259 = arith.andi %bitcast_convert_type3A_256, %and3A_258 : vector<128x1xi32>
    %convert_element_type3A_260 = arith.sitofp %and3A_259 : vector<128x1xi32> to vector<128x1xf32>
    %mul3A_261 = arith.constant 1.280000e+02 : f32
    %mul3A_262 = vector.broadcast %mul3A_261 : f32 to vector<128x1xf32>
    %mul3A_263 = arith.mulf %convert_element_type3A_260, %mul3A_262 : vector<128x1xf32>
    %add3A_264 = arith.addf %mul3A_263, %broadcast_in_dim3A_255 : vector<128x1xf32>
    %and3A_265 = arith.constant -16 : i32
    %and3A_266 = vector.broadcast %and3A_265 : i32 to vector<128x1xi32>
    %and3A_267 = arith.andi %bitcast_convert_type3A_256, %and3A_266 : vector<128x1xi32>
    %shift_left3A_268 = arith.constant 3 : i32
    %shift_left3A_269 = vector.broadcast %shift_left3A_268 : i32 to vector<128x1xi32>
    %shift_left3A_270 = arith.shli %and3A_267, %shift_left3A_269 : vector<128x1xi32>
    %bitcast_convert_type3A_271 = tpu.bitcast %shift_left3A_270 : vector<128x1xi32> -> vector<128x1xf32>
    %eq3A_272 = vector.broadcast %add3A_264 : vector<128x1xf32> to vector<128x2048xf32>
    %eq3A_273 = arith.cmpf oeq, %convert_element_type3A, %eq3A_272 : vector<128x2048xf32>
    %jit3A_274 = arith.constant 0x7F800000 : f32
    %broadcast_in_dim3A_275 = vector.broadcast %jit3A_274 : f32 to vector<128x2048xf32>
    %select_n3A_276 = arith.select %eq3A_273, %broadcast_in_dim3A_275, %select_n3A_213 : vector<128x2048xi1>, vector<128x2048xf32>
    %slice3A_277 = vector.extract_strided_slice %select_n3A_276 {offsets = [0, 0], sizes = [128, 128], strides = [1, 1]} : vector<128x2048xf32> to vector<128x128xf32>
    %slice3A_278 = vector.extract_strided_slice %select_n3A_276 {offsets = [0, 128], sizes = [128, 128], strides = [1, 1]} : vector<128x2048xf32> to vector<128x128xf32>
    %min3A_279 = arith.minimumf %slice3A_277, %slice3A_278 : vector<128x128xf32>
    %slice3A_280 = vector.extract_strided_slice %select_n3A_276 {offsets = [0, 256], sizes = [128, 128], strides = [1, 1]} : vector<128x2048xf32> to vector<128x128xf32>
    %min3A_281 = arith.minimumf %min3A_279, %slice3A_280 : vector<128x128xf32>
    %slice3A_282 = vector.extract_strided_slice %select_n3A_276 {offsets = [0, 384], sizes = [128, 128], strides = [1, 1]} : vector<128x2048xf32> to vector<128x128xf32>
    %min3A_283 = arith.minimumf %min3A_281, %slice3A_282 : vector<128x128xf32>
    %slice3A_284 = vector.extract_strided_slice %select_n3A_276 {offsets = [0, 512], sizes = [128, 128], strides = [1, 1]} : vector<128x2048xf32> to vector<128x128xf32>
    %min3A_285 = arith.minimumf %min3A_283, %slice3A_284 : vector<128x128xf32>
    %slice3A_286 = vector.extract_strided_slice %select_n3A_276 {offsets = [0, 640], sizes = [128, 128], strides = [1, 1]} : vector<128x2048xf32> to vector<128x128xf32>
    %min3A_287 = arith.minimumf %min3A_285, %slice3A_286 : vector<128x128xf32>
    %slice3A_288 = vector.extract_strided_slice %select_n3A_276 {offsets = [0, 768], sizes = [128, 128], strides = [1, 1]} : vector<128x2048xf32> to vector<128x128xf32>
    %min3A_289 = arith.minimumf %min3A_287, %slice3A_288 : vector<128x128xf32>
    %slice3A_290 = vector.extract_strided_slice %select_n3A_276 {offsets = [0, 896], sizes = [128, 128], strides = [1, 1]} : vector<128x2048xf32> to vector<128x128xf32>
    %min3A_291 = arith.minimumf %min3A_289, %slice3A_290 : vector<128x128xf32>
    %slice3A_292 = vector.extract_strided_slice %select_n3A_276 {offsets = [0, 1024], sizes = [128, 128], strides = [1, 1]} : vector<128x2048xf32> to vector<128x128xf32>
    %min3A_293 = arith.minimumf %min3A_291, %slice3A_292 : vector<128x128xf32>
    %slice3A_294 = vector.extract_strided_slice %select_n3A_276 {offsets = [0, 1152], sizes = [128, 128], strides = [1, 1]} : vector<128x2048xf32> to vector<128x128xf32>
    %min3A_295 = arith.minimumf %min3A_293, %slice3A_294 : vector<128x128xf32>
    %slice3A_296 = vector.extract_strided_slice %select_n3A_276 {offsets = [0, 1280], sizes = [128, 128], strides = [1, 1]} : vector<128x2048xf32> to vector<128x128xf32>
    %min3A_297 = arith.minimumf %min3A_295, %slice3A_296 : vector<128x128xf32>
    %slice3A_298 = vector.extract_strided_slice %select_n3A_276 {offsets = [0, 1408], sizes = [128, 128], strides = [1, 1]} : vector<128x2048xf32> to vector<128x128xf32>
    %min3A_299 = arith.minimumf %min3A_297, %slice3A_298 : vector<128x128xf32>
    %slice3A_300 = vector.extract_strided_slice %select_n3A_276 {offsets = [0, 1536], sizes = [128, 128], strides = [1, 1]} : vector<128x2048xf32> to vector<128x128xf32>
    %min3A_301 = arith.minimumf %min3A_299, %slice3A_300 : vector<128x128xf32>
    %slice3A_302 = vector.extract_strided_slice %select_n3A_276 {offsets = [0, 1664], sizes = [128, 128], strides = [1, 1]} : vector<128x2048xf32> to vector<128x128xf32>
    %min3A_303 = arith.minimumf %min3A_301, %slice3A_302 : vector<128x128xf32>
    %slice3A_304 = vector.extract_strided_slice %select_n3A_276 {offsets = [0, 1792], sizes = [128, 128], strides = [1, 1]} : vector<128x2048xf32> to vector<128x128xf32>
    %min3A_305 = arith.minimumf %min3A_303, %slice3A_304 : vector<128x128xf32>
    %slice3A_306 = vector.extract_strided_slice %select_n3A_276 {offsets = [0, 1920], sizes = [128, 128], strides = [1, 1]} : vector<128x2048xf32> to vector<128x128xf32>
    %min3A_307 = arith.minimumf %min3A_305, %slice3A_306 : vector<128x128xf32>
    %reduce_min3A_308 = arith.constant dense<0x7F800000> : vector<128xf32>
    %reduce_min3A_309 = vector.multi_reduction <minimumf>, %min3A_307, %reduce_min3A_308 [1] : vector<128x128xf32> to vector<128xf32>
    %broadcast_in_dim3A_310 = vector.shape_cast %reduce_min3A_309 : vector<128xf32> to vector<128x1xf32>
    %eq3A_311 = vector.broadcast %broadcast_in_dim3A_310 : vector<128x1xf32> to vector<128x128xf32>
    %eq3A_312 = arith.cmpf oeq, %min3A_307, %eq3A_311 : vector<128x128xf32>
    %jit3A_313 = arith.constant 1.280000e+02 : f32
    %broadcast_in_dim3A_314 = vector.broadcast %jit3A_313 : f32 to vector<128x128xf32>
    %select_n3A_315 = arith.select %eq3A_312, %convert_element_type3A_31, %broadcast_in_dim3A_314 : vector<128x128xi1>, vector<128x128xf32>
    %reduce_min3A_316 = arith.constant dense<0x7F800000> : vector<128xf32>
    %reduce_min3A_317 = vector.multi_reduction <minimumf>, %select_n3A_315, %reduce_min3A_316 [1] : vector<128x128xf32> to vector<128xf32>
    %broadcast_in_dim3A_318 = vector.shape_cast %reduce_min3A_317 : vector<128xf32> to vector<128x1xf32>
    %bitcast_convert_type3A_319 = tpu.bitcast %broadcast_in_dim3A_310 : vector<128x1xf32> -> vector<128x1xi32>
    %and3A_320 = arith.constant 15 : i32
    %and3A_321 = vector.broadcast %and3A_320 : i32 to vector<128x1xi32>
    %and3A_322 = arith.andi %bitcast_convert_type3A_319, %and3A_321 : vector<128x1xi32>
    %convert_element_type3A_323 = arith.sitofp %and3A_322 : vector<128x1xi32> to vector<128x1xf32>
    %mul3A_324 = arith.constant 1.280000e+02 : f32
    %mul3A_325 = vector.broadcast %mul3A_324 : f32 to vector<128x1xf32>
    %mul3A_326 = arith.mulf %convert_element_type3A_323, %mul3A_325 : vector<128x1xf32>
    %add3A_327 = arith.addf %mul3A_326, %broadcast_in_dim3A_318 : vector<128x1xf32>
    %and3A_328 = arith.constant -16 : i32
    %and3A_329 = vector.broadcast %and3A_328 : i32 to vector<128x1xi32>
    %and3A_330 = arith.andi %bitcast_convert_type3A_319, %and3A_329 : vector<128x1xi32>
    %shift_left3A_331 = arith.constant 3 : i32
    %shift_left3A_332 = vector.broadcast %shift_left3A_331 : i32 to vector<128x1xi32>
    %shift_left3A_333 = arith.shli %and3A_330, %shift_left3A_332 : vector<128x1xi32>
    %bitcast_convert_type3A_334 = tpu.bitcast %shift_left3A_333 : vector<128x1xi32> -> vector<128x1xf32>
    %eq3A_335 = vector.broadcast %add3A_327 : vector<128x1xf32> to vector<128x2048xf32>
    %eq3A_336 = arith.cmpf oeq, %convert_element_type3A, %eq3A_335 : vector<128x2048xf32>
    %jit3A_337 = arith.constant 0x7F800000 : f32
    %broadcast_in_dim3A_338 = vector.broadcast %jit3A_337 : f32 to vector<128x2048xf32>
    %select_n3A_339 = arith.select %eq3A_336, %broadcast_in_dim3A_338, %select_n3A_276 : vector<128x2048xi1>, vector<128x2048xf32>
    %slice3A_340 = vector.extract_strided_slice %select_n3A_339 {offsets = [0, 0], sizes = [128, 128], strides = [1, 1]} : vector<128x2048xf32> to vector<128x128xf32>
    %slice3A_341 = vector.extract_strided_slice %select_n3A_339 {offsets = [0, 128], sizes = [128, 128], strides = [1, 1]} : vector<128x2048xf32> to vector<128x128xf32>
    %min3A_342 = arith.minimumf %slice3A_340, %slice3A_341 : vector<128x128xf32>
    %slice3A_343 = vector.extract_strided_slice %select_n3A_339 {offsets = [0, 256], sizes = [128, 128], strides = [1, 1]} : vector<128x2048xf32> to vector<128x128xf32>
    %min3A_344 = arith.minimumf %min3A_342, %slice3A_343 : vector<128x128xf32>
    %slice3A_345 = vector.extract_strided_slice %select_n3A_339 {offsets = [0, 384], sizes = [128, 128], strides = [1, 1]} : vector<128x2048xf32> to vector<128x128xf32>
    %min3A_346 = arith.minimumf %min3A_344, %slice3A_345 : vector<128x128xf32>
    %slice3A_347 = vector.extract_strided_slice %select_n3A_339 {offsets = [0, 512], sizes = [128, 128], strides = [1, 1]} : vector<128x2048xf32> to vector<128x128xf32>
    %min3A_348 = arith.minimumf %min3A_346, %slice3A_347 : vector<128x128xf32>
    %slice3A_349 = vector.extract_strided_slice %select_n3A_339 {offsets = [0, 640], sizes = [128, 128], strides = [1, 1]} : vector<128x2048xf32> to vector<128x128xf32>
    %min3A_350 = arith.minimumf %min3A_348, %slice3A_349 : vector<128x128xf32>
    %slice3A_351 = vector.extract_strided_slice %select_n3A_339 {offsets = [0, 768], sizes = [128, 128], strides = [1, 1]} : vector<128x2048xf32> to vector<128x128xf32>
    %min3A_352 = arith.minimumf %min3A_350, %slice3A_351 : vector<128x128xf32>
    %slice3A_353 = vector.extract_strided_slice %select_n3A_339 {offsets = [0, 896], sizes = [128, 128], strides = [1, 1]} : vector<128x2048xf32> to vector<128x128xf32>
    %min3A_354 = arith.minimumf %min3A_352, %slice3A_353 : vector<128x128xf32>
    %slice3A_355 = vector.extract_strided_slice %select_n3A_339 {offsets = [0, 1024], sizes = [128, 128], strides = [1, 1]} : vector<128x2048xf32> to vector<128x128xf32>
    %min3A_356 = arith.minimumf %min3A_354, %slice3A_355 : vector<128x128xf32>
    %slice3A_357 = vector.extract_strided_slice %select_n3A_339 {offsets = [0, 1152], sizes = [128, 128], strides = [1, 1]} : vector<128x2048xf32> to vector<128x128xf32>
    %min3A_358 = arith.minimumf %min3A_356, %slice3A_357 : vector<128x128xf32>
    %slice3A_359 = vector.extract_strided_slice %select_n3A_339 {offsets = [0, 1280], sizes = [128, 128], strides = [1, 1]} : vector<128x2048xf32> to vector<128x128xf32>
    %min3A_360 = arith.minimumf %min3A_358, %slice3A_359 : vector<128x128xf32>
    %slice3A_361 = vector.extract_strided_slice %select_n3A_339 {offsets = [0, 1408], sizes = [128, 128], strides = [1, 1]} : vector<128x2048xf32> to vector<128x128xf32>
    %min3A_362 = arith.minimumf %min3A_360, %slice3A_361 : vector<128x128xf32>
    %slice3A_363 = vector.extract_strided_slice %select_n3A_339 {offsets = [0, 1536], sizes = [128, 128], strides = [1, 1]} : vector<128x2048xf32> to vector<128x128xf32>
    %min3A_364 = arith.minimumf %min3A_362, %slice3A_363 : vector<128x128xf32>
    %slice3A_365 = vector.extract_strided_slice %select_n3A_339 {offsets = [0, 1664], sizes = [128, 128], strides = [1, 1]} : vector<128x2048xf32> to vector<128x128xf32>
    %min3A_366 = arith.minimumf %min3A_364, %slice3A_365 : vector<128x128xf32>
    %slice3A_367 = vector.extract_strided_slice %select_n3A_339 {offsets = [0, 1792], sizes = [128, 128], strides = [1, 1]} : vector<128x2048xf32> to vector<128x128xf32>
    %min3A_368 = arith.minimumf %min3A_366, %slice3A_367 : vector<128x128xf32>
    %slice3A_369 = vector.extract_strided_slice %select_n3A_339 {offsets = [0, 1920], sizes = [128, 128], strides = [1, 1]} : vector<128x2048xf32> to vector<128x128xf32>
    %min3A_370 = arith.minimumf %min3A_368, %slice3A_369 : vector<128x128xf32>
    %reduce_min3A_371 = arith.constant dense<0x7F800000> : vector<128xf32>
    %reduce_min3A_372 = vector.multi_reduction <minimumf>, %min3A_370, %reduce_min3A_371 [1] : vector<128x128xf32> to vector<128xf32>
    %broadcast_in_dim3A_373 = vector.shape_cast %reduce_min3A_372 : vector<128xf32> to vector<128x1xf32>
    %eq3A_374 = vector.broadcast %broadcast_in_dim3A_373 : vector<128x1xf32> to vector<128x128xf32>
    %eq3A_375 = arith.cmpf oeq, %min3A_370, %eq3A_374 : vector<128x128xf32>
    %jit3A_376 = arith.constant 1.280000e+02 : f32
    %broadcast_in_dim3A_377 = vector.broadcast %jit3A_376 : f32 to vector<128x128xf32>
    %select_n3A_378 = arith.select %eq3A_375, %convert_element_type3A_31, %broadcast_in_dim3A_377 : vector<128x128xi1>, vector<128x128xf32>
    %reduce_min3A_379 = arith.constant dense<0x7F800000> : vector<128xf32>
    %reduce_min3A_380 = vector.multi_reduction <minimumf>, %select_n3A_378, %reduce_min3A_379 [1] : vector<128x128xf32> to vector<128xf32>
    %broadcast_in_dim3A_381 = vector.shape_cast %reduce_min3A_380 : vector<128xf32> to vector<128x1xf32>
    %bitcast_convert_type3A_382 = tpu.bitcast %broadcast_in_dim3A_373 : vector<128x1xf32> -> vector<128x1xi32>
    %and3A_383 = arith.constant 15 : i32
    %and3A_384 = vector.broadcast %and3A_383 : i32 to vector<128x1xi32>
    %and3A_385 = arith.andi %bitcast_convert_type3A_382, %and3A_384 : vector<128x1xi32>
    %convert_element_type3A_386 = arith.sitofp %and3A_385 : vector<128x1xi32> to vector<128x1xf32>
    %mul3A_387 = arith.constant 1.280000e+02 : f32
    %mul3A_388 = vector.broadcast %mul3A_387 : f32 to vector<128x1xf32>
    %mul3A_389 = arith.mulf %convert_element_type3A_386, %mul3A_388 : vector<128x1xf32>
    %add3A_390 = arith.addf %mul3A_389, %broadcast_in_dim3A_381 : vector<128x1xf32>
    %and3A_391 = arith.constant -16 : i32
    %and3A_392 = vector.broadcast %and3A_391 : i32 to vector<128x1xi32>
    %and3A_393 = arith.andi %bitcast_convert_type3A_382, %and3A_392 : vector<128x1xi32>
    %shift_left3A_394 = arith.constant 3 : i32
    %shift_left3A_395 = vector.broadcast %shift_left3A_394 : i32 to vector<128x1xi32>
    %shift_left3A_396 = arith.shli %and3A_393, %shift_left3A_395 : vector<128x1xi32>
    %bitcast_convert_type3A_397 = tpu.bitcast %shift_left3A_396 : vector<128x1xi32> -> vector<128x1xf32>
    %eq3A_398 = vector.broadcast %add3A_390 : vector<128x1xf32> to vector<128x2048xf32>
    %eq3A_399 = arith.cmpf oeq, %convert_element_type3A, %eq3A_398 : vector<128x2048xf32>
    %jit3A_400 = arith.constant 0x7F800000 : f32
    %broadcast_in_dim3A_401 = vector.broadcast %jit3A_400 : f32 to vector<128x2048xf32>
    %select_n3A_402 = arith.select %eq3A_399, %broadcast_in_dim3A_401, %select_n3A_339 : vector<128x2048xi1>, vector<128x2048xf32>
    %slice3A_403 = vector.extract_strided_slice %select_n3A_402 {offsets = [0, 0], sizes = [128, 128], strides = [1, 1]} : vector<128x2048xf32> to vector<128x128xf32>
    %slice3A_404 = vector.extract_strided_slice %select_n3A_402 {offsets = [0, 128], sizes = [128, 128], strides = [1, 1]} : vector<128x2048xf32> to vector<128x128xf32>
    %min3A_405 = arith.minimumf %slice3A_403, %slice3A_404 : vector<128x128xf32>
    %slice3A_406 = vector.extract_strided_slice %select_n3A_402 {offsets = [0, 256], sizes = [128, 128], strides = [1, 1]} : vector<128x2048xf32> to vector<128x128xf32>
    %min3A_407 = arith.minimumf %min3A_405, %slice3A_406 : vector<128x128xf32>
    %slice3A_408 = vector.extract_strided_slice %select_n3A_402 {offsets = [0, 384], sizes = [128, 128], strides = [1, 1]} : vector<128x2048xf32> to vector<128x128xf32>
    %min3A_409 = arith.minimumf %min3A_407, %slice3A_408 : vector<128x128xf32>
    %slice3A_410 = vector.extract_strided_slice %select_n3A_402 {offsets = [0, 512], sizes = [128, 128], strides = [1, 1]} : vector<128x2048xf32> to vector<128x128xf32>
    %min3A_411 = arith.minimumf %min3A_409, %slice3A_410 : vector<128x128xf32>
    %slice3A_412 = vector.extract_strided_slice %select_n3A_402 {offsets = [0, 640], sizes = [128, 128], strides = [1, 1]} : vector<128x2048xf32> to vector<128x128xf32>
    %min3A_413 = arith.minimumf %min3A_411, %slice3A_412 : vector<128x128xf32>
    %slice3A_414 = vector.extract_strided_slice %select_n3A_402 {offsets = [0, 768], sizes = [128, 128], strides = [1, 1]} : vector<128x2048xf32> to vector<128x128xf32>
    %min3A_415 = arith.minimumf %min3A_413, %slice3A_414 : vector<128x128xf32>
    %slice3A_416 = vector.extract_strided_slice %select_n3A_402 {offsets = [0, 896], sizes = [128, 128], strides = [1, 1]} : vector<128x2048xf32> to vector<128x128xf32>
    %min3A_417 = arith.minimumf %min3A_415, %slice3A_416 : vector<128x128xf32>
    %slice3A_418 = vector.extract_strided_slice %select_n3A_402 {offsets = [0, 1024], sizes = [128, 128], strides = [1, 1]} : vector<128x2048xf32> to vector<128x128xf32>
    %min3A_419 = arith.minimumf %min3A_417, %slice3A_418 : vector<128x128xf32>
    %slice3A_420 = vector.extract_strided_slice %select_n3A_402 {offsets = [0, 1152], sizes = [128, 128], strides = [1, 1]} : vector<128x2048xf32> to vector<128x128xf32>
    %min3A_421 = arith.minimumf %min3A_419, %slice3A_420 : vector<128x128xf32>
    %slice3A_422 = vector.extract_strided_slice %select_n3A_402 {offsets = [0, 1280], sizes = [128, 128], strides = [1, 1]} : vector<128x2048xf32> to vector<128x128xf32>
    %min3A_423 = arith.minimumf %min3A_421, %slice3A_422 : vector<128x128xf32>
    %slice3A_424 = vector.extract_strided_slice %select_n3A_402 {offsets = [0, 1408], sizes = [128, 128], strides = [1, 1]} : vector<128x2048xf32> to vector<128x128xf32>
    %min3A_425 = arith.minimumf %min3A_423, %slice3A_424 : vector<128x128xf32>
    %slice3A_426 = vector.extract_strided_slice %select_n3A_402 {offsets = [0, 1536], sizes = [128, 128], strides = [1, 1]} : vector<128x2048xf32> to vector<128x128xf32>
    %min3A_427 = arith.minimumf %min3A_425, %slice3A_426 : vector<128x128xf32>
    %slice3A_428 = vector.extract_strided_slice %select_n3A_402 {offsets = [0, 1664], sizes = [128, 128], strides = [1, 1]} : vector<128x2048xf32> to vector<128x128xf32>
    %min3A_429 = arith.minimumf %min3A_427, %slice3A_428 : vector<128x128xf32>
    %slice3A_430 = vector.extract_strided_slice %select_n3A_402 {offsets = [0, 1792], sizes = [128, 128], strides = [1, 1]} : vector<128x2048xf32> to vector<128x128xf32>
    %min3A_431 = arith.minimumf %min3A_429, %slice3A_430 : vector<128x128xf32>
    %slice3A_432 = vector.extract_strided_slice %select_n3A_402 {offsets = [0, 1920], sizes = [128, 128], strides = [1, 1]} : vector<128x2048xf32> to vector<128x128xf32>
    %min3A_433 = arith.minimumf %min3A_431, %slice3A_432 : vector<128x128xf32>
    %reduce_min3A_434 = arith.constant dense<0x7F800000> : vector<128xf32>
    %reduce_min3A_435 = vector.multi_reduction <minimumf>, %min3A_433, %reduce_min3A_434 [1] : vector<128x128xf32> to vector<128xf32>
    %broadcast_in_dim3A_436 = vector.shape_cast %reduce_min3A_435 : vector<128xf32> to vector<128x1xf32>
    %eq3A_437 = vector.broadcast %broadcast_in_dim3A_436 : vector<128x1xf32> to vector<128x128xf32>
    %eq3A_438 = arith.cmpf oeq, %min3A_433, %eq3A_437 : vector<128x128xf32>
    %jit3A_439 = arith.constant 1.280000e+02 : f32
    %broadcast_in_dim3A_440 = vector.broadcast %jit3A_439 : f32 to vector<128x128xf32>
    %select_n3A_441 = arith.select %eq3A_438, %convert_element_type3A_31, %broadcast_in_dim3A_440 : vector<128x128xi1>, vector<128x128xf32>
    %reduce_min3A_442 = arith.constant dense<0x7F800000> : vector<128xf32>
    %reduce_min3A_443 = vector.multi_reduction <minimumf>, %select_n3A_441, %reduce_min3A_442 [1] : vector<128x128xf32> to vector<128xf32>
    %broadcast_in_dim3A_444 = vector.shape_cast %reduce_min3A_443 : vector<128xf32> to vector<128x1xf32>
    %bitcast_convert_type3A_445 = tpu.bitcast %broadcast_in_dim3A_436 : vector<128x1xf32> -> vector<128x1xi32>
    %and3A_446 = arith.constant 15 : i32
    %and3A_447 = vector.broadcast %and3A_446 : i32 to vector<128x1xi32>
    %and3A_448 = arith.andi %bitcast_convert_type3A_445, %and3A_447 : vector<128x1xi32>
    %convert_element_type3A_449 = arith.sitofp %and3A_448 : vector<128x1xi32> to vector<128x1xf32>
    %mul3A_450 = arith.constant 1.280000e+02 : f32
    %mul3A_451 = vector.broadcast %mul3A_450 : f32 to vector<128x1xf32>
    %mul3A_452 = arith.mulf %convert_element_type3A_449, %mul3A_451 : vector<128x1xf32>
    %add3A_453 = arith.addf %mul3A_452, %broadcast_in_dim3A_444 : vector<128x1xf32>
    %and3A_454 = arith.constant -16 : i32
    %and3A_455 = vector.broadcast %and3A_454 : i32 to vector<128x1xi32>
    %and3A_456 = arith.andi %bitcast_convert_type3A_445, %and3A_455 : vector<128x1xi32>
    %shift_left3A_457 = arith.constant 3 : i32
    %shift_left3A_458 = vector.broadcast %shift_left3A_457 : i32 to vector<128x1xi32>
    %shift_left3A_459 = arith.shli %and3A_456, %shift_left3A_458 : vector<128x1xi32>
    %bitcast_convert_type3A_460 = tpu.bitcast %shift_left3A_459 : vector<128x1xi32> -> vector<128x1xf32>
    %eq3A_461 = vector.broadcast %add3A_453 : vector<128x1xf32> to vector<128x2048xf32>
    %eq3A_462 = arith.cmpf oeq, %convert_element_type3A, %eq3A_461 : vector<128x2048xf32>
    %jit3A_463 = arith.constant 0x7F800000 : f32
    %broadcast_in_dim3A_464 = vector.broadcast %jit3A_463 : f32 to vector<128x2048xf32>
    %select_n3A_465 = arith.select %eq3A_462, %broadcast_in_dim3A_464, %select_n3A_402 : vector<128x2048xi1>, vector<128x2048xf32>
    %slice3A_466 = vector.extract_strided_slice %select_n3A_465 {offsets = [0, 0], sizes = [128, 128], strides = [1, 1]} : vector<128x2048xf32> to vector<128x128xf32>
    %slice3A_467 = vector.extract_strided_slice %select_n3A_465 {offsets = [0, 128], sizes = [128, 128], strides = [1, 1]} : vector<128x2048xf32> to vector<128x128xf32>
    %min3A_468 = arith.minimumf %slice3A_466, %slice3A_467 : vector<128x128xf32>
    %slice3A_469 = vector.extract_strided_slice %select_n3A_465 {offsets = [0, 256], sizes = [128, 128], strides = [1, 1]} : vector<128x2048xf32> to vector<128x128xf32>
    %min3A_470 = arith.minimumf %min3A_468, %slice3A_469 : vector<128x128xf32>
    %slice3A_471 = vector.extract_strided_slice %select_n3A_465 {offsets = [0, 384], sizes = [128, 128], strides = [1, 1]} : vector<128x2048xf32> to vector<128x128xf32>
    %min3A_472 = arith.minimumf %min3A_470, %slice3A_471 : vector<128x128xf32>
    %slice3A_473 = vector.extract_strided_slice %select_n3A_465 {offsets = [0, 512], sizes = [128, 128], strides = [1, 1]} : vector<128x2048xf32> to vector<128x128xf32>
    %min3A_474 = arith.minimumf %min3A_472, %slice3A_473 : vector<128x128xf32>
    %slice3A_475 = vector.extract_strided_slice %select_n3A_465 {offsets = [0, 640], sizes = [128, 128], strides = [1, 1]} : vector<128x2048xf32> to vector<128x128xf32>
    %min3A_476 = arith.minimumf %min3A_474, %slice3A_475 : vector<128x128xf32>
    %slice3A_477 = vector.extract_strided_slice %select_n3A_465 {offsets = [0, 768], sizes = [128, 128], strides = [1, 1]} : vector<128x2048xf32> to vector<128x128xf32>
    %min3A_478 = arith.minimumf %min3A_476, %slice3A_477 : vector<128x128xf32>
    %slice3A_479 = vector.extract_strided_slice %select_n3A_465 {offsets = [0, 896], sizes = [128, 128], strides = [1, 1]} : vector<128x2048xf32> to vector<128x128xf32>
    %min3A_480 = arith.minimumf %min3A_478, %slice3A_479 : vector<128x128xf32>
    %slice3A_481 = vector.extract_strided_slice %select_n3A_465 {offsets = [0, 1024], sizes = [128, 128], strides = [1, 1]} : vector<128x2048xf32> to vector<128x128xf32>
    %min3A_482 = arith.minimumf %min3A_480, %slice3A_481 : vector<128x128xf32>
    %slice3A_483 = vector.extract_strided_slice %select_n3A_465 {offsets = [0, 1152], sizes = [128, 128], strides = [1, 1]} : vector<128x2048xf32> to vector<128x128xf32>
    %min3A_484 = arith.minimumf %min3A_482, %slice3A_483 : vector<128x128xf32>
    %slice3A_485 = vector.extract_strided_slice %select_n3A_465 {offsets = [0, 1280], sizes = [128, 128], strides = [1, 1]} : vector<128x2048xf32> to vector<128x128xf32>
    %min3A_486 = arith.minimumf %min3A_484, %slice3A_485 : vector<128x128xf32>
    %slice3A_487 = vector.extract_strided_slice %select_n3A_465 {offsets = [0, 1408], sizes = [128, 128], strides = [1, 1]} : vector<128x2048xf32> to vector<128x128xf32>
    %min3A_488 = arith.minimumf %min3A_486, %slice3A_487 : vector<128x128xf32>
    %slice3A_489 = vector.extract_strided_slice %select_n3A_465 {offsets = [0, 1536], sizes = [128, 128], strides = [1, 1]} : vector<128x2048xf32> to vector<128x128xf32>
    %min3A_490 = arith.minimumf %min3A_488, %slice3A_489 : vector<128x128xf32>
    %slice3A_491 = vector.extract_strided_slice %select_n3A_465 {offsets = [0, 1664], sizes = [128, 128], strides = [1, 1]} : vector<128x2048xf32> to vector<128x128xf32>
    %min3A_492 = arith.minimumf %min3A_490, %slice3A_491 : vector<128x128xf32>
    %slice3A_493 = vector.extract_strided_slice %select_n3A_465 {offsets = [0, 1792], sizes = [128, 128], strides = [1, 1]} : vector<128x2048xf32> to vector<128x128xf32>
    %min3A_494 = arith.minimumf %min3A_492, %slice3A_493 : vector<128x128xf32>
    %slice3A_495 = vector.extract_strided_slice %select_n3A_465 {offsets = [0, 1920], sizes = [128, 128], strides = [1, 1]} : vector<128x2048xf32> to vector<128x128xf32>
    %min3A_496 = arith.minimumf %min3A_494, %slice3A_495 : vector<128x128xf32>
    %reduce_min3A_497 = arith.constant dense<0x7F800000> : vector<128xf32>
    %reduce_min3A_498 = vector.multi_reduction <minimumf>, %min3A_496, %reduce_min3A_497 [1] : vector<128x128xf32> to vector<128xf32>
    %broadcast_in_dim3A_499 = vector.shape_cast %reduce_min3A_498 : vector<128xf32> to vector<128x1xf32>
    %eq3A_500 = vector.broadcast %broadcast_in_dim3A_499 : vector<128x1xf32> to vector<128x128xf32>
    %eq3A_501 = arith.cmpf oeq, %min3A_496, %eq3A_500 : vector<128x128xf32>
    %jit3A_502 = arith.constant 1.280000e+02 : f32
    %broadcast_in_dim3A_503 = vector.broadcast %jit3A_502 : f32 to vector<128x128xf32>
    %select_n3A_504 = arith.select %eq3A_501, %convert_element_type3A_31, %broadcast_in_dim3A_503 : vector<128x128xi1>, vector<128x128xf32>
    %reduce_min3A_505 = arith.constant dense<0x7F800000> : vector<128xf32>
    %reduce_min3A_506 = vector.multi_reduction <minimumf>, %select_n3A_504, %reduce_min3A_505 [1] : vector<128x128xf32> to vector<128xf32>
    %broadcast_in_dim3A_507 = vector.shape_cast %reduce_min3A_506 : vector<128xf32> to vector<128x1xf32>
    %bitcast_convert_type3A_508 = tpu.bitcast %broadcast_in_dim3A_499 : vector<128x1xf32> -> vector<128x1xi32>
    %and3A_509 = arith.constant 15 : i32
    %and3A_510 = vector.broadcast %and3A_509 : i32 to vector<128x1xi32>
    %and3A_511 = arith.andi %bitcast_convert_type3A_508, %and3A_510 : vector<128x1xi32>
    %convert_element_type3A_512 = arith.sitofp %and3A_511 : vector<128x1xi32> to vector<128x1xf32>
    %mul3A_513 = arith.constant 1.280000e+02 : f32
    %mul3A_514 = vector.broadcast %mul3A_513 : f32 to vector<128x1xf32>
    %mul3A_515 = arith.mulf %convert_element_type3A_512, %mul3A_514 : vector<128x1xf32>
    %add3A_516 = arith.addf %mul3A_515, %broadcast_in_dim3A_507 : vector<128x1xf32>
    %and3A_517 = arith.constant -16 : i32
    %and3A_518 = vector.broadcast %and3A_517 : i32 to vector<128x1xi32>
    %and3A_519 = arith.andi %bitcast_convert_type3A_508, %and3A_518 : vector<128x1xi32>
    %shift_left3A_520 = arith.constant 3 : i32
    %shift_left3A_521 = vector.broadcast %shift_left3A_520 : i32 to vector<128x1xi32>
    %shift_left3A_522 = arith.shli %and3A_519, %shift_left3A_521 : vector<128x1xi32>
    %bitcast_convert_type3A_523 = tpu.bitcast %shift_left3A_522 : vector<128x1xi32> -> vector<128x1xf32>
    %eq3A_524 = vector.broadcast %add3A_516 : vector<128x1xf32> to vector<128x2048xf32>
    %eq3A_525 = arith.cmpf oeq, %convert_element_type3A, %eq3A_524 : vector<128x2048xf32>
    %jit3A_526 = arith.constant 0x7F800000 : f32
    %broadcast_in_dim3A_527 = vector.broadcast %jit3A_526 : f32 to vector<128x2048xf32>
    %select_n3A_528 = arith.select %eq3A_525, %broadcast_in_dim3A_527, %select_n3A_465 : vector<128x2048xi1>, vector<128x2048xf32>
    %slice3A_529 = vector.extract_strided_slice %select_n3A_528 {offsets = [0, 0], sizes = [128, 128], strides = [1, 1]} : vector<128x2048xf32> to vector<128x128xf32>
    %slice3A_530 = vector.extract_strided_slice %select_n3A_528 {offsets = [0, 128], sizes = [128, 128], strides = [1, 1]} : vector<128x2048xf32> to vector<128x128xf32>
    %min3A_531 = arith.minimumf %slice3A_529, %slice3A_530 : vector<128x128xf32>
    %slice3A_532 = vector.extract_strided_slice %select_n3A_528 {offsets = [0, 256], sizes = [128, 128], strides = [1, 1]} : vector<128x2048xf32> to vector<128x128xf32>
    %min3A_533 = arith.minimumf %min3A_531, %slice3A_532 : vector<128x128xf32>
    %slice3A_534 = vector.extract_strided_slice %select_n3A_528 {offsets = [0, 384], sizes = [128, 128], strides = [1, 1]} : vector<128x2048xf32> to vector<128x128xf32>
    %min3A_535 = arith.minimumf %min3A_533, %slice3A_534 : vector<128x128xf32>
    %slice3A_536 = vector.extract_strided_slice %select_n3A_528 {offsets = [0, 512], sizes = [128, 128], strides = [1, 1]} : vector<128x2048xf32> to vector<128x128xf32>
    %min3A_537 = arith.minimumf %min3A_535, %slice3A_536 : vector<128x128xf32>
    %slice3A_538 = vector.extract_strided_slice %select_n3A_528 {offsets = [0, 640], sizes = [128, 128], strides = [1, 1]} : vector<128x2048xf32> to vector<128x128xf32>
    %min3A_539 = arith.minimumf %min3A_537, %slice3A_538 : vector<128x128xf32>
    %slice3A_540 = vector.extract_strided_slice %select_n3A_528 {offsets = [0, 768], sizes = [128, 128], strides = [1, 1]} : vector<128x2048xf32> to vector<128x128xf32>
    %min3A_541 = arith.minimumf %min3A_539, %slice3A_540 : vector<128x128xf32>
    %slice3A_542 = vector.extract_strided_slice %select_n3A_528 {offsets = [0, 896], sizes = [128, 128], strides = [1, 1]} : vector<128x2048xf32> to vector<128x128xf32>
    %min3A_543 = arith.minimumf %min3A_541, %slice3A_542 : vector<128x128xf32>
    %slice3A_544 = vector.extract_strided_slice %select_n3A_528 {offsets = [0, 1024], sizes = [128, 128], strides = [1, 1]} : vector<128x2048xf32> to vector<128x128xf32>
    %min3A_545 = arith.minimumf %min3A_543, %slice3A_544 : vector<128x128xf32>
    %slice3A_546 = vector.extract_strided_slice %select_n3A_528 {offsets = [0, 1152], sizes = [128, 128], strides = [1, 1]} : vector<128x2048xf32> to vector<128x128xf32>
    %min3A_547 = arith.minimumf %min3A_545, %slice3A_546 : vector<128x128xf32>
    %slice3A_548 = vector.extract_strided_slice %select_n3A_528 {offsets = [0, 1280], sizes = [128, 128], strides = [1, 1]} : vector<128x2048xf32> to vector<128x128xf32>
    %min3A_549 = arith.minimumf %min3A_547, %slice3A_548 : vector<128x128xf32>
    %slice3A_550 = vector.extract_strided_slice %select_n3A_528 {offsets = [0, 1408], sizes = [128, 128], strides = [1, 1]} : vector<128x2048xf32> to vector<128x128xf32>
    %min3A_551 = arith.minimumf %min3A_549, %slice3A_550 : vector<128x128xf32>
    %slice3A_552 = vector.extract_strided_slice %select_n3A_528 {offsets = [0, 1536], sizes = [128, 128], strides = [1, 1]} : vector<128x2048xf32> to vector<128x128xf32>
    %min3A_553 = arith.minimumf %min3A_551, %slice3A_552 : vector<128x128xf32>
    %slice3A_554 = vector.extract_strided_slice %select_n3A_528 {offsets = [0, 1664], sizes = [128, 128], strides = [1, 1]} : vector<128x2048xf32> to vector<128x128xf32>
    %min3A_555 = arith.minimumf %min3A_553, %slice3A_554 : vector<128x128xf32>
    %slice3A_556 = vector.extract_strided_slice %select_n3A_528 {offsets = [0, 1792], sizes = [128, 128], strides = [1, 1]} : vector<128x2048xf32> to vector<128x128xf32>
    %min3A_557 = arith.minimumf %min3A_555, %slice3A_556 : vector<128x128xf32>
    %slice3A_558 = vector.extract_strided_slice %select_n3A_528 {offsets = [0, 1920], sizes = [128, 128], strides = [1, 1]} : vector<128x2048xf32> to vector<128x128xf32>
    %min3A_559 = arith.minimumf %min3A_557, %slice3A_558 : vector<128x128xf32>
    %reduce_min3A_560 = arith.constant dense<0x7F800000> : vector<128xf32>
    %reduce_min3A_561 = vector.multi_reduction <minimumf>, %min3A_559, %reduce_min3A_560 [1] : vector<128x128xf32> to vector<128xf32>
    %broadcast_in_dim3A_562 = vector.shape_cast %reduce_min3A_561 : vector<128xf32> to vector<128x1xf32>
    %eq3A_563 = vector.broadcast %broadcast_in_dim3A_562 : vector<128x1xf32> to vector<128x128xf32>
    %eq3A_564 = arith.cmpf oeq, %min3A_559, %eq3A_563 : vector<128x128xf32>
    %jit3A_565 = arith.constant 1.280000e+02 : f32
    %broadcast_in_dim3A_566 = vector.broadcast %jit3A_565 : f32 to vector<128x128xf32>
    %select_n3A_567 = arith.select %eq3A_564, %convert_element_type3A_31, %broadcast_in_dim3A_566 : vector<128x128xi1>, vector<128x128xf32>
    %reduce_min3A_568 = arith.constant dense<0x7F800000> : vector<128xf32>
    %reduce_min3A_569 = vector.multi_reduction <minimumf>, %select_n3A_567, %reduce_min3A_568 [1] : vector<128x128xf32> to vector<128xf32>
    %broadcast_in_dim3A_570 = vector.shape_cast %reduce_min3A_569 : vector<128xf32> to vector<128x1xf32>
    %bitcast_convert_type3A_571 = tpu.bitcast %broadcast_in_dim3A_562 : vector<128x1xf32> -> vector<128x1xi32>
    %and3A_572 = arith.constant 15 : i32
    %and3A_573 = vector.broadcast %and3A_572 : i32 to vector<128x1xi32>
    %and3A_574 = arith.andi %bitcast_convert_type3A_571, %and3A_573 : vector<128x1xi32>
    %convert_element_type3A_575 = arith.sitofp %and3A_574 : vector<128x1xi32> to vector<128x1xf32>
    %mul3A_576 = arith.constant 1.280000e+02 : f32
    %mul3A_577 = vector.broadcast %mul3A_576 : f32 to vector<128x1xf32>
    %mul3A_578 = arith.mulf %convert_element_type3A_575, %mul3A_577 : vector<128x1xf32>
    %add3A_579 = arith.addf %mul3A_578, %broadcast_in_dim3A_570 : vector<128x1xf32>
    %and3A_580 = arith.constant -16 : i32
    %and3A_581 = vector.broadcast %and3A_580 : i32 to vector<128x1xi32>
    %and3A_582 = arith.andi %bitcast_convert_type3A_571, %and3A_581 : vector<128x1xi32>
    %shift_left3A_583 = arith.constant 3 : i32
    %shift_left3A_584 = vector.broadcast %shift_left3A_583 : i32 to vector<128x1xi32>
    %shift_left3A_585 = arith.shli %and3A_582, %shift_left3A_584 : vector<128x1xi32>
    %bitcast_convert_type3A_586 = tpu.bitcast %shift_left3A_585 : vector<128x1xi32> -> vector<128x1xf32>
    %eq3A_587 = vector.broadcast %add3A_579 : vector<128x1xf32> to vector<128x2048xf32>
    %eq3A_588 = arith.cmpf oeq, %convert_element_type3A, %eq3A_587 : vector<128x2048xf32>
    %jit3A_589 = arith.constant 0x7F800000 : f32
    %broadcast_in_dim3A_590 = vector.broadcast %jit3A_589 : f32 to vector<128x2048xf32>
    %select_n3A_591 = arith.select %eq3A_588, %broadcast_in_dim3A_590, %select_n3A_528 : vector<128x2048xi1>, vector<128x2048xf32>
    %slice3A_592 = vector.extract_strided_slice %select_n3A_591 {offsets = [0, 0], sizes = [128, 128], strides = [1, 1]} : vector<128x2048xf32> to vector<128x128xf32>
    %slice3A_593 = vector.extract_strided_slice %select_n3A_591 {offsets = [0, 128], sizes = [128, 128], strides = [1, 1]} : vector<128x2048xf32> to vector<128x128xf32>
    %min3A_594 = arith.minimumf %slice3A_592, %slice3A_593 : vector<128x128xf32>
    %slice3A_595 = vector.extract_strided_slice %select_n3A_591 {offsets = [0, 256], sizes = [128, 128], strides = [1, 1]} : vector<128x2048xf32> to vector<128x128xf32>
    %min3A_596 = arith.minimumf %min3A_594, %slice3A_595 : vector<128x128xf32>
    %slice3A_597 = vector.extract_strided_slice %select_n3A_591 {offsets = [0, 384], sizes = [128, 128], strides = [1, 1]} : vector<128x2048xf32> to vector<128x128xf32>
    %min3A_598 = arith.minimumf %min3A_596, %slice3A_597 : vector<128x128xf32>
    %slice3A_599 = vector.extract_strided_slice %select_n3A_591 {offsets = [0, 512], sizes = [128, 128], strides = [1, 1]} : vector<128x2048xf32> to vector<128x128xf32>
    %min3A_600 = arith.minimumf %min3A_598, %slice3A_599 : vector<128x128xf32>
    %slice3A_601 = vector.extract_strided_slice %select_n3A_591 {offsets = [0, 640], sizes = [128, 128], strides = [1, 1]} : vector<128x2048xf32> to vector<128x128xf32>
    %min3A_602 = arith.minimumf %min3A_600, %slice3A_601 : vector<128x128xf32>
    %slice3A_603 = vector.extract_strided_slice %select_n3A_591 {offsets = [0, 768], sizes = [128, 128], strides = [1, 1]} : vector<128x2048xf32> to vector<128x128xf32>
    %min3A_604 = arith.minimumf %min3A_602, %slice3A_603 : vector<128x128xf32>
    %slice3A_605 = vector.extract_strided_slice %select_n3A_591 {offsets = [0, 896], sizes = [128, 128], strides = [1, 1]} : vector<128x2048xf32> to vector<128x128xf32>
    %min3A_606 = arith.minimumf %min3A_604, %slice3A_605 : vector<128x128xf32>
    %slice3A_607 = vector.extract_strided_slice %select_n3A_591 {offsets = [0, 1024], sizes = [128, 128], strides = [1, 1]} : vector<128x2048xf32> to vector<128x128xf32>
    %min3A_608 = arith.minimumf %min3A_606, %slice3A_607 : vector<128x128xf32>
    %slice3A_609 = vector.extract_strided_slice %select_n3A_591 {offsets = [0, 1152], sizes = [128, 128], strides = [1, 1]} : vector<128x2048xf32> to vector<128x128xf32>
    %min3A_610 = arith.minimumf %min3A_608, %slice3A_609 : vector<128x128xf32>
    %slice3A_611 = vector.extract_strided_slice %select_n3A_591 {offsets = [0, 1280], sizes = [128, 128], strides = [1, 1]} : vector<128x2048xf32> to vector<128x128xf32>
    %min3A_612 = arith.minimumf %min3A_610, %slice3A_611 : vector<128x128xf32>
    %slice3A_613 = vector.extract_strided_slice %select_n3A_591 {offsets = [0, 1408], sizes = [128, 128], strides = [1, 1]} : vector<128x2048xf32> to vector<128x128xf32>
    %min3A_614 = arith.minimumf %min3A_612, %slice3A_613 : vector<128x128xf32>
    %slice3A_615 = vector.extract_strided_slice %select_n3A_591 {offsets = [0, 1536], sizes = [128, 128], strides = [1, 1]} : vector<128x2048xf32> to vector<128x128xf32>
    %min3A_616 = arith.minimumf %min3A_614, %slice3A_615 : vector<128x128xf32>
    %slice3A_617 = vector.extract_strided_slice %select_n3A_591 {offsets = [0, 1664], sizes = [128, 128], strides = [1, 1]} : vector<128x2048xf32> to vector<128x128xf32>
    %min3A_618 = arith.minimumf %min3A_616, %slice3A_617 : vector<128x128xf32>
    %slice3A_619 = vector.extract_strided_slice %select_n3A_591 {offsets = [0, 1792], sizes = [128, 128], strides = [1, 1]} : vector<128x2048xf32> to vector<128x128xf32>
    %min3A_620 = arith.minimumf %min3A_618, %slice3A_619 : vector<128x128xf32>
    %slice3A_621 = vector.extract_strided_slice %select_n3A_591 {offsets = [0, 1920], sizes = [128, 128], strides = [1, 1]} : vector<128x2048xf32> to vector<128x128xf32>
    %min3A_622 = arith.minimumf %min3A_620, %slice3A_621 : vector<128x128xf32>
    %reduce_min3A_623 = arith.constant dense<0x7F800000> : vector<128xf32>
    %reduce_min3A_624 = vector.multi_reduction <minimumf>, %min3A_622, %reduce_min3A_623 [1] : vector<128x128xf32> to vector<128xf32>
    %broadcast_in_dim3A_625 = vector.shape_cast %reduce_min3A_624 : vector<128xf32> to vector<128x1xf32>
    %eq3A_626 = vector.broadcast %broadcast_in_dim3A_625 : vector<128x1xf32> to vector<128x128xf32>
    %eq3A_627 = arith.cmpf oeq, %min3A_622, %eq3A_626 : vector<128x128xf32>
    %jit3A_628 = arith.constant 1.280000e+02 : f32
    %broadcast_in_dim3A_629 = vector.broadcast %jit3A_628 : f32 to vector<128x128xf32>
    %select_n3A_630 = arith.select %eq3A_627, %convert_element_type3A_31, %broadcast_in_dim3A_629 : vector<128x128xi1>, vector<128x128xf32>
    %reduce_min3A_631 = arith.constant dense<0x7F800000> : vector<128xf32>
    %reduce_min3A_632 = vector.multi_reduction <minimumf>, %select_n3A_630, %reduce_min3A_631 [1] : vector<128x128xf32> to vector<128xf32>
    %broadcast_in_dim3A_633 = vector.shape_cast %reduce_min3A_632 : vector<128xf32> to vector<128x1xf32>
    %bitcast_convert_type3A_634 = tpu.bitcast %broadcast_in_dim3A_625 : vector<128x1xf32> -> vector<128x1xi32>
    %and3A_635 = arith.constant 15 : i32
    %and3A_636 = vector.broadcast %and3A_635 : i32 to vector<128x1xi32>
    %and3A_637 = arith.andi %bitcast_convert_type3A_634, %and3A_636 : vector<128x1xi32>
    %convert_element_type3A_638 = arith.sitofp %and3A_637 : vector<128x1xi32> to vector<128x1xf32>
    %mul3A_639 = arith.constant 1.280000e+02 : f32
    %mul3A_640 = vector.broadcast %mul3A_639 : f32 to vector<128x1xf32>
    %mul3A_641 = arith.mulf %convert_element_type3A_638, %mul3A_640 : vector<128x1xf32>
    %add3A_642 = arith.addf %mul3A_641, %broadcast_in_dim3A_633 : vector<128x1xf32>
    %and3A_643 = arith.constant -16 : i32
    %and3A_644 = vector.broadcast %and3A_643 : i32 to vector<128x1xi32>
    %and3A_645 = arith.andi %bitcast_convert_type3A_634, %and3A_644 : vector<128x1xi32>
    %shift_left3A_646 = arith.constant 3 : i32
    %shift_left3A_647 = vector.broadcast %shift_left3A_646 : i32 to vector<128x1xi32>
    %shift_left3A_648 = arith.shli %and3A_645, %shift_left3A_647 : vector<128x1xi32>
    %bitcast_convert_type3A_649 = tpu.bitcast %shift_left3A_648 : vector<128x1xi32> -> vector<128x1xf32>
    %eq3A_650 = vector.broadcast %add3A_642 : vector<128x1xf32> to vector<128x2048xf32>
    %eq3A_651 = arith.cmpf oeq, %convert_element_type3A, %eq3A_650 : vector<128x2048xf32>
    %jit3A_652 = arith.constant 0x7F800000 : f32
    %broadcast_in_dim3A_653 = vector.broadcast %jit3A_652 : f32 to vector<128x2048xf32>
    %select_n3A_654 = arith.select %eq3A_651, %broadcast_in_dim3A_653, %select_n3A_591 : vector<128x2048xi1>, vector<128x2048xf32>
    %slice3A_655 = vector.extract_strided_slice %select_n3A_654 {offsets = [0, 0], sizes = [128, 128], strides = [1, 1]} : vector<128x2048xf32> to vector<128x128xf32>
    %slice3A_656 = vector.extract_strided_slice %select_n3A_654 {offsets = [0, 128], sizes = [128, 128], strides = [1, 1]} : vector<128x2048xf32> to vector<128x128xf32>
    %min3A_657 = arith.minimumf %slice3A_655, %slice3A_656 : vector<128x128xf32>
    %slice3A_658 = vector.extract_strided_slice %select_n3A_654 {offsets = [0, 256], sizes = [128, 128], strides = [1, 1]} : vector<128x2048xf32> to vector<128x128xf32>
    %min3A_659 = arith.minimumf %min3A_657, %slice3A_658 : vector<128x128xf32>
    %slice3A_660 = vector.extract_strided_slice %select_n3A_654 {offsets = [0, 384], sizes = [128, 128], strides = [1, 1]} : vector<128x2048xf32> to vector<128x128xf32>
    %min3A_661 = arith.minimumf %min3A_659, %slice3A_660 : vector<128x128xf32>
    %slice3A_662 = vector.extract_strided_slice %select_n3A_654 {offsets = [0, 512], sizes = [128, 128], strides = [1, 1]} : vector<128x2048xf32> to vector<128x128xf32>
    %min3A_663 = arith.minimumf %min3A_661, %slice3A_662 : vector<128x128xf32>
    %slice3A_664 = vector.extract_strided_slice %select_n3A_654 {offsets = [0, 640], sizes = [128, 128], strides = [1, 1]} : vector<128x2048xf32> to vector<128x128xf32>
    %min3A_665 = arith.minimumf %min3A_663, %slice3A_664 : vector<128x128xf32>
    %slice3A_666 = vector.extract_strided_slice %select_n3A_654 {offsets = [0, 768], sizes = [128, 128], strides = [1, 1]} : vector<128x2048xf32> to vector<128x128xf32>
    %min3A_667 = arith.minimumf %min3A_665, %slice3A_666 : vector<128x128xf32>
    %slice3A_668 = vector.extract_strided_slice %select_n3A_654 {offsets = [0, 896], sizes = [128, 128], strides = [1, 1]} : vector<128x2048xf32> to vector<128x128xf32>
    %min3A_669 = arith.minimumf %min3A_667, %slice3A_668 : vector<128x128xf32>
    %slice3A_670 = vector.extract_strided_slice %select_n3A_654 {offsets = [0, 1024], sizes = [128, 128], strides = [1, 1]} : vector<128x2048xf32> to vector<128x128xf32>
    %min3A_671 = arith.minimumf %min3A_669, %slice3A_670 : vector<128x128xf32>
    %slice3A_672 = vector.extract_strided_slice %select_n3A_654 {offsets = [0, 1152], sizes = [128, 128], strides = [1, 1]} : vector<128x2048xf32> to vector<128x128xf32>
    %min3A_673 = arith.minimumf %min3A_671, %slice3A_672 : vector<128x128xf32>
    %slice3A_674 = vector.extract_strided_slice %select_n3A_654 {offsets = [0, 1280], sizes = [128, 128], strides = [1, 1]} : vector<128x2048xf32> to vector<128x128xf32>
    %min3A_675 = arith.minimumf %min3A_673, %slice3A_674 : vector<128x128xf32>
    %slice3A_676 = vector.extract_strided_slice %select_n3A_654 {offsets = [0, 1408], sizes = [128, 128], strides = [1, 1]} : vector<128x2048xf32> to vector<128x128xf32>
    %min3A_677 = arith.minimumf %min3A_675, %slice3A_676 : vector<128x128xf32>
    %slice3A_678 = vector.extract_strided_slice %select_n3A_654 {offsets = [0, 1536], sizes = [128, 128], strides = [1, 1]} : vector<128x2048xf32> to vector<128x128xf32>
    %min3A_679 = arith.minimumf %min3A_677, %slice3A_678 : vector<128x128xf32>
    %slice3A_680 = vector.extract_strided_slice %select_n3A_654 {offsets = [0, 1664], sizes = [128, 128], strides = [1, 1]} : vector<128x2048xf32> to vector<128x128xf32>
    %min3A_681 = arith.minimumf %min3A_679, %slice3A_680 : vector<128x128xf32>
    %slice3A_682 = vector.extract_strided_slice %select_n3A_654 {offsets = [0, 1792], sizes = [128, 128], strides = [1, 1]} : vector<128x2048xf32> to vector<128x128xf32>
    %min3A_683 = arith.minimumf %min3A_681, %slice3A_682 : vector<128x128xf32>
    %slice3A_684 = vector.extract_strided_slice %select_n3A_654 {offsets = [0, 1920], sizes = [128, 128], strides = [1, 1]} : vector<128x2048xf32> to vector<128x128xf32>
    %min3A_685 = arith.minimumf %min3A_683, %slice3A_684 : vector<128x128xf32>
    %reduce_min3A_686 = arith.constant dense<0x7F800000> : vector<128xf32>
    %reduce_min3A_687 = vector.multi_reduction <minimumf>, %min3A_685, %reduce_min3A_686 [1] : vector<128x128xf32> to vector<128xf32>
    %broadcast_in_dim3A_688 = vector.shape_cast %reduce_min3A_687 : vector<128xf32> to vector<128x1xf32>
    %eq3A_689 = vector.broadcast %broadcast_in_dim3A_688 : vector<128x1xf32> to vector<128x128xf32>
    %eq3A_690 = arith.cmpf oeq, %min3A_685, %eq3A_689 : vector<128x128xf32>
    %jit3A_691 = arith.constant 1.280000e+02 : f32
    %broadcast_in_dim3A_692 = vector.broadcast %jit3A_691 : f32 to vector<128x128xf32>
    %select_n3A_693 = arith.select %eq3A_690, %convert_element_type3A_31, %broadcast_in_dim3A_692 : vector<128x128xi1>, vector<128x128xf32>
    %reduce_min3A_694 = arith.constant dense<0x7F800000> : vector<128xf32>
    %reduce_min3A_695 = vector.multi_reduction <minimumf>, %select_n3A_693, %reduce_min3A_694 [1] : vector<128x128xf32> to vector<128xf32>
    %broadcast_in_dim3A_696 = vector.shape_cast %reduce_min3A_695 : vector<128xf32> to vector<128x1xf32>
    %bitcast_convert_type3A_697 = tpu.bitcast %broadcast_in_dim3A_688 : vector<128x1xf32> -> vector<128x1xi32>
    %and3A_698 = arith.constant 15 : i32
    %and3A_699 = vector.broadcast %and3A_698 : i32 to vector<128x1xi32>
    %and3A_700 = arith.andi %bitcast_convert_type3A_697, %and3A_699 : vector<128x1xi32>
    %convert_element_type3A_701 = arith.sitofp %and3A_700 : vector<128x1xi32> to vector<128x1xf32>
    %mul3A_702 = arith.constant 1.280000e+02 : f32
    %mul3A_703 = vector.broadcast %mul3A_702 : f32 to vector<128x1xf32>
    %mul3A_704 = arith.mulf %convert_element_type3A_701, %mul3A_703 : vector<128x1xf32>
    %add3A_705 = arith.addf %mul3A_704, %broadcast_in_dim3A_696 : vector<128x1xf32>
    %and3A_706 = arith.constant -16 : i32
    %and3A_707 = vector.broadcast %and3A_706 : i32 to vector<128x1xi32>
    %and3A_708 = arith.andi %bitcast_convert_type3A_697, %and3A_707 : vector<128x1xi32>
    %shift_left3A_709 = arith.constant 3 : i32
    %shift_left3A_710 = vector.broadcast %shift_left3A_709 : i32 to vector<128x1xi32>
    %shift_left3A_711 = arith.shli %and3A_708, %shift_left3A_710 : vector<128x1xi32>
    %bitcast_convert_type3A_712 = tpu.bitcast %shift_left3A_711 : vector<128x1xi32> -> vector<128x1xf32>
    %eq3A_713 = vector.broadcast %add3A_705 : vector<128x1xf32> to vector<128x2048xf32>
    %eq3A_714 = arith.cmpf oeq, %convert_element_type3A, %eq3A_713 : vector<128x2048xf32>
    %jit3A_715 = arith.constant 0x7F800000 : f32
    %broadcast_in_dim3A_716 = vector.broadcast %jit3A_715 : f32 to vector<128x2048xf32>
    %select_n3A_717 = arith.select %eq3A_714, %broadcast_in_dim3A_716, %select_n3A_654 : vector<128x2048xi1>, vector<128x2048xf32>
    %slice3A_718 = vector.extract_strided_slice %select_n3A_717 {offsets = [0, 0], sizes = [128, 128], strides = [1, 1]} : vector<128x2048xf32> to vector<128x128xf32>
    %slice3A_719 = vector.extract_strided_slice %select_n3A_717 {offsets = [0, 128], sizes = [128, 128], strides = [1, 1]} : vector<128x2048xf32> to vector<128x128xf32>
    %min3A_720 = arith.minimumf %slice3A_718, %slice3A_719 : vector<128x128xf32>
    %slice3A_721 = vector.extract_strided_slice %select_n3A_717 {offsets = [0, 256], sizes = [128, 128], strides = [1, 1]} : vector<128x2048xf32> to vector<128x128xf32>
    %min3A_722 = arith.minimumf %min3A_720, %slice3A_721 : vector<128x128xf32>
    %slice3A_723 = vector.extract_strided_slice %select_n3A_717 {offsets = [0, 384], sizes = [128, 128], strides = [1, 1]} : vector<128x2048xf32> to vector<128x128xf32>
    %min3A_724 = arith.minimumf %min3A_722, %slice3A_723 : vector<128x128xf32>
    %slice3A_725 = vector.extract_strided_slice %select_n3A_717 {offsets = [0, 512], sizes = [128, 128], strides = [1, 1]} : vector<128x2048xf32> to vector<128x128xf32>
    %min3A_726 = arith.minimumf %min3A_724, %slice3A_725 : vector<128x128xf32>
    %slice3A_727 = vector.extract_strided_slice %select_n3A_717 {offsets = [0, 640], sizes = [128, 128], strides = [1, 1]} : vector<128x2048xf32> to vector<128x128xf32>
    %min3A_728 = arith.minimumf %min3A_726, %slice3A_727 : vector<128x128xf32>
    %slice3A_729 = vector.extract_strided_slice %select_n3A_717 {offsets = [0, 768], sizes = [128, 128], strides = [1, 1]} : vector<128x2048xf32> to vector<128x128xf32>
    %min3A_730 = arith.minimumf %min3A_728, %slice3A_729 : vector<128x128xf32>
    %slice3A_731 = vector.extract_strided_slice %select_n3A_717 {offsets = [0, 896], sizes = [128, 128], strides = [1, 1]} : vector<128x2048xf32> to vector<128x128xf32>
    %min3A_732 = arith.minimumf %min3A_730, %slice3A_731 : vector<128x128xf32>
    %slice3A_733 = vector.extract_strided_slice %select_n3A_717 {offsets = [0, 1024], sizes = [128, 128], strides = [1, 1]} : vector<128x2048xf32> to vector<128x128xf32>
    %min3A_734 = arith.minimumf %min3A_732, %slice3A_733 : vector<128x128xf32>
    %slice3A_735 = vector.extract_strided_slice %select_n3A_717 {offsets = [0, 1152], sizes = [128, 128], strides = [1, 1]} : vector<128x2048xf32> to vector<128x128xf32>
    %min3A_736 = arith.minimumf %min3A_734, %slice3A_735 : vector<128x128xf32>
    %slice3A_737 = vector.extract_strided_slice %select_n3A_717 {offsets = [0, 1280], sizes = [128, 128], strides = [1, 1]} : vector<128x2048xf32> to vector<128x128xf32>
    %min3A_738 = arith.minimumf %min3A_736, %slice3A_737 : vector<128x128xf32>
    %slice3A_739 = vector.extract_strided_slice %select_n3A_717 {offsets = [0, 1408], sizes = [128, 128], strides = [1, 1]} : vector<128x2048xf32> to vector<128x128xf32>
    %min3A_740 = arith.minimumf %min3A_738, %slice3A_739 : vector<128x128xf32>
    %slice3A_741 = vector.extract_strided_slice %select_n3A_717 {offsets = [0, 1536], sizes = [128, 128], strides = [1, 1]} : vector<128x2048xf32> to vector<128x128xf32>
    %min3A_742 = arith.minimumf %min3A_740, %slice3A_741 : vector<128x128xf32>
    %slice3A_743 = vector.extract_strided_slice %select_n3A_717 {offsets = [0, 1664], sizes = [128, 128], strides = [1, 1]} : vector<128x2048xf32> to vector<128x128xf32>
    %min3A_744 = arith.minimumf %min3A_742, %slice3A_743 : vector<128x128xf32>
    %slice3A_745 = vector.extract_strided_slice %select_n3A_717 {offsets = [0, 1792], sizes = [128, 128], strides = [1, 1]} : vector<128x2048xf32> to vector<128x128xf32>
    %min3A_746 = arith.minimumf %min3A_744, %slice3A_745 : vector<128x128xf32>
    %slice3A_747 = vector.extract_strided_slice %select_n3A_717 {offsets = [0, 1920], sizes = [128, 128], strides = [1, 1]} : vector<128x2048xf32> to vector<128x128xf32>
    %min3A_748 = arith.minimumf %min3A_746, %slice3A_747 : vector<128x128xf32>
    %reduce_min3A_749 = arith.constant dense<0x7F800000> : vector<128xf32>
    %reduce_min3A_750 = vector.multi_reduction <minimumf>, %min3A_748, %reduce_min3A_749 [1] : vector<128x128xf32> to vector<128xf32>
    %broadcast_in_dim3A_751 = vector.shape_cast %reduce_min3A_750 : vector<128xf32> to vector<128x1xf32>
    %eq3A_752 = vector.broadcast %broadcast_in_dim3A_751 : vector<128x1xf32> to vector<128x128xf32>
    %eq3A_753 = arith.cmpf oeq, %min3A_748, %eq3A_752 : vector<128x128xf32>
    %jit3A_754 = arith.constant 1.280000e+02 : f32
    %broadcast_in_dim3A_755 = vector.broadcast %jit3A_754 : f32 to vector<128x128xf32>
    %select_n3A_756 = arith.select %eq3A_753, %convert_element_type3A_31, %broadcast_in_dim3A_755 : vector<128x128xi1>, vector<128x128xf32>
    %reduce_min3A_757 = arith.constant dense<0x7F800000> : vector<128xf32>
    %reduce_min3A_758 = vector.multi_reduction <minimumf>, %select_n3A_756, %reduce_min3A_757 [1] : vector<128x128xf32> to vector<128xf32>
    %broadcast_in_dim3A_759 = vector.shape_cast %reduce_min3A_758 : vector<128xf32> to vector<128x1xf32>
    %bitcast_convert_type3A_760 = tpu.bitcast %broadcast_in_dim3A_751 : vector<128x1xf32> -> vector<128x1xi32>
    %and3A_761 = arith.constant 15 : i32
    %and3A_762 = vector.broadcast %and3A_761 : i32 to vector<128x1xi32>
    %and3A_763 = arith.andi %bitcast_convert_type3A_760, %and3A_762 : vector<128x1xi32>
    %convert_element_type3A_764 = arith.sitofp %and3A_763 : vector<128x1xi32> to vector<128x1xf32>
    %mul3A_765 = arith.constant 1.280000e+02 : f32
    %mul3A_766 = vector.broadcast %mul3A_765 : f32 to vector<128x1xf32>
    %mul3A_767 = arith.mulf %convert_element_type3A_764, %mul3A_766 : vector<128x1xf32>
    %add3A_768 = arith.addf %mul3A_767, %broadcast_in_dim3A_759 : vector<128x1xf32>
    %and3A_769 = arith.constant -16 : i32
    %and3A_770 = vector.broadcast %and3A_769 : i32 to vector<128x1xi32>
    %and3A_771 = arith.andi %bitcast_convert_type3A_760, %and3A_770 : vector<128x1xi32>
    %shift_left3A_772 = arith.constant 3 : i32
    %shift_left3A_773 = vector.broadcast %shift_left3A_772 : i32 to vector<128x1xi32>
    %shift_left3A_774 = arith.shli %and3A_771, %shift_left3A_773 : vector<128x1xi32>
    %bitcast_convert_type3A_775 = tpu.bitcast %shift_left3A_774 : vector<128x1xi32> -> vector<128x1xf32>
    %eq3A_776 = vector.broadcast %add3A_768 : vector<128x1xf32> to vector<128x2048xf32>
    %eq3A_777 = arith.cmpf oeq, %convert_element_type3A, %eq3A_776 : vector<128x2048xf32>
    %jit3A_778 = arith.constant 0x7F800000 : f32
    %broadcast_in_dim3A_779 = vector.broadcast %jit3A_778 : f32 to vector<128x2048xf32>
    %select_n3A_780 = arith.select %eq3A_777, %broadcast_in_dim3A_779, %select_n3A_717 : vector<128x2048xi1>, vector<128x2048xf32>
    %slice3A_781 = vector.extract_strided_slice %select_n3A_780 {offsets = [0, 0], sizes = [128, 128], strides = [1, 1]} : vector<128x2048xf32> to vector<128x128xf32>
    %slice3A_782 = vector.extract_strided_slice %select_n3A_780 {offsets = [0, 128], sizes = [128, 128], strides = [1, 1]} : vector<128x2048xf32> to vector<128x128xf32>
    %min3A_783 = arith.minimumf %slice3A_781, %slice3A_782 : vector<128x128xf32>
    %slice3A_784 = vector.extract_strided_slice %select_n3A_780 {offsets = [0, 256], sizes = [128, 128], strides = [1, 1]} : vector<128x2048xf32> to vector<128x128xf32>
    %min3A_785 = arith.minimumf %min3A_783, %slice3A_784 : vector<128x128xf32>
    %slice3A_786 = vector.extract_strided_slice %select_n3A_780 {offsets = [0, 384], sizes = [128, 128], strides = [1, 1]} : vector<128x2048xf32> to vector<128x128xf32>
    %min3A_787 = arith.minimumf %min3A_785, %slice3A_786 : vector<128x128xf32>
    %slice3A_788 = vector.extract_strided_slice %select_n3A_780 {offsets = [0, 512], sizes = [128, 128], strides = [1, 1]} : vector<128x2048xf32> to vector<128x128xf32>
    %min3A_789 = arith.minimumf %min3A_787, %slice3A_788 : vector<128x128xf32>
    %slice3A_790 = vector.extract_strided_slice %select_n3A_780 {offsets = [0, 640], sizes = [128, 128], strides = [1, 1]} : vector<128x2048xf32> to vector<128x128xf32>
    %min3A_791 = arith.minimumf %min3A_789, %slice3A_790 : vector<128x128xf32>
    %slice3A_792 = vector.extract_strided_slice %select_n3A_780 {offsets = [0, 768], sizes = [128, 128], strides = [1, 1]} : vector<128x2048xf32> to vector<128x128xf32>
    %min3A_793 = arith.minimumf %min3A_791, %slice3A_792 : vector<128x128xf32>
    %slice3A_794 = vector.extract_strided_slice %select_n3A_780 {offsets = [0, 896], sizes = [128, 128], strides = [1, 1]} : vector<128x2048xf32> to vector<128x128xf32>
    %min3A_795 = arith.minimumf %min3A_793, %slice3A_794 : vector<128x128xf32>
    %slice3A_796 = vector.extract_strided_slice %select_n3A_780 {offsets = [0, 1024], sizes = [128, 128], strides = [1, 1]} : vector<128x2048xf32> to vector<128x128xf32>
    %min3A_797 = arith.minimumf %min3A_795, %slice3A_796 : vector<128x128xf32>
    %slice3A_798 = vector.extract_strided_slice %select_n3A_780 {offsets = [0, 1152], sizes = [128, 128], strides = [1, 1]} : vector<128x2048xf32> to vector<128x128xf32>
    %min3A_799 = arith.minimumf %min3A_797, %slice3A_798 : vector<128x128xf32>
    %slice3A_800 = vector.extract_strided_slice %select_n3A_780 {offsets = [0, 1280], sizes = [128, 128], strides = [1, 1]} : vector<128x2048xf32> to vector<128x128xf32>
    %min3A_801 = arith.minimumf %min3A_799, %slice3A_800 : vector<128x128xf32>
    %slice3A_802 = vector.extract_strided_slice %select_n3A_780 {offsets = [0, 1408], sizes = [128, 128], strides = [1, 1]} : vector<128x2048xf32> to vector<128x128xf32>
    %min3A_803 = arith.minimumf %min3A_801, %slice3A_802 : vector<128x128xf32>
    %slice3A_804 = vector.extract_strided_slice %select_n3A_780 {offsets = [0, 1536], sizes = [128, 128], strides = [1, 1]} : vector<128x2048xf32> to vector<128x128xf32>
    %min3A_805 = arith.minimumf %min3A_803, %slice3A_804 : vector<128x128xf32>
    %slice3A_806 = vector.extract_strided_slice %select_n3A_780 {offsets = [0, 1664], sizes = [128, 128], strides = [1, 1]} : vector<128x2048xf32> to vector<128x128xf32>
    %min3A_807 = arith.minimumf %min3A_805, %slice3A_806 : vector<128x128xf32>
    %slice3A_808 = vector.extract_strided_slice %select_n3A_780 {offsets = [0, 1792], sizes = [128, 128], strides = [1, 1]} : vector<128x2048xf32> to vector<128x128xf32>
    %min3A_809 = arith.minimumf %min3A_807, %slice3A_808 : vector<128x128xf32>
    %slice3A_810 = vector.extract_strided_slice %select_n3A_780 {offsets = [0, 1920], sizes = [128, 128], strides = [1, 1]} : vector<128x2048xf32> to vector<128x128xf32>
    %min3A_811 = arith.minimumf %min3A_809, %slice3A_810 : vector<128x128xf32>
    %reduce_min3A_812 = arith.constant dense<0x7F800000> : vector<128xf32>
    %reduce_min3A_813 = vector.multi_reduction <minimumf>, %min3A_811, %reduce_min3A_812 [1] : vector<128x128xf32> to vector<128xf32>
    %broadcast_in_dim3A_814 = vector.shape_cast %reduce_min3A_813 : vector<128xf32> to vector<128x1xf32>
    %eq3A_815 = vector.broadcast %broadcast_in_dim3A_814 : vector<128x1xf32> to vector<128x128xf32>
    %eq3A_816 = arith.cmpf oeq, %min3A_811, %eq3A_815 : vector<128x128xf32>
    %jit3A_817 = arith.constant 1.280000e+02 : f32
    %broadcast_in_dim3A_818 = vector.broadcast %jit3A_817 : f32 to vector<128x128xf32>
    %select_n3A_819 = arith.select %eq3A_816, %convert_element_type3A_31, %broadcast_in_dim3A_818 : vector<128x128xi1>, vector<128x128xf32>
    %reduce_min3A_820 = arith.constant dense<0x7F800000> : vector<128xf32>
    %reduce_min3A_821 = vector.multi_reduction <minimumf>, %select_n3A_819, %reduce_min3A_820 [1] : vector<128x128xf32> to vector<128xf32>
    %broadcast_in_dim3A_822 = vector.shape_cast %reduce_min3A_821 : vector<128xf32> to vector<128x1xf32>
    %bitcast_convert_type3A_823 = tpu.bitcast %broadcast_in_dim3A_814 : vector<128x1xf32> -> vector<128x1xi32>
    %and3A_824 = arith.constant 15 : i32
    %and3A_825 = vector.broadcast %and3A_824 : i32 to vector<128x1xi32>
    %and3A_826 = arith.andi %bitcast_convert_type3A_823, %and3A_825 : vector<128x1xi32>
    %convert_element_type3A_827 = arith.sitofp %and3A_826 : vector<128x1xi32> to vector<128x1xf32>
    %mul3A_828 = arith.constant 1.280000e+02 : f32
    %mul3A_829 = vector.broadcast %mul3A_828 : f32 to vector<128x1xf32>
    %mul3A_830 = arith.mulf %convert_element_type3A_827, %mul3A_829 : vector<128x1xf32>
    %add3A_831 = arith.addf %mul3A_830, %broadcast_in_dim3A_822 : vector<128x1xf32>
    %and3A_832 = arith.constant -16 : i32
    %and3A_833 = vector.broadcast %and3A_832 : i32 to vector<128x1xi32>
    %and3A_834 = arith.andi %bitcast_convert_type3A_823, %and3A_833 : vector<128x1xi32>
    %shift_left3A_835 = arith.constant 3 : i32
    %shift_left3A_836 = vector.broadcast %shift_left3A_835 : i32 to vector<128x1xi32>
    %shift_left3A_837 = arith.shli %and3A_834, %shift_left3A_836 : vector<128x1xi32>
    %bitcast_convert_type3A_838 = tpu.bitcast %shift_left3A_837 : vector<128x1xi32> -> vector<128x1xf32>
    %eq3A_839 = vector.broadcast %add3A_831 : vector<128x1xf32> to vector<128x2048xf32>
    %eq3A_840 = arith.cmpf oeq, %convert_element_type3A, %eq3A_839 : vector<128x2048xf32>
    %jit3A_841 = arith.constant 0x7F800000 : f32
    %broadcast_in_dim3A_842 = vector.broadcast %jit3A_841 : f32 to vector<128x2048xf32>
    %select_n3A_843 = arith.select %eq3A_840, %broadcast_in_dim3A_842, %select_n3A_780 : vector<128x2048xi1>, vector<128x2048xf32>
    %slice3A_844 = vector.extract_strided_slice %select_n3A_843 {offsets = [0, 0], sizes = [128, 128], strides = [1, 1]} : vector<128x2048xf32> to vector<128x128xf32>
    %slice3A_845 = vector.extract_strided_slice %select_n3A_843 {offsets = [0, 128], sizes = [128, 128], strides = [1, 1]} : vector<128x2048xf32> to vector<128x128xf32>
    %min3A_846 = arith.minimumf %slice3A_844, %slice3A_845 : vector<128x128xf32>
    %slice3A_847 = vector.extract_strided_slice %select_n3A_843 {offsets = [0, 256], sizes = [128, 128], strides = [1, 1]} : vector<128x2048xf32> to vector<128x128xf32>
    %min3A_848 = arith.minimumf %min3A_846, %slice3A_847 : vector<128x128xf32>
    %slice3A_849 = vector.extract_strided_slice %select_n3A_843 {offsets = [0, 384], sizes = [128, 128], strides = [1, 1]} : vector<128x2048xf32> to vector<128x128xf32>
    %min3A_850 = arith.minimumf %min3A_848, %slice3A_849 : vector<128x128xf32>
    %slice3A_851 = vector.extract_strided_slice %select_n3A_843 {offsets = [0, 512], sizes = [128, 128], strides = [1, 1]} : vector<128x2048xf32> to vector<128x128xf32>
    %min3A_852 = arith.minimumf %min3A_850, %slice3A_851 : vector<128x128xf32>
    %slice3A_853 = vector.extract_strided_slice %select_n3A_843 {offsets = [0, 640], sizes = [128, 128], strides = [1, 1]} : vector<128x2048xf32> to vector<128x128xf32>
    %min3A_854 = arith.minimumf %min3A_852, %slice3A_853 : vector<128x128xf32>
    %slice3A_855 = vector.extract_strided_slice %select_n3A_843 {offsets = [0, 768], sizes = [128, 128], strides = [1, 1]} : vector<128x2048xf32> to vector<128x128xf32>
    %min3A_856 = arith.minimumf %min3A_854, %slice3A_855 : vector<128x128xf32>
    %slice3A_857 = vector.extract_strided_slice %select_n3A_843 {offsets = [0, 896], sizes = [128, 128], strides = [1, 1]} : vector<128x2048xf32> to vector<128x128xf32>
    %min3A_858 = arith.minimumf %min3A_856, %slice3A_857 : vector<128x128xf32>
    %slice3A_859 = vector.extract_strided_slice %select_n3A_843 {offsets = [0, 1024], sizes = [128, 128], strides = [1, 1]} : vector<128x2048xf32> to vector<128x128xf32>
    %min3A_860 = arith.minimumf %min3A_858, %slice3A_859 : vector<128x128xf32>
    %slice3A_861 = vector.extract_strided_slice %select_n3A_843 {offsets = [0, 1152], sizes = [128, 128], strides = [1, 1]} : vector<128x2048xf32> to vector<128x128xf32>
    %min3A_862 = arith.minimumf %min3A_860, %slice3A_861 : vector<128x128xf32>
    %slice3A_863 = vector.extract_strided_slice %select_n3A_843 {offsets = [0, 1280], sizes = [128, 128], strides = [1, 1]} : vector<128x2048xf32> to vector<128x128xf32>
    %min3A_864 = arith.minimumf %min3A_862, %slice3A_863 : vector<128x128xf32>
    %slice3A_865 = vector.extract_strided_slice %select_n3A_843 {offsets = [0, 1408], sizes = [128, 128], strides = [1, 1]} : vector<128x2048xf32> to vector<128x128xf32>
    %min3A_866 = arith.minimumf %min3A_864, %slice3A_865 : vector<128x128xf32>
    %slice3A_867 = vector.extract_strided_slice %select_n3A_843 {offsets = [0, 1536], sizes = [128, 128], strides = [1, 1]} : vector<128x2048xf32> to vector<128x128xf32>
    %min3A_868 = arith.minimumf %min3A_866, %slice3A_867 : vector<128x128xf32>
    %slice3A_869 = vector.extract_strided_slice %select_n3A_843 {offsets = [0, 1664], sizes = [128, 128], strides = [1, 1]} : vector<128x2048xf32> to vector<128x128xf32>
    %min3A_870 = arith.minimumf %min3A_868, %slice3A_869 : vector<128x128xf32>
    %slice3A_871 = vector.extract_strided_slice %select_n3A_843 {offsets = [0, 1792], sizes = [128, 128], strides = [1, 1]} : vector<128x2048xf32> to vector<128x128xf32>
    %min3A_872 = arith.minimumf %min3A_870, %slice3A_871 : vector<128x128xf32>
    %slice3A_873 = vector.extract_strided_slice %select_n3A_843 {offsets = [0, 1920], sizes = [128, 128], strides = [1, 1]} : vector<128x2048xf32> to vector<128x128xf32>
    %min3A_874 = arith.minimumf %min3A_872, %slice3A_873 : vector<128x128xf32>
    %reduce_min3A_875 = arith.constant dense<0x7F800000> : vector<128xf32>
    %reduce_min3A_876 = vector.multi_reduction <minimumf>, %min3A_874, %reduce_min3A_875 [1] : vector<128x128xf32> to vector<128xf32>
    %broadcast_in_dim3A_877 = vector.shape_cast %reduce_min3A_876 : vector<128xf32> to vector<128x1xf32>
    %eq3A_878 = vector.broadcast %broadcast_in_dim3A_877 : vector<128x1xf32> to vector<128x128xf32>
    %eq3A_879 = arith.cmpf oeq, %min3A_874, %eq3A_878 : vector<128x128xf32>
    %jit3A_880 = arith.constant 1.280000e+02 : f32
    %broadcast_in_dim3A_881 = vector.broadcast %jit3A_880 : f32 to vector<128x128xf32>
    %select_n3A_882 = arith.select %eq3A_879, %convert_element_type3A_31, %broadcast_in_dim3A_881 : vector<128x128xi1>, vector<128x128xf32>
    %reduce_min3A_883 = arith.constant dense<0x7F800000> : vector<128xf32>
    %reduce_min3A_884 = vector.multi_reduction <minimumf>, %select_n3A_882, %reduce_min3A_883 [1] : vector<128x128xf32> to vector<128xf32>
    %broadcast_in_dim3A_885 = vector.shape_cast %reduce_min3A_884 : vector<128xf32> to vector<128x1xf32>
    %bitcast_convert_type3A_886 = tpu.bitcast %broadcast_in_dim3A_877 : vector<128x1xf32> -> vector<128x1xi32>
    %and3A_887 = arith.constant 15 : i32
    %and3A_888 = vector.broadcast %and3A_887 : i32 to vector<128x1xi32>
    %and3A_889 = arith.andi %bitcast_convert_type3A_886, %and3A_888 : vector<128x1xi32>
    %convert_element_type3A_890 = arith.sitofp %and3A_889 : vector<128x1xi32> to vector<128x1xf32>
    %mul3A_891 = arith.constant 1.280000e+02 : f32
    %mul3A_892 = vector.broadcast %mul3A_891 : f32 to vector<128x1xf32>
    %mul3A_893 = arith.mulf %convert_element_type3A_890, %mul3A_892 : vector<128x1xf32>
    %add3A_894 = arith.addf %mul3A_893, %broadcast_in_dim3A_885 : vector<128x1xf32>
    %and3A_895 = arith.constant -16 : i32
    %and3A_896 = vector.broadcast %and3A_895 : i32 to vector<128x1xi32>
    %and3A_897 = arith.andi %bitcast_convert_type3A_886, %and3A_896 : vector<128x1xi32>
    %shift_left3A_898 = arith.constant 3 : i32
    %shift_left3A_899 = vector.broadcast %shift_left3A_898 : i32 to vector<128x1xi32>
    %shift_left3A_900 = arith.shli %and3A_897, %shift_left3A_899 : vector<128x1xi32>
    %bitcast_convert_type3A_901 = tpu.bitcast %shift_left3A_900 : vector<128x1xi32> -> vector<128x1xf32>
    %eq3A_902 = vector.broadcast %add3A_894 : vector<128x1xf32> to vector<128x2048xf32>
    %eq3A_903 = arith.cmpf oeq, %convert_element_type3A, %eq3A_902 : vector<128x2048xf32>
    %jit3A_904 = arith.constant 0x7F800000 : f32
    %broadcast_in_dim3A_905 = vector.broadcast %jit3A_904 : f32 to vector<128x2048xf32>
    %select_n3A_906 = arith.select %eq3A_903, %broadcast_in_dim3A_905, %select_n3A_843 : vector<128x2048xi1>, vector<128x2048xf32>
    %slice3A_907 = vector.extract_strided_slice %select_n3A_906 {offsets = [0, 0], sizes = [128, 128], strides = [1, 1]} : vector<128x2048xf32> to vector<128x128xf32>
    %slice3A_908 = vector.extract_strided_slice %select_n3A_906 {offsets = [0, 128], sizes = [128, 128], strides = [1, 1]} : vector<128x2048xf32> to vector<128x128xf32>
    %min3A_909 = arith.minimumf %slice3A_907, %slice3A_908 : vector<128x128xf32>
    %slice3A_910 = vector.extract_strided_slice %select_n3A_906 {offsets = [0, 256], sizes = [128, 128], strides = [1, 1]} : vector<128x2048xf32> to vector<128x128xf32>
    %min3A_911 = arith.minimumf %min3A_909, %slice3A_910 : vector<128x128xf32>
    %slice3A_912 = vector.extract_strided_slice %select_n3A_906 {offsets = [0, 384], sizes = [128, 128], strides = [1, 1]} : vector<128x2048xf32> to vector<128x128xf32>
    %min3A_913 = arith.minimumf %min3A_911, %slice3A_912 : vector<128x128xf32>
    %slice3A_914 = vector.extract_strided_slice %select_n3A_906 {offsets = [0, 512], sizes = [128, 128], strides = [1, 1]} : vector<128x2048xf32> to vector<128x128xf32>
    %min3A_915 = arith.minimumf %min3A_913, %slice3A_914 : vector<128x128xf32>
    %slice3A_916 = vector.extract_strided_slice %select_n3A_906 {offsets = [0, 640], sizes = [128, 128], strides = [1, 1]} : vector<128x2048xf32> to vector<128x128xf32>
    %min3A_917 = arith.minimumf %min3A_915, %slice3A_916 : vector<128x128xf32>
    %slice3A_918 = vector.extract_strided_slice %select_n3A_906 {offsets = [0, 768], sizes = [128, 128], strides = [1, 1]} : vector<128x2048xf32> to vector<128x128xf32>
    %min3A_919 = arith.minimumf %min3A_917, %slice3A_918 : vector<128x128xf32>
    %slice3A_920 = vector.extract_strided_slice %select_n3A_906 {offsets = [0, 896], sizes = [128, 128], strides = [1, 1]} : vector<128x2048xf32> to vector<128x128xf32>
    %min3A_921 = arith.minimumf %min3A_919, %slice3A_920 : vector<128x128xf32>
    %slice3A_922 = vector.extract_strided_slice %select_n3A_906 {offsets = [0, 1024], sizes = [128, 128], strides = [1, 1]} : vector<128x2048xf32> to vector<128x128xf32>
    %min3A_923 = arith.minimumf %min3A_921, %slice3A_922 : vector<128x128xf32>
    %slice3A_924 = vector.extract_strided_slice %select_n3A_906 {offsets = [0, 1152], sizes = [128, 128], strides = [1, 1]} : vector<128x2048xf32> to vector<128x128xf32>
    %min3A_925 = arith.minimumf %min3A_923, %slice3A_924 : vector<128x128xf32>
    %slice3A_926 = vector.extract_strided_slice %select_n3A_906 {offsets = [0, 1280], sizes = [128, 128], strides = [1, 1]} : vector<128x2048xf32> to vector<128x128xf32>
    %min3A_927 = arith.minimumf %min3A_925, %slice3A_926 : vector<128x128xf32>
    %slice3A_928 = vector.extract_strided_slice %select_n3A_906 {offsets = [0, 1408], sizes = [128, 128], strides = [1, 1]} : vector<128x2048xf32> to vector<128x128xf32>
    %min3A_929 = arith.minimumf %min3A_927, %slice3A_928 : vector<128x128xf32>
    %slice3A_930 = vector.extract_strided_slice %select_n3A_906 {offsets = [0, 1536], sizes = [128, 128], strides = [1, 1]} : vector<128x2048xf32> to vector<128x128xf32>
    %min3A_931 = arith.minimumf %min3A_929, %slice3A_930 : vector<128x128xf32>
    %slice3A_932 = vector.extract_strided_slice %select_n3A_906 {offsets = [0, 1664], sizes = [128, 128], strides = [1, 1]} : vector<128x2048xf32> to vector<128x128xf32>
    %min3A_933 = arith.minimumf %min3A_931, %slice3A_932 : vector<128x128xf32>
    %slice3A_934 = vector.extract_strided_slice %select_n3A_906 {offsets = [0, 1792], sizes = [128, 128], strides = [1, 1]} : vector<128x2048xf32> to vector<128x128xf32>
    %min3A_935 = arith.minimumf %min3A_933, %slice3A_934 : vector<128x128xf32>
    %slice3A_936 = vector.extract_strided_slice %select_n3A_906 {offsets = [0, 1920], sizes = [128, 128], strides = [1, 1]} : vector<128x2048xf32> to vector<128x128xf32>
    %min3A_937 = arith.minimumf %min3A_935, %slice3A_936 : vector<128x128xf32>
    %reduce_min3A_938 = arith.constant dense<0x7F800000> : vector<128xf32>
    %reduce_min3A_939 = vector.multi_reduction <minimumf>, %min3A_937, %reduce_min3A_938 [1] : vector<128x128xf32> to vector<128xf32>
    %broadcast_in_dim3A_940 = vector.shape_cast %reduce_min3A_939 : vector<128xf32> to vector<128x1xf32>
    %eq3A_941 = vector.broadcast %broadcast_in_dim3A_940 : vector<128x1xf32> to vector<128x128xf32>
    %eq3A_942 = arith.cmpf oeq, %min3A_937, %eq3A_941 : vector<128x128xf32>
    %jit3A_943 = arith.constant 1.280000e+02 : f32
    %broadcast_in_dim3A_944 = vector.broadcast %jit3A_943 : f32 to vector<128x128xf32>
    %select_n3A_945 = arith.select %eq3A_942, %convert_element_type3A_31, %broadcast_in_dim3A_944 : vector<128x128xi1>, vector<128x128xf32>
    %reduce_min3A_946 = arith.constant dense<0x7F800000> : vector<128xf32>
    %reduce_min3A_947 = vector.multi_reduction <minimumf>, %select_n3A_945, %reduce_min3A_946 [1] : vector<128x128xf32> to vector<128xf32>
    %broadcast_in_dim3A_948 = vector.shape_cast %reduce_min3A_947 : vector<128xf32> to vector<128x1xf32>
    %bitcast_convert_type3A_949 = tpu.bitcast %broadcast_in_dim3A_940 : vector<128x1xf32> -> vector<128x1xi32>
    %and3A_950 = arith.constant 15 : i32
    %and3A_951 = vector.broadcast %and3A_950 : i32 to vector<128x1xi32>
    %and3A_952 = arith.andi %bitcast_convert_type3A_949, %and3A_951 : vector<128x1xi32>
    %convert_element_type3A_953 = arith.sitofp %and3A_952 : vector<128x1xi32> to vector<128x1xf32>
    %mul3A_954 = arith.constant 1.280000e+02 : f32
    %mul3A_955 = vector.broadcast %mul3A_954 : f32 to vector<128x1xf32>
    %mul3A_956 = arith.mulf %convert_element_type3A_953, %mul3A_955 : vector<128x1xf32>
    %add3A_957 = arith.addf %mul3A_956, %broadcast_in_dim3A_948 : vector<128x1xf32>
    %and3A_958 = arith.constant -16 : i32
    %and3A_959 = vector.broadcast %and3A_958 : i32 to vector<128x1xi32>
    %and3A_960 = arith.andi %bitcast_convert_type3A_949, %and3A_959 : vector<128x1xi32>
    %shift_left3A_961 = arith.constant 3 : i32
    %shift_left3A_962 = vector.broadcast %shift_left3A_961 : i32 to vector<128x1xi32>
    %shift_left3A_963 = arith.shli %and3A_960, %shift_left3A_962 : vector<128x1xi32>
    %bitcast_convert_type3A_964 = tpu.bitcast %shift_left3A_963 : vector<128x1xi32> -> vector<128x1xf32>
    %eq3A_965 = vector.broadcast %add3A_957 : vector<128x1xf32> to vector<128x2048xf32>
    %eq3A_966 = arith.cmpf oeq, %convert_element_type3A, %eq3A_965 : vector<128x2048xf32>
    %jit3A_967 = arith.constant 0x7F800000 : f32
    %broadcast_in_dim3A_968 = vector.broadcast %jit3A_967 : f32 to vector<128x2048xf32>
    %select_n3A_969 = arith.select %eq3A_966, %broadcast_in_dim3A_968, %select_n3A_906 : vector<128x2048xi1>, vector<128x2048xf32>
    %slice3A_970 = vector.extract_strided_slice %select_n3A_969 {offsets = [0, 0], sizes = [128, 128], strides = [1, 1]} : vector<128x2048xf32> to vector<128x128xf32>
    %slice3A_971 = vector.extract_strided_slice %select_n3A_969 {offsets = [0, 128], sizes = [128, 128], strides = [1, 1]} : vector<128x2048xf32> to vector<128x128xf32>
    %min3A_972 = arith.minimumf %slice3A_970, %slice3A_971 : vector<128x128xf32>
    %slice3A_973 = vector.extract_strided_slice %select_n3A_969 {offsets = [0, 256], sizes = [128, 128], strides = [1, 1]} : vector<128x2048xf32> to vector<128x128xf32>
    %min3A_974 = arith.minimumf %min3A_972, %slice3A_973 : vector<128x128xf32>
    %slice3A_975 = vector.extract_strided_slice %select_n3A_969 {offsets = [0, 384], sizes = [128, 128], strides = [1, 1]} : vector<128x2048xf32> to vector<128x128xf32>
    %min3A_976 = arith.minimumf %min3A_974, %slice3A_975 : vector<128x128xf32>
    %slice3A_977 = vector.extract_strided_slice %select_n3A_969 {offsets = [0, 512], sizes = [128, 128], strides = [1, 1]} : vector<128x2048xf32> to vector<128x128xf32>
    %min3A_978 = arith.minimumf %min3A_976, %slice3A_977 : vector<128x128xf32>
    %slice3A_979 = vector.extract_strided_slice %select_n3A_969 {offsets = [0, 640], sizes = [128, 128], strides = [1, 1]} : vector<128x2048xf32> to vector<128x128xf32>
    %min3A_980 = arith.minimumf %min3A_978, %slice3A_979 : vector<128x128xf32>
    %slice3A_981 = vector.extract_strided_slice %select_n3A_969 {offsets = [0, 768], sizes = [128, 128], strides = [1, 1]} : vector<128x2048xf32> to vector<128x128xf32>
    %min3A_982 = arith.minimumf %min3A_980, %slice3A_981 : vector<128x128xf32>
    %slice3A_983 = vector.extract_strided_slice %select_n3A_969 {offsets = [0, 896], sizes = [128, 128], strides = [1, 1]} : vector<128x2048xf32> to vector<128x128xf32>
    %min3A_984 = arith.minimumf %min3A_982, %slice3A_983 : vector<128x128xf32>
    %slice3A_985 = vector.extract_strided_slice %select_n3A_969 {offsets = [0, 1024], sizes = [128, 128], strides = [1, 1]} : vector<128x2048xf32> to vector<128x128xf32>
    %min3A_986 = arith.minimumf %min3A_984, %slice3A_985 : vector<128x128xf32>
    %slice3A_987 = vector.extract_strided_slice %select_n3A_969 {offsets = [0, 1152], sizes = [128, 128], strides = [1, 1]} : vector<128x2048xf32> to vector<128x128xf32>
    %min3A_988 = arith.minimumf %min3A_986, %slice3A_987 : vector<128x128xf32>
    %slice3A_989 = vector.extract_strided_slice %select_n3A_969 {offsets = [0, 1280], sizes = [128, 128], strides = [1, 1]} : vector<128x2048xf32> to vector<128x128xf32>
    %min3A_990 = arith.minimumf %min3A_988, %slice3A_989 : vector<128x128xf32>
    %slice3A_991 = vector.extract_strided_slice %select_n3A_969 {offsets = [0, 1408], sizes = [128, 128], strides = [1, 1]} : vector<128x2048xf32> to vector<128x128xf32>
    %min3A_992 = arith.minimumf %min3A_990, %slice3A_991 : vector<128x128xf32>
    %slice3A_993 = vector.extract_strided_slice %select_n3A_969 {offsets = [0, 1536], sizes = [128, 128], strides = [1, 1]} : vector<128x2048xf32> to vector<128x128xf32>
    %min3A_994 = arith.minimumf %min3A_992, %slice3A_993 : vector<128x128xf32>
    %slice3A_995 = vector.extract_strided_slice %select_n3A_969 {offsets = [0, 1664], sizes = [128, 128], strides = [1, 1]} : vector<128x2048xf32> to vector<128x128xf32>
    %min3A_996 = arith.minimumf %min3A_994, %slice3A_995 : vector<128x128xf32>
    %slice3A_997 = vector.extract_strided_slice %select_n3A_969 {offsets = [0, 1792], sizes = [128, 128], strides = [1, 1]} : vector<128x2048xf32> to vector<128x128xf32>
    %min3A_998 = arith.minimumf %min3A_996, %slice3A_997 : vector<128x128xf32>
    %slice3A_999 = vector.extract_strided_slice %select_n3A_969 {offsets = [0, 1920], sizes = [128, 128], strides = [1, 1]} : vector<128x2048xf32> to vector<128x128xf32>
    %min3A_1000 = arith.minimumf %min3A_998, %slice3A_999 : vector<128x128xf32>
    %reduce_min3A_1001 = arith.constant dense<0x7F800000> : vector<128xf32>
    %reduce_min3A_1002 = vector.multi_reduction <minimumf>, %min3A_1000, %reduce_min3A_1001 [1] : vector<128x128xf32> to vector<128xf32>
    %broadcast_in_dim3A_1003 = vector.shape_cast %reduce_min3A_1002 : vector<128xf32> to vector<128x1xf32>
    %eq3A_1004 = vector.broadcast %broadcast_in_dim3A_1003 : vector<128x1xf32> to vector<128x128xf32>
    %eq3A_1005 = arith.cmpf oeq, %min3A_1000, %eq3A_1004 : vector<128x128xf32>
    %jit3A_1006 = arith.constant 1.280000e+02 : f32
    %broadcast_in_dim3A_1007 = vector.broadcast %jit3A_1006 : f32 to vector<128x128xf32>
    %select_n3A_1008 = arith.select %eq3A_1005, %convert_element_type3A_31, %broadcast_in_dim3A_1007 : vector<128x128xi1>, vector<128x128xf32>
    %reduce_min3A_1009 = arith.constant dense<0x7F800000> : vector<128xf32>
    %reduce_min3A_1010 = vector.multi_reduction <minimumf>, %select_n3A_1008, %reduce_min3A_1009 [1] : vector<128x128xf32> to vector<128xf32>
    %broadcast_in_dim3A_1011 = vector.shape_cast %reduce_min3A_1010 : vector<128xf32> to vector<128x1xf32>
    %bitcast_convert_type3A_1012 = tpu.bitcast %broadcast_in_dim3A_1003 : vector<128x1xf32> -> vector<128x1xi32>
    %and3A_1013 = arith.constant 15 : i32
    %and3A_1014 = vector.broadcast %and3A_1013 : i32 to vector<128x1xi32>
    %and3A_1015 = arith.andi %bitcast_convert_type3A_1012, %and3A_1014 : vector<128x1xi32>
    %convert_element_type3A_1016 = arith.sitofp %and3A_1015 : vector<128x1xi32> to vector<128x1xf32>
    %mul3A_1017 = arith.constant 1.280000e+02 : f32
    %mul3A_1018 = vector.broadcast %mul3A_1017 : f32 to vector<128x1xf32>
    %mul3A_1019 = arith.mulf %convert_element_type3A_1016, %mul3A_1018 : vector<128x1xf32>
    %add3A_1020 = arith.addf %mul3A_1019, %broadcast_in_dim3A_1011 : vector<128x1xf32>
    %and3A_1021 = arith.constant -16 : i32
    %and3A_1022 = vector.broadcast %and3A_1021 : i32 to vector<128x1xi32>
    %and3A_1023 = arith.andi %bitcast_convert_type3A_1012, %and3A_1022 : vector<128x1xi32>
    %shift_left3A_1024 = arith.constant 3 : i32
    %shift_left3A_1025 = vector.broadcast %shift_left3A_1024 : i32 to vector<128x1xi32>
    %shift_left3A_1026 = arith.shli %and3A_1023, %shift_left3A_1025 : vector<128x1xi32>
    %bitcast_convert_type3A_1027 = tpu.bitcast %shift_left3A_1026 : vector<128x1xi32> -> vector<128x1xf32>
    %concatenate3A = tpu.concatenate %bitcast_convert_type3A_82, %bitcast_convert_type3A_145, %bitcast_convert_type3A_208, %bitcast_convert_type3A_271, %bitcast_convert_type3A_334, %bitcast_convert_type3A_397, %bitcast_convert_type3A_460, %bitcast_convert_type3A_523, %bitcast_convert_type3A_586, %bitcast_convert_type3A_649, %bitcast_convert_type3A_712, %bitcast_convert_type3A_775, %bitcast_convert_type3A_838, %bitcast_convert_type3A_901, %bitcast_convert_type3A_964, %bitcast_convert_type3A_1027 in 1 : vector<128x1xf32>, vector<128x1xf32>, vector<128x1xf32>, vector<128x1xf32>, vector<128x1xf32>, vector<128x1xf32>, vector<128x1xf32>, vector<128x1xf32>, vector<128x1xf32>, vector<128x1xf32>, vector<128x1xf32>, vector<128x1xf32>, vector<128x1xf32>, vector<128x1xf32>, vector<128x1xf32>, vector<128x1xf32> -> vector<128x16xf32>
    %concatenate3A_1028 = tpu.concatenate %add3A_76, %add3A_138, %add3A_201, %add3A_264, %add3A_327, %add3A_390, %add3A_453, %add3A_516, %add3A_579, %add3A_642, %add3A_705, %add3A_768, %add3A_831, %add3A_894, %add3A_957, %add3A_1020 in 1 : vector<128x1xf32>, vector<128x1xf32>, vector<128x1xf32>, vector<128x1xf32>, vector<128x1xf32>, vector<128x1xf32>, vector<128x1xf32>, vector<128x1xf32>, vector<128x1xf32>, vector<128x1xf32>, vector<128x1xf32>, vector<128x1xf32>, vector<128x1xf32>, vector<128x1xf32>, vector<128x1xf32>, vector<128x1xf32> -> vector<128x16xf32>
    %max3A_1029 = arith.constant 0.000000e+00 : f32
    %max3A_1030 = vector.broadcast %max3A_1029 : f32 to vector<128x16xf32>
    %max3A_1031 = arith.maximumf %concatenate3A, %max3A_1030 : vector<128x16xf32>
    %sqrt3A = math.sqrt %max3A_1031 : vector<128x16xf32>
    %gt3A = arith.constant 1.000000e+01 : f32
    %gt3A_1032 = vector.broadcast %gt3A : f32 to vector<128x16xf32>
    %gt3A_1033 = arith.cmpf ogt, %sqrt3A, %gt3A_1032 : vector<128x16xf32>
    %slice3A_1034 = vector.extract_strided_slice %concatenate3A_1028 {offsets = [0, 0], sizes = [128, 1], strides = [1, 1]} : vector<128x16xf32> to vector<128x1xf32>
    %broadcast_in_dim3A_1035 = vector.shape_cast %slice3A_1034 : vector<128x1xf32> to vector<128x1xf32>
    %broadcast_in_dim3A_1036 = vector.broadcast %broadcast_in_dim3A_1035 : vector<128x1xf32> to vector<128x16xf32>
    %select_n3A_1037 = arith.select %gt3A_1033, %broadcast_in_dim3A_1036, %concatenate3A_1028 : vector<128x16xi1>, vector<128x16xf32>
    %transpose3A = tpu.transpose %select_n3A_1037, [1, 0] : vector<128x16xf32> -> vector<16x128xf32>
    %convert_element_type3A_1038 = arith.fptosi %transpose3A : vector<16x128xf32> to vector<16x128xi32>
    %mul3A_1039 = arith.constant 2048 : i32
    %mul3A_1040 = arith.muli %arg0, %mul3A_1039 : i32
    %add3A_1041 = vector.broadcast %mul3A_1040 : i32 to vector<16x128xi32>
    %add3A_1042 = arith.addi %convert_element_type3A_1038, %add3A_1041 : vector<16x128xi32>
    %swap3A = arith.constant 0 : index
    %swap3A_1043 = arith.constant 0 : index
    %swap3A_1044 = arith.constant 0 : index
    %swap3A_1045 = vector.load %arg4[%swap3A, %swap3A_1043, %swap3A_1044] : memref<1x16x128xi32, #tpu.memory_space<vmem>>, vector<1x16x128xi32>
    %swap3A_1046 = vector.shape_cast %swap3A_1045 : vector<1x16x128xi32> to vector<16x128xi32>
    %swap3A_1047 = vector.shape_cast %add3A_1042 : vector<16x128xi32> to vector<1x16x128xi32>
    tpu.vector_store %arg4[%swap3A, %swap3A_1043, %swap3A_1044], %swap3A_1047 {strides = array<i32>} : memref<1x16x128xi32, #tpu.memory_space<vmem>>, vector<1x16x128xi32>,
    return
  }
  func.func @transform_0(%arg0: i32, %arg1: i32) -> (i32, i32, i32) {
    %c0_i32 = arith.constant 0 : i32
    %c0_i32_0 = arith.constant 0 : i32
    return %arg0, %arg1, %c0_i32 : i32, i32, i32
  }
  func.func @transform_1(%arg0: i32, %arg1: i32) -> (i32, i32, i32) {
    %c0_i32 = arith.constant 0 : i32
    %c0_i32_0 = arith.constant 0 : i32
    %c0_i32_1 = arith.constant 0 : i32
    return %arg0, %c0_i32, %c0_i32_0 : i32, i32, i32
  }
  func.func @transform_2(%arg0: i32, %arg1: i32) -> (i32, i32, i32) {
    %c0_i32 = arith.constant 0 : i32
    %c0_i32_0 = arith.constant 0 : i32
    return %arg0, %c0_i32, %arg1 : i32, i32, i32
  }
}

module attributes {stable_mosaic.version = 14 : i64} {
  func.func @_y0_body(%arg0: i32, %arg1: i32, %arg2: memref<1x16x1x128x128xf32, #tpu.memory_space<vmem>>, %arg3: memref<1x128x3xf32, #tpu.memory_space<vmem>>, %arg4: memref<1x128x64xf32, #tpu.memory_space<vmem>>, %arg5: memref<3x64xf32, #tpu.memory_space<vmem>>, %arg6: memref<128x64xf32, #tpu.memory_space<vmem>>, %arg7: memref<64x64xf32, #tpu.memory_space<vmem>>, %arg8: memref<1x16x1x128x64xbf16, #tpu.memory_space<vmem>>, %arg9: memref<6x8x128xf32, #tpu.memory_space<vmem>>) attributes {dimension_semantics = [#tpu.dimension_semantics<arbitrary>, #tpu.dimension_semantics<arbitrary>], iteration_bounds = array<i64: 8, 16>, scalar_prefetch = 0 : i64, scratch_operands = 0 : i64, tpu.core_type = #tpu.core_type<tc>, window_params = [{transform_indices = @transform_0, window_bounds = array<i64: 1, 16, 1, 128, 128>}, {transform_indices = @transform_1, window_bounds = array<i64: 1, 128, 3>}, {transform_indices = @transform_2, window_bounds = array<i64: 1, 128, 64>}, {pipeline_mode = #tpu.pipeline_mode<synchronous>, transform_indices = @transform_3, window_bounds = array<i64: 3, 64>}, {pipeline_mode = #tpu.pipeline_mode<synchronous>, transform_indices = @transform_4, window_bounds = array<i64: 128, 64>}, {pipeline_mode = #tpu.pipeline_mode<synchronous>, transform_indices = @transform_5, window_bounds = array<i64: 64, 64>}, {transform_indices = @transform_6, window_bounds = array<i64: 1, 16, 1, 128, 64>}, {pipeline_mode = #tpu.pipeline_mode<synchronous>, transform_indices = @transform_7, window_bounds = array<i64: 6, 8, 128>}]} {
    %eq3A = arith.constant 0 : i32
    %eq3A_0 = arith.cmpi eq, %arg0, %eq3A : i32
    %eq3A_1 = arith.constant 0 : i32
    %eq3A_2 = arith.cmpi eq, %arg1, %eq3A_1 : i32
    %and3A = arith.andi %eq3A_0, %eq3A_2 : i1
    %convert_element_type3A = arith.extui %and3A : i1 to i32
    %cond3A = arith.constant 0 : i32
    %cond3A_3 = arith.cmpi ne, %convert_element_type3A, %cond3A : i32
    scf.if %cond3A_3 {
      %broadcast_in_dim3A_120 = arith.constant 0.000000e+00 : f32
      %broadcast_in_dim3A_121 = vector.broadcast %broadcast_in_dim3A_120 : f32 to vector<6x8x128xf32>
      %swap3A_122 = arith.constant 0 : index
      %swap3A_123 = arith.constant 0 : index
      %swap3A_124 = arith.constant 0 : index
      %swap3A_125 = vector.load %arg9[%swap3A_122, %swap3A_123, %swap3A_124] : memref<6x8x128xf32, #tpu.memory_space<vmem>>, vector<6x8x128xf32>
      tpu.vector_store %arg9[%swap3A_122, %swap3A_123, %swap3A_124], %broadcast_in_dim3A_121 {strides = array<i32>} : memref<6x8x128xf32, #tpu.memory_space<vmem>>, vector<6x8x128xf32>,
    } else {
    }
    %get3A = arith.constant 0 : index
    %get3A_4 = arith.constant 0 : index
    %get3A_5 = arith.constant 0 : index
    %get3A_6 = arith.constant 0 : index
    %get3A_7 = arith.constant 0 : index
    %get3A_8 = vector.load %arg2[%get3A, %get3A_4, %get3A_5, %get3A_6, %get3A_7] : memref<1x16x1x128x128xf32, #tpu.memory_space<vmem>>, vector<1x16x1x128x128xf32>
    %get3A_9 = vector.shape_cast %get3A_8 : vector<1x16x1x128x128xf32> to vector<16x128x128xf32>
    %reshape3A = vector.shape_cast %get3A_9 : vector<16x128x128xf32> to vector<2048x128xf32>
    %get3A_10 = arith.constant 0 : index
    %get3A_11 = arith.constant 0 : index
    %get3A_12 = arith.constant 0 : index
    %get3A_13 = vector.load %arg4[%get3A_10, %get3A_11, %get3A_12] : memref<1x128x64xf32, #tpu.memory_space<vmem>>, vector<1x128x64xf32>
    %get3A_14 = vector.shape_cast %get3A_13 : vector<1x128x64xf32> to vector<128x64xf32>
    %get3A_15 = arith.constant 0 : index
    %get3A_16 = arith.constant 0 : index
    %get3A_17 = vector.load %arg7[%get3A_15, %get3A_16] : memref<64x64xf32, #tpu.memory_space<vmem>>, vector<64x64xf32>
    %dot_general3A = arith.constant dense<0.000000e+00> : vector<128x64xf32>
    %dot_general3A_18 = tpu.matmul %get3A_14, %get3A_17, %dot_general3A {dimension_numbers = #tpu.dot_dimension_numbers<[1], [0], [0], [1], [0, 0, 1, 1], [], []>, transpose_lhs_hint = false} : vector<128x64xf32>, vector<64x64xf32>, vector<128x64xf32> -> vector<128x64xf32>
    %get3A_19 = arith.constant 0 : index
    %get3A_20 = arith.constant 0 : index
    %get3A_21 = arith.constant 0 : index
    %get3A_22 = vector.load %arg3[%get3A_19, %get3A_20, %get3A_21] : memref<1x128x3xf32, #tpu.memory_space<vmem>>, vector<1x128x3xf32>
    %get3A_23 = vector.shape_cast %get3A_22 : vector<1x128x3xf32> to vector<128x3xf32>
    %get3A_24 = arith.constant 0 : index
    %get3A_25 = arith.constant 0 : index
    %get3A_26 = vector.load %arg5[%get3A_24, %get3A_25] : memref<3x64xf32, #tpu.memory_space<vmem>>, vector<3x64xf32>
    %dot_general3A_27 = arith.constant dense<0.000000e+00> : vector<128x64xf32>
    %dot_general3A_28 = tpu.matmul %get3A_23, %get3A_26, %dot_general3A_27 {dimension_numbers = #tpu.dot_dimension_numbers<[1], [0], [0], [1], [0, 0, 1, 1], [], []>, transpose_lhs_hint = false} : vector<128x3xf32>, vector<3x64xf32>, vector<128x64xf32> -> vector<128x64xf32>
    %sub3A = arith.subf %dot_general3A_18, %dot_general3A_28 : vector<128x64xf32>
    %broadcast_in_dim3A = vector.shape_cast %sub3A : vector<128x64xf32> to vector<1x128x64xf32>
    %broadcast_in_dim3A_29 = vector.shape_cast %broadcast_in_dim3A : vector<1x128x64xf32> to vector<1x128x64xf32>
    %broadcast_in_dim3A_30 = vector.broadcast %broadcast_in_dim3A_29 : vector<1x128x64xf32> to vector<16x128x64xf32>
    %reshape3A_31 = vector.shape_cast %broadcast_in_dim3A_30 : vector<16x128x64xf32> to vector<2048x64xf32>
    %get3A_32 = arith.constant 0 : index
    %get3A_33 = arith.constant 0 : index
    %get3A_34 = vector.load %arg6[%get3A_32, %get3A_33] : memref<128x64xf32, #tpu.memory_space<vmem>>, vector<128x64xf32>
    %dot_general3A_35 = arith.constant dense<0.000000e+00> : vector<2048x64xf32>
    %dot_general3A_36 = tpu.matmul %reshape3A, %get3A_34, %dot_general3A_35 {dimension_numbers = #tpu.dot_dimension_numbers<[1], [0], [0], [1], [0, 0, 1, 1], [], []>, transpose_lhs_hint = false} : vector<2048x128xf32>, vector<128x64xf32>, vector<2048x64xf32> -> vector<2048x64xf32>
    %add3A = arith.addf %dot_general3A_36, %reshape3A_31 : vector<2048x64xf32>
    %reshape3A_37 = vector.shape_cast %add3A : vector<2048x64xf32> to vector<16x128x64xf32>
    %convert_element_type3A_38 = arith.truncf %reshape3A_37 : vector<16x128x64xf32> to vector<16x128x64xbf16>
    %swap3A = arith.constant 0 : index
    %swap3A_39 = arith.constant 0 : index
    %swap3A_40 = arith.constant 0 : index
    %swap3A_41 = arith.constant 0 : index
    %swap3A_42 = arith.constant 0 : index
    %swap3A_43 = vector.load %arg8[%swap3A, %swap3A_39, %swap3A_40, %swap3A_41, %swap3A_42] : memref<1x16x1x128x64xbf16, #tpu.memory_space<vmem>>, vector<1x16x1x128x64xbf16>
    %swap3A_44 = vector.shape_cast %swap3A_43 : vector<1x16x1x128x64xbf16> to vector<16x128x64xbf16>
    %swap3A_45 = vector.shape_cast %convert_element_type3A_38 : vector<16x128x64xbf16> to vector<1x16x1x128x64xbf16>
    tpu.vector_store %arg8[%swap3A, %swap3A_39, %swap3A_40, %swap3A_41, %swap3A_42], %swap3A_45 {strides = array<i32>} : memref<1x16x1x128x64xbf16, #tpu.memory_space<vmem>>, vector<1x16x1x128x64xbf16>,
    %get3A_46 = arith.constant 0 : index
    %get3A_47 = arith.constant 0 : index
    %get3A_48 = arith.constant 0 : index
    %get3A_49 = vector.load %arg9[%get3A_46, %get3A_47, %get3A_48] : memref<6x8x128xf32, #tpu.memory_space<vmem>>, vector<1x8x64xf32>
    %get3A_50 = vector.shape_cast %get3A_49 : vector<1x8x64xf32> to vector<8x64xf32>
    %reshape3A_51 = vector.shape_cast %add3A : vector<2048x64xf32> to vector<256x8x64xf32>
    %slice3A = vector.extract_strided_slice %reshape3A_51 {offsets = [0, 0, 0], sizes = [128, 8, 64], strides = [1, 1, 1]} : vector<256x8x64xf32> to vector<128x8x64xf32>
    %slice3A_52 = vector.extract_strided_slice %reshape3A_51 {offsets = [128, 0, 0], sizes = [128, 8, 64], strides = [1, 1, 1]} : vector<256x8x64xf32> to vector<128x8x64xf32>
    %add3A_53 = arith.addf %slice3A, %slice3A_52 : vector<128x8x64xf32>
    %slice3A_54 = vector.extract_strided_slice %add3A_53 {offsets = [0, 0, 0], sizes = [64, 8, 64], strides = [1, 1, 1]} : vector<128x8x64xf32> to vector<64x8x64xf32>
    %slice3A_55 = vector.extract_strided_slice %add3A_53 {offsets = [64, 0, 0], sizes = [64, 8, 64], strides = [1, 1, 1]} : vector<128x8x64xf32> to vector<64x8x64xf32>
    %add3A_56 = arith.addf %slice3A_54, %slice3A_55 : vector<64x8x64xf32>
    %slice3A_57 = vector.extract_strided_slice %add3A_56 {offsets = [0, 0, 0], sizes = [32, 8, 64], strides = [1, 1, 1]} : vector<64x8x64xf32> to vector<32x8x64xf32>
    %slice3A_58 = vector.extract_strided_slice %add3A_56 {offsets = [32, 0, 0], sizes = [32, 8, 64], strides = [1, 1, 1]} : vector<64x8x64xf32> to vector<32x8x64xf32>
    %add3A_59 = arith.addf %slice3A_57, %slice3A_58 : vector<32x8x64xf32>
    %slice3A_60 = vector.extract_strided_slice %add3A_59 {offsets = [0, 0, 0], sizes = [16, 8, 64], strides = [1, 1, 1]} : vector<32x8x64xf32> to vector<16x8x64xf32>
    %slice3A_61 = vector.extract_strided_slice %add3A_59 {offsets = [16, 0, 0], sizes = [16, 8, 64], strides = [1, 1, 1]} : vector<32x8x64xf32> to vector<16x8x64xf32>
    %add3A_62 = arith.addf %slice3A_60, %slice3A_61 : vector<16x8x64xf32>
    %slice3A_63 = vector.extract_strided_slice %add3A_62 {offsets = [0, 0, 0], sizes = [8, 8, 64], strides = [1, 1, 1]} : vector<16x8x64xf32> to vector<8x8x64xf32>
    %slice3A_64 = vector.extract_strided_slice %add3A_62 {offsets = [8, 0, 0], sizes = [8, 8, 64], strides = [1, 1, 1]} : vector<16x8x64xf32> to vector<8x8x64xf32>
    %add3A_65 = arith.addf %slice3A_63, %slice3A_64 : vector<8x8x64xf32>
    %slice3A_66 = vector.extract_strided_slice %add3A_65 {offsets = [0, 0, 0], sizes = [4, 8, 64], strides = [1, 1, 1]} : vector<8x8x64xf32> to vector<4x8x64xf32>
    %slice3A_67 = vector.extract_strided_slice %add3A_65 {offsets = [4, 0, 0], sizes = [4, 8, 64], strides = [1, 1, 1]} : vector<8x8x64xf32> to vector<4x8x64xf32>
    %add3A_68 = arith.addf %slice3A_66, %slice3A_67 : vector<4x8x64xf32>
    %slice3A_69 = vector.extract_strided_slice %add3A_68 {offsets = [0, 0, 0], sizes = [2, 8, 64], strides = [1, 1, 1]} : vector<4x8x64xf32> to vector<2x8x64xf32>
    %slice3A_70 = vector.extract_strided_slice %add3A_68 {offsets = [2, 0, 0], sizes = [2, 8, 64], strides = [1, 1, 1]} : vector<4x8x64xf32> to vector<2x8x64xf32>
    %add3A_71 = arith.addf %slice3A_69, %slice3A_70 : vector<2x8x64xf32>
    %slice3A_72 = vector.extract_strided_slice %add3A_71 {offsets = [0, 0, 0], sizes = [1, 8, 64], strides = [1, 1, 1]} : vector<2x8x64xf32> to vector<1x8x64xf32>
    %slice3A_73 = vector.extract_strided_slice %add3A_71 {offsets = [1, 0, 0], sizes = [1, 8, 64], strides = [1, 1, 1]} : vector<2x8x64xf32> to vector<1x8x64xf32>
    %add3A_74 = arith.addf %slice3A_72, %slice3A_73 : vector<1x8x64xf32>
    %squeeze3A = vector.shape_cast %add3A_74 : vector<1x8x64xf32> to vector<8x64xf32>
    %add3A_75 = arith.addf %get3A_50, %squeeze3A : vector<8x64xf32>
    %swap3A_76 = arith.constant 0 : index
    %swap3A_77 = arith.constant 0 : index
    %swap3A_78 = arith.constant 0 : index
    %swap3A_79 = vector.load %arg9[%swap3A_76, %swap3A_77, %swap3A_78] : memref<6x8x128xf32, #tpu.memory_space<vmem>>, vector<1x8x64xf32>
    %swap3A_80 = vector.shape_cast %swap3A_79 : vector<1x8x64xf32> to vector<8x64xf32>
    %swap3A_81 = vector.shape_cast %add3A_75 : vector<8x64xf32> to vector<1x8x64xf32>
    tpu.vector_store %arg9[%swap3A_76, %swap3A_77, %swap3A_78], %swap3A_81 {strides = array<i32>} : memref<6x8x128xf32, #tpu.memory_space<vmem>>, vector<1x8x64xf32>,
    %get3A_82 = arith.constant 1 : index
    %get3A_83 = arith.constant 0 : index
    %get3A_84 = arith.constant 0 : index
    %get3A_85 = vector.load %arg9[%get3A_82, %get3A_83, %get3A_84] : memref<6x8x128xf32, #tpu.memory_space<vmem>>, vector<1x8x64xf32>
    %get3A_86 = vector.shape_cast %get3A_85 : vector<1x8x64xf32> to vector<8x64xf32>
    %mul3A = arith.mulf %add3A, %add3A : vector<2048x64xf32>
    %reshape3A_87 = vector.shape_cast %mul3A : vector<2048x64xf32> to vector<256x8x64xf32>
    %slice3A_88 = vector.extract_strided_slice %reshape3A_87 {offsets = [0, 0, 0], sizes = [128, 8, 64], strides = [1, 1, 1]} : vector<256x8x64xf32> to vector<128x8x64xf32>
    %slice3A_89 = vector.extract_strided_slice %reshape3A_87 {offsets = [128, 0, 0], sizes = [128, 8, 64], strides = [1, 1, 1]} : vector<256x8x64xf32> to vector<128x8x64xf32>
    %add3A_90 = arith.addf %slice3A_88, %slice3A_89 : vector<128x8x64xf32>
    %slice3A_91 = vector.extract_strided_slice %add3A_90 {offsets = [0, 0, 0], sizes = [64, 8, 64], strides = [1, 1, 1]} : vector<128x8x64xf32> to vector<64x8x64xf32>
    %slice3A_92 = vector.extract_strided_slice %add3A_90 {offsets = [64, 0, 0], sizes = [64, 8, 64], strides = [1, 1, 1]} : vector<128x8x64xf32> to vector<64x8x64xf32>
    %add3A_93 = arith.addf %slice3A_91, %slice3A_92 : vector<64x8x64xf32>
    %slice3A_94 = vector.extract_strided_slice %add3A_93 {offsets = [0, 0, 0], sizes = [32, 8, 64], strides = [1, 1, 1]} : vector<64x8x64xf32> to vector<32x8x64xf32>
    %slice3A_95 = vector.extract_strided_slice %add3A_93 {offsets = [32, 0, 0], sizes = [32, 8, 64], strides = [1, 1, 1]} : vector<64x8x64xf32> to vector<32x8x64xf32>
    %add3A_96 = arith.addf %slice3A_94, %slice3A_95 : vector<32x8x64xf32>
    %slice3A_97 = vector.extract_strided_slice %add3A_96 {offsets = [0, 0, 0], sizes = [16, 8, 64], strides = [1, 1, 1]} : vector<32x8x64xf32> to vector<16x8x64xf32>
    %slice3A_98 = vector.extract_strided_slice %add3A_96 {offsets = [16, 0, 0], sizes = [16, 8, 64], strides = [1, 1, 1]} : vector<32x8x64xf32> to vector<16x8x64xf32>
    %add3A_99 = arith.addf %slice3A_97, %slice3A_98 : vector<16x8x64xf32>
    %slice3A_100 = vector.extract_strided_slice %add3A_99 {offsets = [0, 0, 0], sizes = [8, 8, 64], strides = [1, 1, 1]} : vector<16x8x64xf32> to vector<8x8x64xf32>
    %slice3A_101 = vector.extract_strided_slice %add3A_99 {offsets = [8, 0, 0], sizes = [8, 8, 64], strides = [1, 1, 1]} : vector<16x8x64xf32> to vector<8x8x64xf32>
    %add3A_102 = arith.addf %slice3A_100, %slice3A_101 : vector<8x8x64xf32>
    %slice3A_103 = vector.extract_strided_slice %add3A_102 {offsets = [0, 0, 0], sizes = [4, 8, 64], strides = [1, 1, 1]} : vector<8x8x64xf32> to vector<4x8x64xf32>
    %slice3A_104 = vector.extract_strided_slice %add3A_102 {offsets = [4, 0, 0], sizes = [4, 8, 64], strides = [1, 1, 1]} : vector<8x8x64xf32> to vector<4x8x64xf32>
    %add3A_105 = arith.addf %slice3A_103, %slice3A_104 : vector<4x8x64xf32>
    %slice3A_106 = vector.extract_strided_slice %add3A_105 {offsets = [0, 0, 0], sizes = [2, 8, 64], strides = [1, 1, 1]} : vector<4x8x64xf32> to vector<2x8x64xf32>
    %slice3A_107 = vector.extract_strided_slice %add3A_105 {offsets = [2, 0, 0], sizes = [2, 8, 64], strides = [1, 1, 1]} : vector<4x8x64xf32> to vector<2x8x64xf32>
    %add3A_108 = arith.addf %slice3A_106, %slice3A_107 : vector<2x8x64xf32>
    %slice3A_109 = vector.extract_strided_slice %add3A_108 {offsets = [0, 0, 0], sizes = [1, 8, 64], strides = [1, 1, 1]} : vector<2x8x64xf32> to vector<1x8x64xf32>
    %slice3A_110 = vector.extract_strided_slice %add3A_108 {offsets = [1, 0, 0], sizes = [1, 8, 64], strides = [1, 1, 1]} : vector<2x8x64xf32> to vector<1x8x64xf32>
    %add3A_111 = arith.addf %slice3A_109, %slice3A_110 : vector<1x8x64xf32>
    %squeeze3A_112 = vector.shape_cast %add3A_111 : vector<1x8x64xf32> to vector<8x64xf32>
    %add3A_113 = arith.addf %get3A_86, %squeeze3A_112 : vector<8x64xf32>
    %swap3A_114 = arith.constant 1 : index
    %swap3A_115 = arith.constant 0 : index
    %swap3A_116 = arith.constant 0 : index
    %swap3A_117 = vector.load %arg9[%swap3A_114, %swap3A_115, %swap3A_116] : memref<6x8x128xf32, #tpu.memory_space<vmem>>, vector<1x8x64xf32>
    %swap3A_118 = vector.shape_cast %swap3A_117 : vector<1x8x64xf32> to vector<8x64xf32>
    %swap3A_119 = vector.shape_cast %add3A_113 : vector<8x64xf32> to vector<1x8x64xf32>
    tpu.vector_store %arg9[%swap3A_114, %swap3A_115, %swap3A_116], %swap3A_119 {strides = array<i32>} : memref<6x8x128xf32, #tpu.memory_space<vmem>>, vector<1x8x64xf32>,
    return
  }
  func.func @transform_0(%arg0: i32, %arg1: i32) -> (i32, i32, i32, i32, i32) {
    %c0_i32 = arith.constant 0 : i32
    %c0_i32_0 = arith.constant 0 : i32
    %c0_i32_1 = arith.constant 0 : i32
    %c0_i32_2 = arith.constant 0 : i32
    return %arg0, %c0_i32, %arg1, %c0_i32_0, %c0_i32_1 : i32, i32, i32, i32, i32
  }
  func.func @transform_1(%arg0: i32, %arg1: i32) -> (i32, i32, i32) {
    %c0_i32 = arith.constant 0 : i32
    %c0_i32_0 = arith.constant 0 : i32
    return %arg0, %arg1, %c0_i32 : i32, i32, i32
  }
  func.func @transform_2(%arg0: i32, %arg1: i32) -> (i32, i32, i32) {
    %c0_i32 = arith.constant 0 : i32
    %c0_i32_0 = arith.constant 0 : i32
    return %arg0, %arg1, %c0_i32 : i32, i32, i32
  }
  func.func @transform_3(%arg0: i32, %arg1: i32) -> (i32, i32) {
    %c0_i32 = arith.constant 0 : i32
    %c0_i32_0 = arith.constant 0 : i32
    %c0_i32_1 = arith.constant 0 : i32
    return %c0_i32, %c0_i32_0 : i32, i32
  }
  func.func @transform_4(%arg0: i32, %arg1: i32) -> (i32, i32) {
    %c0_i32 = arith.constant 0 : i32
    %c0_i32_0 = arith.constant 0 : i32
    %c0_i32_1 = arith.constant 0 : i32
    return %c0_i32, %c0_i32_0 : i32, i32
  }
  func.func @transform_5(%arg0: i32, %arg1: i32) -> (i32, i32) {
    %c0_i32 = arith.constant 0 : i32
    %c0_i32_0 = arith.constant 0 : i32
    %c0_i32_1 = arith.constant 0 : i32
    return %c0_i32, %c0_i32_0 : i32, i32
  }
  func.func @transform_6(%arg0: i32, %arg1: i32) -> (i32, i32, i32, i32, i32) {
    %c0_i32 = arith.constant 0 : i32
    %c0_i32_0 = arith.constant 0 : i32
    %c0_i32_1 = arith.constant 0 : i32
    %c0_i32_2 = arith.constant 0 : i32
    return %arg0, %c0_i32, %arg1, %c0_i32_0, %c0_i32_1 : i32, i32, i32, i32, i32
  }
  func.func @transform_7(%arg0: i32, %arg1: i32) -> (i32, i32, i32) {
    %c0_i32 = arith.constant 0 : i32
    %c0_i32_0 = arith.constant 0 : i32
    %c0_i32_1 = arith.constant 0 : i32
    %c0_i32_2 = arith.constant 0 : i32
    return %c0_i32, %c0_i32_0, %c0_i32_1 : i32, i32, i32
  }
}

module attributes {stable_mosaic.version = 14 : i64} {
  func.func @_ab_body(%arg0: i32, %arg1: i32, %arg2: i32, %arg3: memref<1x16x1x128x64xbf16, #tpu.memory_space<vmem>>, %arg4: memref<64x64xf32, #tpu.memory_space<vmem>>, %arg5: memref<64x128xf32, #tpu.memory_space<vmem>>, %arg6: memref<8x128xf32, #tpu.memory_space<vmem>>, %arg7: memref<6x8x128xf32, #tpu.memory_space<vmem>>, %arg8: memref<8x128xf32, #tpu.memory_space<vmem>>, %arg9: memref<6x8x128xf32, #tpu.memory_space<vmem>>) attributes {dimension_semantics = [#tpu.dimension_semantics<arbitrary>, #tpu.dimension_semantics<arbitrary>, #tpu.dimension_semantics<arbitrary>], iteration_bounds = array<i64: 2, 8, 16>, scalar_prefetch = 0 : i64, scratch_operands = 1 : i64, tpu.core_type = #tpu.core_type<tc>, window_params = [{transform_indices = @transform_0, window_bounds = array<i64: 1, 16, 1, 128, 64>}, {pipeline_mode = #tpu.pipeline_mode<synchronous>, transform_indices = @transform_1, window_bounds = array<i64: 64, 64>}, {pipeline_mode = #tpu.pipeline_mode<synchronous>, transform_indices = @transform_2, window_bounds = array<i64: 64, 128>}, {pipeline_mode = #tpu.pipeline_mode<synchronous>, transform_indices = @transform_3, window_bounds = array<i64: 8, 128>}, {pipeline_mode = #tpu.pipeline_mode<synchronous>, transform_indices = @transform_4, window_bounds = array<i64: 6, 8, 128>}, {pipeline_mode = #tpu.pipeline_mode<synchronous>, transform_indices = @transform_5, window_bounds = array<i64: 8, 128>}]} {
    %eq3A = arith.constant 0 : i32
    %eq3A_0 = arith.cmpi eq, %arg1, %eq3A : i32
    %eq3A_1 = arith.constant 0 : i32
    %eq3A_2 = arith.cmpi eq, %arg2, %eq3A_1 : i32
    %and3A = arith.andi %eq3A_0, %eq3A_2 : i1
    %eq3A_3 = arith.constant 7 : i32
    %eq3A_4 = arith.cmpi eq, %arg1, %eq3A_3 : i32
    %eq3A_5 = arith.constant 15 : i32
    %eq3A_6 = arith.cmpi eq, %arg2, %eq3A_5 : i32
    %and3A_7 = arith.andi %eq3A_4, %eq3A_6 : i1
    %eq3A_8 = arith.constant 0 : i32
    %eq3A_9 = arith.cmpi eq, %arg0, %eq3A_8 : i32
    %and3A_10 = arith.andi %and3A, %eq3A_9 : i1
    %convert_element_type3A = arith.extui %and3A_10 : i1 to i32
    %cond3A = arith.constant 0 : i32
    %cond3A_11 = arith.cmpi ne, %convert_element_type3A, %cond3A : i32
    scf.if %cond3A_11 {
      %broadcast_in_dim3A = arith.constant 0.000000e+00 : f32
      %broadcast_in_dim3A_55 = vector.broadcast %broadcast_in_dim3A : f32 to vector<6x8x128xf32>
      %swap3A = arith.constant 0 : index
      %swap3A_56 = arith.constant 0 : index
      %swap3A_57 = arith.constant 0 : index
      %swap3A_58 = vector.load %arg9[%swap3A, %swap3A_56, %swap3A_57] : memref<6x8x128xf32, #tpu.memory_space<vmem>>, vector<6x8x128xf32>
      tpu.vector_store %arg9[%swap3A, %swap3A_56, %swap3A_57], %broadcast_in_dim3A_55 {strides = array<i32>} : memref<6x8x128xf32, #tpu.memory_space<vmem>>, vector<6x8x128xf32>,
      %get3A_59 = arith.constant 0 : index
      %get3A_60 = arith.constant 0 : index
      %get3A_61 = arith.constant 0 : index
      %get3A_62 = vector.load %arg7[%get3A_59, %get3A_60, %get3A_61] : memref<6x8x128xf32, #tpu.memory_space<vmem>>, vector<1x8x128xf32>
      %get3A_63 = vector.shape_cast %get3A_62 : vector<1x8x128xf32> to vector<8x128xf32>
      %reduce_sum3A = arith.constant dense<0.000000e+00> : vector<128xf32>
      %reduce_sum3A_64 = vector.multi_reduction <add>, %get3A_63, %reduce_sum3A [0] : vector<8x128xf32> to vector<128xf32>
      %broadcast_in_dim3A_65 = vector.shape_cast %reduce_sum3A_64 : vector<128xf32> to vector<1x128xf32>
      %get3A_66 = arith.constant 1 : index
      %get3A_67 = arith.constant 0 : index
      %get3A_68 = arith.constant 0 : index
      %get3A_69 = vector.load %arg7[%get3A_66, %get3A_67, %get3A_68] : memref<6x8x128xf32, #tpu.memory_space<vmem>>, vector<1x8x128xf32>
      %get3A_70 = vector.shape_cast %get3A_69 : vector<1x8x128xf32> to vector<8x128xf32>
      %reduce_sum3A_71 = arith.constant dense<0.000000e+00> : vector<128xf32>
      %reduce_sum3A_72 = vector.multi_reduction <add>, %get3A_70, %reduce_sum3A_71 [0] : vector<8x128xf32> to vector<128xf32>
      %broadcast_in_dim3A_73 = vector.shape_cast %reduce_sum3A_72 : vector<128xf32> to vector<1x128xf32>
      %mul3A_74 = arith.constant 3.81469727E-6 : f32
      %mul3A_75 = vector.broadcast %mul3A_74 : f32 to vector<1x128xf32>
      %mul3A_76 = arith.mulf %broadcast_in_dim3A_65, %mul3A_75 : vector<1x128xf32>
      %mul3A_77 = arith.constant 3.81469727E-6 : f32
      %mul3A_78 = vector.broadcast %mul3A_77 : f32 to vector<1x128xf32>
      %mul3A_79 = arith.mulf %broadcast_in_dim3A_73, %mul3A_78 : vector<1x128xf32>
      %mul3A_80 = arith.mulf %mul3A_76, %mul3A_76 : vector<1x128xf32>
      %sub3A = arith.subf %mul3A_79, %mul3A_80 : vector<1x128xf32>
      %get3A_81 = arith.constant 0 : index
      %get3A_82 = arith.constant 0 : index
      %get3A_83 = vector.load %arg6[%get3A_81, %get3A_82] : memref<8x128xf32, #tpu.memory_space<vmem>>, vector<1x128xf32>
      %add3A_84 = arith.constant 9.99999974E-6 : f32
      %add3A_85 = vector.broadcast %add3A_84 : f32 to vector<1x128xf32>
      %add3A_86 = arith.addf %sub3A, %add3A_85 : vector<1x128xf32>
      %rsqrt3A = math.rsqrt %add3A_86 : vector<1x128xf32>
      %mul3A_87 = arith.mulf %get3A_83, %rsqrt3A : vector<1x128xf32>
      %get3A_88 = arith.constant 1 : index
      %get3A_89 = arith.constant 0 : index
      %get3A_90 = vector.load %arg6[%get3A_88, %get3A_89] : memref<8x128xf32, #tpu.memory_space<vmem>>, vector<1x128xf32>
      %mul3A_91 = arith.mulf %mul3A_76, %mul3A_87 : vector<1x128xf32>
      %sub3A_92 = arith.subf %get3A_90, %mul3A_91 : vector<1x128xf32>
      %swap3A_93 = arith.constant 0 : index
      %swap3A_94 = arith.constant 0 : index
      %swap3A_95 = vector.load %arg8[%swap3A_93, %swap3A_94] : memref<8x128xf32, #tpu.memory_space<vmem>>, vector<1x128xf32>
      tpu.vector_store %arg8[%swap3A_93, %swap3A_94], %mul3A_87 {strides = array<i32>} : memref<8x128xf32, #tpu.memory_space<vmem>>, vector<1x128xf32>,
      %swap3A_96 = arith.constant 1 : index
      %swap3A_97 = arith.constant 0 : index
      %swap3A_98 = vector.load %arg8[%swap3A_96, %swap3A_97] : memref<8x128xf32, #tpu.memory_space<vmem>>, vector<1x128xf32>
      tpu.vector_store %arg8[%swap3A_96, %swap3A_97], %sub3A_92 {strides = array<i32>} : memref<8x128xf32, #tpu.memory_space<vmem>>, vector<1x128xf32>,
    } else {
    }
    %eq3A_12 = arith.constant 1 : i32
    %eq3A_13 = arith.cmpi eq, %arg0, %eq3A_12 : i32
    %and3A_14 = arith.andi %and3A, %eq3A_13 : i1
    %convert_element_type3A_15 = arith.extui %and3A_14 : i1 to i32
    %cond3A_16 = arith.constant 0 : i32
    %cond3A_17 = arith.cmpi ne, %convert_element_type3A_15, %cond3A_16 : i32
    scf.if %cond3A_17 {
      %get3A_55 = arith.constant 2 : index
      %get3A_56 = arith.constant 0 : index
      %get3A_57 = arith.constant 0 : index
      %get3A_58 = vector.load %arg9[%get3A_55, %get3A_56, %get3A_57] : memref<6x8x128xf32, #tpu.memory_space<vmem>>, vector<1x8x128xf32>
      %get3A_59 = vector.shape_cast %get3A_58 : vector<1x8x128xf32> to vector<8x128xf32>
      %reduce_sum3A = arith.constant dense<0.000000e+00> : vector<128xf32>
      %reduce_sum3A_60 = vector.multi_reduction <add>, %get3A_59, %reduce_sum3A [0] : vector<8x128xf32> to vector<128xf32>
      %broadcast_in_dim3A = vector.shape_cast %reduce_sum3A_60 : vector<128xf32> to vector<1x128xf32>
      %get3A_61 = arith.constant 3 : index
      %get3A_62 = arith.constant 0 : index
      %get3A_63 = arith.constant 0 : index
      %get3A_64 = vector.load %arg9[%get3A_61, %get3A_62, %get3A_63] : memref<6x8x128xf32, #tpu.memory_space<vmem>>, vector<1x8x128xf32>
      %get3A_65 = vector.shape_cast %get3A_64 : vector<1x8x128xf32> to vector<8x128xf32>
      %reduce_sum3A_66 = arith.constant dense<0.000000e+00> : vector<128xf32>
      %reduce_sum3A_67 = vector.multi_reduction <add>, %get3A_65, %reduce_sum3A_66 [0] : vector<8x128xf32> to vector<128xf32>
      %broadcast_in_dim3A_68 = vector.shape_cast %reduce_sum3A_67 : vector<128xf32> to vector<1x128xf32>
      %mul3A_69 = arith.constant 3.81469727E-6 : f32
      %mul3A_70 = vector.broadcast %mul3A_69 : f32 to vector<1x128xf32>
      %mul3A_71 = arith.mulf %broadcast_in_dim3A, %mul3A_70 : vector<1x128xf32>
      %mul3A_72 = arith.constant 3.81469727E-6 : f32
      %mul3A_73 = vector.broadcast %mul3A_72 : f32 to vector<1x128xf32>
      %mul3A_74 = arith.mulf %broadcast_in_dim3A_68, %mul3A_73 : vector<1x128xf32>
      %mul3A_75 = arith.mulf %mul3A_71, %mul3A_71 : vector<1x128xf32>
      %sub3A = arith.subf %mul3A_74, %mul3A_75 : vector<1x128xf32>
      %get3A_76 = arith.constant 2 : index
      %get3A_77 = arith.constant 0 : index
      %get3A_78 = vector.load %arg6[%get3A_76, %get3A_77] : memref<8x128xf32, #tpu.memory_space<vmem>>, vector<1x128xf32>
      %add3A_79 = arith.constant 9.99999974E-6 : f32
      %add3A_80 = vector.broadcast %add3A_79 : f32 to vector<1x128xf32>
      %add3A_81 = arith.addf %sub3A, %add3A_80 : vector<1x128xf32>
      %rsqrt3A = math.rsqrt %add3A_81 : vector<1x128xf32>
      %mul3A_82 = arith.mulf %get3A_78, %rsqrt3A : vector<1x128xf32>
      %get3A_83 = arith.constant 3 : index
      %get3A_84 = arith.constant 0 : index
      %get3A_85 = vector.load %arg6[%get3A_83, %get3A_84] : memref<8x128xf32, #tpu.memory_space<vmem>>, vector<1x128xf32>
      %mul3A_86 = arith.mulf %mul3A_71, %mul3A_82 : vector<1x128xf32>
      %sub3A_87 = arith.subf %get3A_85, %mul3A_86 : vector<1x128xf32>
      %swap3A = arith.constant 2 : index
      %swap3A_88 = arith.constant 0 : index
      %swap3A_89 = vector.load %arg8[%swap3A, %swap3A_88] : memref<8x128xf32, #tpu.memory_space<vmem>>, vector<1x128xf32>
      tpu.vector_store %arg8[%swap3A, %swap3A_88], %mul3A_82 {strides = array<i32>} : memref<8x128xf32, #tpu.memory_space<vmem>>, vector<1x128xf32>,
      %swap3A_90 = arith.constant 3 : index
      %swap3A_91 = arith.constant 0 : index
      %swap3A_92 = vector.load %arg8[%swap3A_90, %swap3A_91] : memref<8x128xf32, #tpu.memory_space<vmem>>, vector<1x128xf32>
      tpu.vector_store %arg8[%swap3A_90, %swap3A_91], %sub3A_87 {strides = array<i32>} : memref<8x128xf32, #tpu.memory_space<vmem>>, vector<1x128xf32>,
    } else {
    }
    %get3A = arith.constant 0 : index
    %get3A_18 = arith.constant 0 : index
    %get3A_19 = arith.constant 0 : index
    %get3A_20 = arith.constant 0 : index
    %get3A_21 = arith.constant 0 : index
    %get3A_22 = vector.load %arg3[%get3A, %get3A_18, %get3A_19, %get3A_20, %get3A_21] : memref<1x16x1x128x64xbf16, #tpu.memory_space<vmem>>, vector<1x16x1x128x64xbf16>
    %get3A_23 = vector.shape_cast %get3A_22 : vector<1x16x1x128x64xbf16> to vector<16x128x64xbf16>
    %reshape3A = vector.shape_cast %get3A_23 : vector<16x128x64xbf16> to vector<2048x64xbf16>
    %convert_element_type3A_24 = arith.extf %reshape3A : vector<2048x64xbf16> to vector<2048x64xf32>
    %get3A_25 = arith.constant 0 : index
    %get3A_26 = arith.constant 0 : index
    %get3A_27 = vector.load %arg8[%get3A_25, %get3A_26] : memref<8x128xf32, #tpu.memory_space<vmem>>, vector<1x64xf32>
    %get3A_28 = arith.constant 1 : index
    %get3A_29 = arith.constant 0 : index
    %get3A_30 = vector.load %arg8[%get3A_28, %get3A_29] : memref<8x128xf32, #tpu.memory_space<vmem>>, vector<1x64xf32>
    %mul3A = vector.broadcast %get3A_27 : vector<1x64xf32> to vector<2048x64xf32>
    %mul3A_31 = arith.mulf %convert_element_type3A_24, %mul3A : vector<2048x64xf32>
    %add3A = vector.broadcast %get3A_30 : vector<1x64xf32> to vector<2048x64xf32>
    %add3A_32 = arith.addf %mul3A_31, %add3A : vector<2048x64xf32>
    %max3A = arith.constant 0.000000e+00 : f32
    %max3A_33 = vector.broadcast %max3A : f32 to vector<2048x64xf32>
    %max3A_34 = arith.maximumf %add3A_32, %max3A_33 : vector<2048x64xf32>
    %get3A_35 = arith.constant 0 : index
    %get3A_36 = arith.constant 0 : index
    %get3A_37 = vector.load %arg4[%get3A_35, %get3A_36] : memref<64x64xf32, #tpu.memory_space<vmem>>, vector<64x64xf32>
    %dot_general3A = arith.constant dense<0.000000e+00> : vector<2048x64xf32>
    %dot_general3A_38 = tpu.matmul %max3A_34, %get3A_37, %dot_general3A {dimension_numbers = #tpu.dot_dimension_numbers<[1], [0], [0], [1], [0, 0, 1, 1], [], []>, transpose_lhs_hint = false} : vector<2048x64xf32>, vector<64x64xf32>, vector<2048x64xf32> -> vector<2048x64xf32>
    %eq3A_39 = arith.constant 0 : i32
    %eq3A_40 = arith.cmpi eq, %arg0, %eq3A_39 : i32
    %convert_element_type3A_41 = arith.extui %eq3A_40 : i1 to i32
    %cond3A_42 = arith.constant 0 : i32
    %cond3A_43 = arith.cmpi ne, %convert_element_type3A_41, %cond3A_42 : i32
    scf.if %cond3A_43 {
      %get3A_55 = arith.constant 2 : index
      %get3A_56 = arith.constant 0 : index
      %get3A_57 = arith.constant 0 : index
      %get3A_58 = vector.load %arg9[%get3A_55, %get3A_56, %get3A_57] : memref<6x8x128xf32, #tpu.memory_space<vmem>>, vector<1x8x64xf32>
      %get3A_59 = vector.shape_cast %get3A_58 : vector<1x8x64xf32> to vector<8x64xf32>
      %reshape3A_60 = vector.shape_cast %dot_general3A_38 : vector<2048x64xf32> to vector<256x8x64xf32>
      %slice3A = vector.extract_strided_slice %reshape3A_60 {offsets = [0, 0, 0], sizes = [128, 8, 64], strides = [1, 1, 1]} : vector<256x8x64xf32> to vector<128x8x64xf32>
      %slice3A_61 = vector.extract_strided_slice %reshape3A_60 {offsets = [128, 0, 0], sizes = [128, 8, 64], strides = [1, 1, 1]} : vector<256x8x64xf32> to vector<128x8x64xf32>
      %add3A_62 = arith.addf %slice3A, %slice3A_61 : vector<128x8x64xf32>
      %slice3A_63 = vector.extract_strided_slice %add3A_62 {offsets = [0, 0, 0], sizes = [64, 8, 64], strides = [1, 1, 1]} : vector<128x8x64xf32> to vector<64x8x64xf32>
      %slice3A_64 = vector.extract_strided_slice %add3A_62 {offsets = [64, 0, 0], sizes = [64, 8, 64], strides = [1, 1, 1]} : vector<128x8x64xf32> to vector<64x8x64xf32>
      %add3A_65 = arith.addf %slice3A_63, %slice3A_64 : vector<64x8x64xf32>
      %slice3A_66 = vector.extract_strided_slice %add3A_65 {offsets = [0, 0, 0], sizes = [32, 8, 64], strides = [1, 1, 1]} : vector<64x8x64xf32> to vector<32x8x64xf32>
      %slice3A_67 = vector.extract_strided_slice %add3A_65 {offsets = [32, 0, 0], sizes = [32, 8, 64], strides = [1, 1, 1]} : vector<64x8x64xf32> to vector<32x8x64xf32>
      %add3A_68 = arith.addf %slice3A_66, %slice3A_67 : vector<32x8x64xf32>
      %slice3A_69 = vector.extract_strided_slice %add3A_68 {offsets = [0, 0, 0], sizes = [16, 8, 64], strides = [1, 1, 1]} : vector<32x8x64xf32> to vector<16x8x64xf32>
      %slice3A_70 = vector.extract_strided_slice %add3A_68 {offsets = [16, 0, 0], sizes = [16, 8, 64], strides = [1, 1, 1]} : vector<32x8x64xf32> to vector<16x8x64xf32>
      %add3A_71 = arith.addf %slice3A_69, %slice3A_70 : vector<16x8x64xf32>
      %slice3A_72 = vector.extract_strided_slice %add3A_71 {offsets = [0, 0, 0], sizes = [8, 8, 64], strides = [1, 1, 1]} : vector<16x8x64xf32> to vector<8x8x64xf32>
      %slice3A_73 = vector.extract_strided_slice %add3A_71 {offsets = [8, 0, 0], sizes = [8, 8, 64], strides = [1, 1, 1]} : vector<16x8x64xf32> to vector<8x8x64xf32>
      %add3A_74 = arith.addf %slice3A_72, %slice3A_73 : vector<8x8x64xf32>
      %slice3A_75 = vector.extract_strided_slice %add3A_74 {offsets = [0, 0, 0], sizes = [4, 8, 64], strides = [1, 1, 1]} : vector<8x8x64xf32> to vector<4x8x64xf32>
      %slice3A_76 = vector.extract_strided_slice %add3A_74 {offsets = [4, 0, 0], sizes = [4, 8, 64], strides = [1, 1, 1]} : vector<8x8x64xf32> to vector<4x8x64xf32>
      %add3A_77 = arith.addf %slice3A_75, %slice3A_76 : vector<4x8x64xf32>
      %slice3A_78 = vector.extract_strided_slice %add3A_77 {offsets = [0, 0, 0], sizes = [2, 8, 64], strides = [1, 1, 1]} : vector<4x8x64xf32> to vector<2x8x64xf32>
      %slice3A_79 = vector.extract_strided_slice %add3A_77 {offsets = [2, 0, 0], sizes = [2, 8, 64], strides = [1, 1, 1]} : vector<4x8x64xf32> to vector<2x8x64xf32>
      %add3A_80 = arith.addf %slice3A_78, %slice3A_79 : vector<2x8x64xf32>
      %slice3A_81 = vector.extract_strided_slice %add3A_80 {offsets = [0, 0, 0], sizes = [1, 8, 64], strides = [1, 1, 1]} : vector<2x8x64xf32> to vector<1x8x64xf32>
      %slice3A_82 = vector.extract_strided_slice %add3A_80 {offsets = [1, 0, 0], sizes = [1, 8, 64], strides = [1, 1, 1]} : vector<2x8x64xf32> to vector<1x8x64xf32>
      %add3A_83 = arith.addf %slice3A_81, %slice3A_82 : vector<1x8x64xf32>
      %squeeze3A = vector.shape_cast %add3A_83 : vector<1x8x64xf32> to vector<8x64xf32>
      %add3A_84 = arith.addf %get3A_59, %squeeze3A : vector<8x64xf32>
      %swap3A = arith.constant 2 : index
      %swap3A_85 = arith.constant 0 : index
      %swap3A_86 = arith.constant 0 : index
      %swap3A_87 = vector.load %arg9[%swap3A, %swap3A_85, %swap3A_86] : memref<6x8x128xf32, #tpu.memory_space<vmem>>, vector<1x8x64xf32>
      %swap3A_88 = vector.shape_cast %swap3A_87 : vector<1x8x64xf32> to vector<8x64xf32>
      %swap3A_89 = vector.shape_cast %add3A_84 : vector<8x64xf32> to vector<1x8x64xf32>
      tpu.vector_store %arg9[%swap3A, %swap3A_85, %swap3A_86], %swap3A_89 {strides = array<i32>} : memref<6x8x128xf32, #tpu.memory_space<vmem>>, vector<1x8x64xf32>,
      %get3A_90 = arith.constant 3 : index
      %get3A_91 = arith.constant 0 : index
      %get3A_92 = arith.constant 0 : index
      %get3A_93 = vector.load %arg9[%get3A_90, %get3A_91, %get3A_92] : memref<6x8x128xf32, #tpu.memory_space<vmem>>, vector<1x8x64xf32>
      %get3A_94 = vector.shape_cast %get3A_93 : vector<1x8x64xf32> to vector<8x64xf32>
      %mul3A_95 = arith.mulf %dot_general3A_38, %dot_general3A_38 : vector<2048x64xf32>
      %reshape3A_96 = vector.shape_cast %mul3A_95 : vector<2048x64xf32> to vector<256x8x64xf32>
      %slice3A_97 = vector.extract_strided_slice %reshape3A_96 {offsets = [0, 0, 0], sizes = [128, 8, 64], strides = [1, 1, 1]} : vector<256x8x64xf32> to vector<128x8x64xf32>
      %slice3A_98 = vector.extract_strided_slice %reshape3A_96 {offsets = [128, 0, 0], sizes = [128, 8, 64], strides = [1, 1, 1]} : vector<256x8x64xf32> to vector<128x8x64xf32>
      %add3A_99 = arith.addf %slice3A_97, %slice3A_98 : vector<128x8x64xf32>
      %slice3A_100 = vector.extract_strided_slice %add3A_99 {offsets = [0, 0, 0], sizes = [64, 8, 64], strides = [1, 1, 1]} : vector<128x8x64xf32> to vector<64x8x64xf32>
      %slice3A_101 = vector.extract_strided_slice %add3A_99 {offsets = [64, 0, 0], sizes = [64, 8, 64], strides = [1, 1, 1]} : vector<128x8x64xf32> to vector<64x8x64xf32>
      %add3A_102 = arith.addf %slice3A_100, %slice3A_101 : vector<64x8x64xf32>
      %slice3A_103 = vector.extract_strided_slice %add3A_102 {offsets = [0, 0, 0], sizes = [32, 8, 64], strides = [1, 1, 1]} : vector<64x8x64xf32> to vector<32x8x64xf32>
      %slice3A_104 = vector.extract_strided_slice %add3A_102 {offsets = [32, 0, 0], sizes = [32, 8, 64], strides = [1, 1, 1]} : vector<64x8x64xf32> to vector<32x8x64xf32>
      %add3A_105 = arith.addf %slice3A_103, %slice3A_104 : vector<32x8x64xf32>
      %slice3A_106 = vector.extract_strided_slice %add3A_105 {offsets = [0, 0, 0], sizes = [16, 8, 64], strides = [1, 1, 1]} : vector<32x8x64xf32> to vector<16x8x64xf32>
      %slice3A_107 = vector.extract_strided_slice %add3A_105 {offsets = [16, 0, 0], sizes = [16, 8, 64], strides = [1, 1, 1]} : vector<32x8x64xf32> to vector<16x8x64xf32>
      %add3A_108 = arith.addf %slice3A_106, %slice3A_107 : vector<16x8x64xf32>
      %slice3A_109 = vector.extract_strided_slice %add3A_108 {offsets = [0, 0, 0], sizes = [8, 8, 64], strides = [1, 1, 1]} : vector<16x8x64xf32> to vector<8x8x64xf32>
      %slice3A_110 = vector.extract_strided_slice %add3A_108 {offsets = [8, 0, 0], sizes = [8, 8, 64], strides = [1, 1, 1]} : vector<16x8x64xf32> to vector<8x8x64xf32>
      %add3A_111 = arith.addf %slice3A_109, %slice3A_110 : vector<8x8x64xf32>
      %slice3A_112 = vector.extract_strided_slice %add3A_111 {offsets = [0, 0, 0], sizes = [4, 8, 64], strides = [1, 1, 1]} : vector<8x8x64xf32> to vector<4x8x64xf32>
      %slice3A_113 = vector.extract_strided_slice %add3A_111 {offsets = [4, 0, 0], sizes = [4, 8, 64], strides = [1, 1, 1]} : vector<8x8x64xf32> to vector<4x8x64xf32>
      %add3A_114 = arith.addf %slice3A_112, %slice3A_113 : vector<4x8x64xf32>
      %slice3A_115 = vector.extract_strided_slice %add3A_114 {offsets = [0, 0, 0], sizes = [2, 8, 64], strides = [1, 1, 1]} : vector<4x8x64xf32> to vector<2x8x64xf32>
      %slice3A_116 = vector.extract_strided_slice %add3A_114 {offsets = [2, 0, 0], sizes = [2, 8, 64], strides = [1, 1, 1]} : vector<4x8x64xf32> to vector<2x8x64xf32>
      %add3A_117 = arith.addf %slice3A_115, %slice3A_116 : vector<2x8x64xf32>
      %slice3A_118 = vector.extract_strided_slice %add3A_117 {offsets = [0, 0, 0], sizes = [1, 8, 64], strides = [1, 1, 1]} : vector<2x8x64xf32> to vector<1x8x64xf32>
      %slice3A_119 = vector.extract_strided_slice %add3A_117 {offsets = [1, 0, 0], sizes = [1, 8, 64], strides = [1, 1, 1]} : vector<2x8x64xf32> to vector<1x8x64xf32>
      %add3A_120 = arith.addf %slice3A_118, %slice3A_119 : vector<1x8x64xf32>
      %squeeze3A_121 = vector.shape_cast %add3A_120 : vector<1x8x64xf32> to vector<8x64xf32>
      %add3A_122 = arith.addf %get3A_94, %squeeze3A_121 : vector<8x64xf32>
      %swap3A_123 = arith.constant 3 : index
      %swap3A_124 = arith.constant 0 : index
      %swap3A_125 = arith.constant 0 : index
      %swap3A_126 = vector.load %arg9[%swap3A_123, %swap3A_124, %swap3A_125] : memref<6x8x128xf32, #tpu.memory_space<vmem>>, vector<1x8x64xf32>
      %swap3A_127 = vector.shape_cast %swap3A_126 : vector<1x8x64xf32> to vector<8x64xf32>
      %swap3A_128 = vector.shape_cast %add3A_122 : vector<8x64xf32> to vector<1x8x64xf32>
      tpu.vector_store %arg9[%swap3A_123, %swap3A_124, %swap3A_125], %swap3A_128 {strides = array<i32>} : memref<6x8x128xf32, #tpu.memory_space<vmem>>, vector<1x8x64xf32>,
    } else {
    }
    %eq3A_44 = arith.constant 1 : i32
    %eq3A_45 = arith.cmpi eq, %arg0, %eq3A_44 : i32
    %convert_element_type3A_46 = arith.extui %eq3A_45 : i1 to i32
    %cond3A_47 = arith.constant 0 : i32
    %cond3A_48 = arith.cmpi ne, %convert_element_type3A_46, %cond3A_47 : i32
    scf.if %cond3A_48 {
      %get3A_55 = arith.constant 2 : index
      %get3A_56 = arith.constant 0 : index
      %get3A_57 = vector.load %arg8[%get3A_55, %get3A_56] : memref<8x128xf32, #tpu.memory_space<vmem>>, vector<1x64xf32>
      %get3A_58 = arith.constant 3 : index
      %get3A_59 = arith.constant 0 : index
      %get3A_60 = vector.load %arg8[%get3A_58, %get3A_59] : memref<8x128xf32, #tpu.memory_space<vmem>>, vector<1x64xf32>
      %mul3A_61 = vector.broadcast %get3A_57 : vector<1x64xf32> to vector<2048x64xf32>
      %mul3A_62 = arith.mulf %dot_general3A_38, %mul3A_61 : vector<2048x64xf32>
      %add3A_63 = vector.broadcast %get3A_60 : vector<1x64xf32> to vector<2048x64xf32>
      %add3A_64 = arith.addf %mul3A_62, %add3A_63 : vector<2048x64xf32>
      %max3A_65 = arith.constant 0.000000e+00 : f32
      %max3A_66 = vector.broadcast %max3A_65 : f32 to vector<2048x64xf32>
      %max3A_67 = arith.maximumf %add3A_64, %max3A_66 : vector<2048x64xf32>
      %get3A_68 = arith.constant 0 : index
      %get3A_69 = arith.constant 0 : index
      %get3A_70 = vector.load %arg5[%get3A_68, %get3A_69] : memref<64x128xf32, #tpu.memory_space<vmem>>, vector<64x128xf32>
      %dot_general3A_71 = arith.constant dense<0.000000e+00> : vector<2048x128xf32>
      %dot_general3A_72 = tpu.matmul %max3A_67, %get3A_70, %dot_general3A_71 {dimension_numbers = #tpu.dot_dimension_numbers<[1], [0], [0], [1], [0, 0, 1, 1], [], []>, transpose_lhs_hint = false} : vector<2048x64xf32>, vector<64x128xf32>, vector<2048x128xf32> -> vector<2048x128xf32>
      %get3A_73 = arith.constant 4 : index
      %get3A_74 = arith.constant 0 : index
      %get3A_75 = arith.constant 0 : index
      %get3A_76 = vector.load %arg9[%get3A_73, %get3A_74, %get3A_75] : memref<6x8x128xf32, #tpu.memory_space<vmem>>, vector<1x8x128xf32>
      %get3A_77 = vector.shape_cast %get3A_76 : vector<1x8x128xf32> to vector<8x128xf32>
      %reshape3A_78 = vector.shape_cast %dot_general3A_72 : vector<2048x128xf32> to vector<256x8x128xf32>
      %slice3A = vector.extract_strided_slice %reshape3A_78 {offsets = [0, 0, 0], sizes = [128, 8, 128], strides = [1, 1, 1]} : vector<256x8x128xf32> to vector<128x8x128xf32>
      %slice3A_79 = vector.extract_strided_slice %reshape3A_78 {offsets = [128, 0, 0], sizes = [128, 8, 128], strides = [1, 1, 1]} : vector<256x8x128xf32> to vector<128x8x128xf32>
      %add3A_80 = arith.addf %slice3A, %slice3A_79 : vector<128x8x128xf32>
      %slice3A_81 = vector.extract_strided_slice %add3A_80 {offsets = [0, 0, 0], sizes = [64, 8, 128], strides = [1, 1, 1]} : vector<128x8x128xf32> to vector<64x8x128xf32>
      %slice3A_82 = vector.extract_strided_slice %add3A_80 {offsets = [64, 0, 0], sizes = [64, 8, 128], strides = [1, 1, 1]} : vector<128x8x128xf32> to vector<64x8x128xf32>
      %add3A_83 = arith.addf %slice3A_81, %slice3A_82 : vector<64x8x128xf32>
      %slice3A_84 = vector.extract_strided_slice %add3A_83 {offsets = [0, 0, 0], sizes = [32, 8, 128], strides = [1, 1, 1]} : vector<64x8x128xf32> to vector<32x8x128xf32>
      %slice3A_85 = vector.extract_strided_slice %add3A_83 {offsets = [32, 0, 0], sizes = [32, 8, 128], strides = [1, 1, 1]} : vector<64x8x128xf32> to vector<32x8x128xf32>
      %add3A_86 = arith.addf %slice3A_84, %slice3A_85 : vector<32x8x128xf32>
      %slice3A_87 = vector.extract_strided_slice %add3A_86 {offsets = [0, 0, 0], sizes = [16, 8, 128], strides = [1, 1, 1]} : vector<32x8x128xf32> to vector<16x8x128xf32>
      %slice3A_88 = vector.extract_strided_slice %add3A_86 {offsets = [16, 0, 0], sizes = [16, 8, 128], strides = [1, 1, 1]} : vector<32x8x128xf32> to vector<16x8x128xf32>
      %add3A_89 = arith.addf %slice3A_87, %slice3A_88 : vector<16x8x128xf32>
      %slice3A_90 = vector.extract_strided_slice %add3A_89 {offsets = [0, 0, 0], sizes = [8, 8, 128], strides = [1, 1, 1]} : vector<16x8x128xf32> to vector<8x8x128xf32>
      %slice3A_91 = vector.extract_strided_slice %add3A_89 {offsets = [8, 0, 0], sizes = [8, 8, 128], strides = [1, 1, 1]} : vector<16x8x128xf32> to vector<8x8x128xf32>
      %add3A_92 = arith.addf %slice3A_90, %slice3A_91 : vector<8x8x128xf32>
      %slice3A_93 = vector.extract_strided_slice %add3A_92 {offsets = [0, 0, 0], sizes = [4, 8, 128], strides = [1, 1, 1]} : vector<8x8x128xf32> to vector<4x8x128xf32>
      %slice3A_94 = vector.extract_strided_slice %add3A_92 {offsets = [4, 0, 0], sizes = [4, 8, 128], strides = [1, 1, 1]} : vector<8x8x128xf32> to vector<4x8x128xf32>
      %add3A_95 = arith.addf %slice3A_93, %slice3A_94 : vector<4x8x128xf32>
      %slice3A_96 = vector.extract_strided_slice %add3A_95 {offsets = [0, 0, 0], sizes = [2, 8, 128], strides = [1, 1, 1]} : vector<4x8x128xf32> to vector<2x8x128xf32>
      %slice3A_97 = vector.extract_strided_slice %add3A_95 {offsets = [2, 0, 0], sizes = [2, 8, 128], strides = [1, 1, 1]} : vector<4x8x128xf32> to vector<2x8x128xf32>
      %add3A_98 = arith.addf %slice3A_96, %slice3A_97 : vector<2x8x128xf32>
      %slice3A_99 = vector.extract_strided_slice %add3A_98 {offsets = [0, 0, 0], sizes = [1, 8, 128], strides = [1, 1, 1]} : vector<2x8x128xf32> to vector<1x8x128xf32>
      %slice3A_100 = vector.extract_strided_slice %add3A_98 {offsets = [1, 0, 0], sizes = [1, 8, 128], strides = [1, 1, 1]} : vector<2x8x128xf32> to vector<1x8x128xf32>
      %add3A_101 = arith.addf %slice3A_99, %slice3A_100 : vector<1x8x128xf32>
      %squeeze3A = vector.shape_cast %add3A_101 : vector<1x8x128xf32> to vector<8x128xf32>
      %add3A_102 = arith.addf %get3A_77, %squeeze3A : vector<8x128xf32>
      %swap3A = arith.constant 4 : index
      %swap3A_103 = arith.constant 0 : index
      %swap3A_104 = arith.constant 0 : index
      %swap3A_105 = vector.load %arg9[%swap3A, %swap3A_103, %swap3A_104] : memref<6x8x128xf32, #tpu.memory_space<vmem>>, vector<1x8x128xf32>
      %swap3A_106 = vector.shape_cast %swap3A_105 : vector<1x8x128xf32> to vector<8x128xf32>
      %swap3A_107 = vector.shape_cast %add3A_102 : vector<8x128xf32> to vector<1x8x128xf32>
      tpu.vector_store %arg9[%swap3A, %swap3A_103, %swap3A_104], %swap3A_107 {strides = array<i32>} : memref<6x8x128xf32, #tpu.memory_space<vmem>>, vector<1x8x128xf32>,
      %get3A_108 = arith.constant 5 : index
      %get3A_109 = arith.constant 0 : index
      %get3A_110 = arith.constant 0 : index
      %get3A_111 = vector.load %arg9[%get3A_108, %get3A_109, %get3A_110] : memref<6x8x128xf32, #tpu.memory_space<vmem>>, vector<1x8x128xf32>
      %get3A_112 = vector.shape_cast %get3A_111 : vector<1x8x128xf32> to vector<8x128xf32>
      %mul3A_113 = arith.mulf %dot_general3A_72, %dot_general3A_72 : vector<2048x128xf32>
      %reshape3A_114 = vector.shape_cast %mul3A_113 : vector<2048x128xf32> to vector<256x8x128xf32>
      %slice3A_115 = vector.extract_strided_slice %reshape3A_114 {offsets = [0, 0, 0], sizes = [128, 8, 128], strides = [1, 1, 1]} : vector<256x8x128xf32> to vector<128x8x128xf32>
      %slice3A_116 = vector.extract_strided_slice %reshape3A_114 {offsets = [128, 0, 0], sizes = [128, 8, 128], strides = [1, 1, 1]} : vector<256x8x128xf32> to vector<128x8x128xf32>
      %add3A_117 = arith.addf %slice3A_115, %slice3A_116 : vector<128x8x128xf32>
      %slice3A_118 = vector.extract_strided_slice %add3A_117 {offsets = [0, 0, 0], sizes = [64, 8, 128], strides = [1, 1, 1]} : vector<128x8x128xf32> to vector<64x8x128xf32>
      %slice3A_119 = vector.extract_strided_slice %add3A_117 {offsets = [64, 0, 0], sizes = [64, 8, 128], strides = [1, 1, 1]} : vector<128x8x128xf32> to vector<64x8x128xf32>
      %add3A_120 = arith.addf %slice3A_118, %slice3A_119 : vector<64x8x128xf32>
      %slice3A_121 = vector.extract_strided_slice %add3A_120 {offsets = [0, 0, 0], sizes = [32, 8, 128], strides = [1, 1, 1]} : vector<64x8x128xf32> to vector<32x8x128xf32>
      %slice3A_122 = vector.extract_strided_slice %add3A_120 {offsets = [32, 0, 0], sizes = [32, 8, 128], strides = [1, 1, 1]} : vector<64x8x128xf32> to vector<32x8x128xf32>
      %add3A_123 = arith.addf %slice3A_121, %slice3A_122 : vector<32x8x128xf32>
      %slice3A_124 = vector.extract_strided_slice %add3A_123 {offsets = [0, 0, 0], sizes = [16, 8, 128], strides = [1, 1, 1]} : vector<32x8x128xf32> to vector<16x8x128xf32>
      %slice3A_125 = vector.extract_strided_slice %add3A_123 {offsets = [16, 0, 0], sizes = [16, 8, 128], strides = [1, 1, 1]} : vector<32x8x128xf32> to vector<16x8x128xf32>
      %add3A_126 = arith.addf %slice3A_124, %slice3A_125 : vector<16x8x128xf32>
      %slice3A_127 = vector.extract_strided_slice %add3A_126 {offsets = [0, 0, 0], sizes = [8, 8, 128], strides = [1, 1, 1]} : vector<16x8x128xf32> to vector<8x8x128xf32>
      %slice3A_128 = vector.extract_strided_slice %add3A_126 {offsets = [8, 0, 0], sizes = [8, 8, 128], strides = [1, 1, 1]} : vector<16x8x128xf32> to vector<8x8x128xf32>
      %add3A_129 = arith.addf %slice3A_127, %slice3A_128 : vector<8x8x128xf32>
      %slice3A_130 = vector.extract_strided_slice %add3A_129 {offsets = [0, 0, 0], sizes = [4, 8, 128], strides = [1, 1, 1]} : vector<8x8x128xf32> to vector<4x8x128xf32>
      %slice3A_131 = vector.extract_strided_slice %add3A_129 {offsets = [4, 0, 0], sizes = [4, 8, 128], strides = [1, 1, 1]} : vector<8x8x128xf32> to vector<4x8x128xf32>
      %add3A_132 = arith.addf %slice3A_130, %slice3A_131 : vector<4x8x128xf32>
      %slice3A_133 = vector.extract_strided_slice %add3A_132 {offsets = [0, 0, 0], sizes = [2, 8, 128], strides = [1, 1, 1]} : vector<4x8x128xf32> to vector<2x8x128xf32>
      %slice3A_134 = vector.extract_strided_slice %add3A_132 {offsets = [2, 0, 0], sizes = [2, 8, 128], strides = [1, 1, 1]} : vector<4x8x128xf32> to vector<2x8x128xf32>
      %add3A_135 = arith.addf %slice3A_133, %slice3A_134 : vector<2x8x128xf32>
      %slice3A_136 = vector.extract_strided_slice %add3A_135 {offsets = [0, 0, 0], sizes = [1, 8, 128], strides = [1, 1, 1]} : vector<2x8x128xf32> to vector<1x8x128xf32>
      %slice3A_137 = vector.extract_strided_slice %add3A_135 {offsets = [1, 0, 0], sizes = [1, 8, 128], strides = [1, 1, 1]} : vector<2x8x128xf32> to vector<1x8x128xf32>
      %add3A_138 = arith.addf %slice3A_136, %slice3A_137 : vector<1x8x128xf32>
      %squeeze3A_139 = vector.shape_cast %add3A_138 : vector<1x8x128xf32> to vector<8x128xf32>
      %add3A_140 = arith.addf %get3A_112, %squeeze3A_139 : vector<8x128xf32>
      %swap3A_141 = arith.constant 5 : index
      %swap3A_142 = arith.constant 0 : index
      %swap3A_143 = arith.constant 0 : index
      %swap3A_144 = vector.load %arg9[%swap3A_141, %swap3A_142, %swap3A_143] : memref<6x8x128xf32, #tpu.memory_space<vmem>>, vector<1x8x128xf32>
      %swap3A_145 = vector.shape_cast %swap3A_144 : vector<1x8x128xf32> to vector<8x128xf32>
      %swap3A_146 = vector.shape_cast %add3A_140 : vector<8x128xf32> to vector<1x8x128xf32>
      tpu.vector_store %arg9[%swap3A_141, %swap3A_142, %swap3A_143], %swap3A_146 {strides = array<i32>} : memref<6x8x128xf32, #tpu.memory_space<vmem>>, vector<1x8x128xf32>,
    } else {
    }
    %eq3A_49 = arith.constant 1 : i32
    %eq3A_50 = arith.cmpi eq, %arg0, %eq3A_49 : i32
    %and3A_51 = arith.andi %and3A_7, %eq3A_50 : i1
    %convert_element_type3A_52 = arith.extui %and3A_51 : i1 to i32
    %cond3A_53 = arith.constant 0 : i32
    %cond3A_54 = arith.cmpi ne, %convert_element_type3A_52, %cond3A_53 : i32
    scf.if %cond3A_54 {
      %get3A_55 = arith.constant 4 : index
      %get3A_56 = arith.constant 0 : index
      %get3A_57 = arith.constant 0 : index
      %get3A_58 = vector.load %arg9[%get3A_55, %get3A_56, %get3A_57] : memref<6x8x128xf32, #tpu.memory_space<vmem>>, vector<1x8x128xf32>
      %get3A_59 = vector.shape_cast %get3A_58 : vector<1x8x128xf32> to vector<8x128xf32>
      %reduce_sum3A = arith.constant dense<0.000000e+00> : vector<128xf32>
      %reduce_sum3A_60 = vector.multi_reduction <add>, %get3A_59, %reduce_sum3A [0] : vector<8x128xf32> to vector<128xf32>
      %broadcast_in_dim3A = vector.shape_cast %reduce_sum3A_60 : vector<128xf32> to vector<1x128xf32>
      %get3A_61 = arith.constant 5 : index
      %get3A_62 = arith.constant 0 : index
      %get3A_63 = arith.constant 0 : index
      %get3A_64 = vector.load %arg9[%get3A_61, %get3A_62, %get3A_63] : memref<6x8x128xf32, #tpu.memory_space<vmem>>, vector<1x8x128xf32>
      %get3A_65 = vector.shape_cast %get3A_64 : vector<1x8x128xf32> to vector<8x128xf32>
      %reduce_sum3A_66 = arith.constant dense<0.000000e+00> : vector<128xf32>
      %reduce_sum3A_67 = vector.multi_reduction <add>, %get3A_65, %reduce_sum3A_66 [0] : vector<8x128xf32> to vector<128xf32>
      %broadcast_in_dim3A_68 = vector.shape_cast %reduce_sum3A_67 : vector<128xf32> to vector<1x128xf32>
      %mul3A_69 = arith.constant 3.81469727E-6 : f32
      %mul3A_70 = vector.broadcast %mul3A_69 : f32 to vector<1x128xf32>
      %mul3A_71 = arith.mulf %broadcast_in_dim3A, %mul3A_70 : vector<1x128xf32>
      %mul3A_72 = arith.constant 3.81469727E-6 : f32
      %mul3A_73 = vector.broadcast %mul3A_72 : f32 to vector<1x128xf32>
      %mul3A_74 = arith.mulf %broadcast_in_dim3A_68, %mul3A_73 : vector<1x128xf32>
      %mul3A_75 = arith.mulf %mul3A_71, %mul3A_71 : vector<1x128xf32>
      %sub3A = arith.subf %mul3A_74, %mul3A_75 : vector<1x128xf32>
      %get3A_76 = arith.constant 4 : index
      %get3A_77 = arith.constant 0 : index
      %get3A_78 = vector.load %arg6[%get3A_76, %get3A_77] : memref<8x128xf32, #tpu.memory_space<vmem>>, vector<1x128xf32>
      %add3A_79 = arith.constant 9.99999974E-6 : f32
      %add3A_80 = vector.broadcast %add3A_79 : f32 to vector<1x128xf32>
      %add3A_81 = arith.addf %sub3A, %add3A_80 : vector<1x128xf32>
      %rsqrt3A = math.rsqrt %add3A_81 : vector<1x128xf32>
      %mul3A_82 = arith.mulf %get3A_78, %rsqrt3A : vector<1x128xf32>
      %get3A_83 = arith.constant 5 : index
      %get3A_84 = arith.constant 0 : index
      %get3A_85 = vector.load %arg6[%get3A_83, %get3A_84] : memref<8x128xf32, #tpu.memory_space<vmem>>, vector<1x128xf32>
      %mul3A_86 = arith.mulf %mul3A_71, %mul3A_82 : vector<1x128xf32>
      %sub3A_87 = arith.subf %get3A_85, %mul3A_86 : vector<1x128xf32>
      %swap3A = arith.constant 4 : index
      %swap3A_88 = arith.constant 0 : index
      %swap3A_89 = vector.load %arg8[%swap3A, %swap3A_88] : memref<8x128xf32, #tpu.memory_space<vmem>>, vector<1x128xf32>
      tpu.vector_store %arg8[%swap3A, %swap3A_88], %mul3A_82 {strides = array<i32>} : memref<8x128xf32, #tpu.memory_space<vmem>>, vector<1x128xf32>,
      %swap3A_90 = arith.constant 5 : index
      %swap3A_91 = arith.constant 0 : index
      %swap3A_92 = vector.load %arg8[%swap3A_90, %swap3A_91] : memref<8x128xf32, #tpu.memory_space<vmem>>, vector<1x128xf32>
      tpu.vector_store %arg8[%swap3A_90, %swap3A_91], %sub3A_87 {strides = array<i32>} : memref<8x128xf32, #tpu.memory_space<vmem>>, vector<1x128xf32>,
    } else {
    }
    return
  }
  func.func @transform_0(%arg0: i32, %arg1: i32, %arg2: i32) -> (i32, i32, i32, i32, i32) {
    %c0_i32 = arith.constant 0 : i32
    %c0_i32_0 = arith.constant 0 : i32
    %c0_i32_1 = arith.constant 0 : i32
    %c0_i32_2 = arith.constant 0 : i32
    return %arg1, %c0_i32, %arg2, %c0_i32_0, %c0_i32_1 : i32, i32, i32, i32, i32
  }
  func.func @transform_1(%arg0: i32, %arg1: i32, %arg2: i32) -> (i32, i32) {
    %c0_i32 = arith.constant 0 : i32
    %c0_i32_0 = arith.constant 0 : i32
    %c0_i32_1 = arith.constant 0 : i32
    return %c0_i32, %c0_i32_0 : i32, i32
  }
  func.func @transform_2(%arg0: i32, %arg1: i32, %arg2: i32) -> (i32, i32) {
    %c0_i32 = arith.constant 0 : i32
    %c0_i32_0 = arith.constant 0 : i32
    %c0_i32_1 = arith.constant 0 : i32
    return %c0_i32, %c0_i32_0 : i32, i32
  }
  func.func @transform_3(%arg0: i32, %arg1: i32, %arg2: i32) -> (i32, i32) {
    %c0_i32 = arith.constant 0 : i32
    %c0_i32_0 = arith.constant 0 : i32
    %c0_i32_1 = arith.constant 0 : i32
    return %c0_i32, %c0_i32_0 : i32, i32
  }
  func.func @transform_4(%arg0: i32, %arg1: i32, %arg2: i32) -> (i32, i32, i32) {
    %c0_i32 = arith.constant 0 : i32
    %c0_i32_0 = arith.constant 0 : i32
    %c0_i32_1 = arith.constant 0 : i32
    %c0_i32_2 = arith.constant 0 : i32
    return %c0_i32, %c0_i32_0, %c0_i32_1 : i32, i32, i32
  }
  func.func @transform_5(%arg0: i32, %arg1: i32, %arg2: i32) -> (i32, i32) {
    %c0_i32 = arith.constant 0 : i32
    %c0_i32_0 = arith.constant 0 : i32
    %c0_i32_1 = arith.constant 0 : i32
    return %c0_i32, %c0_i32_0 : i32, i32
  }
}

module attributes {stable_mosaic.version = 14 : i64} {
  func.func @_final_body(%arg0: i32, %arg1: i32, %arg2: memref<1x16x1x128x64xbf16, #tpu.memory_space<vmem>>, %arg3: memref<64x64xf32, #tpu.memory_space<vmem>>, %arg4: memref<64x128xf32, #tpu.memory_space<vmem>>, %arg5: memref<8x128xf32, #tpu.memory_space<vmem>>, %arg6: memref<1x128x128xf32, #tpu.memory_space<vmem>>) attributes {dimension_semantics = [#tpu.dimension_semantics<arbitrary>, #tpu.dimension_semantics<arbitrary>], iteration_bounds = array<i64: 8, 16>, scalar_prefetch = 0 : i64, scratch_operands = 0 : i64, tpu.core_type = #tpu.core_type<tc>, window_params = [{transform_indices = @transform_0, window_bounds = array<i64: 1, 16, 1, 128, 64>}, {pipeline_mode = #tpu.pipeline_mode<synchronous>, transform_indices = @transform_1, window_bounds = array<i64: 64, 64>}, {pipeline_mode = #tpu.pipeline_mode<synchronous>, transform_indices = @transform_2, window_bounds = array<i64: 64, 128>}, {pipeline_mode = #tpu.pipeline_mode<synchronous>, transform_indices = @transform_3, window_bounds = array<i64: 8, 128>}, {transform_indices = @transform_4, window_bounds = array<i64: 1, 128, 128>}]} {
    %get3A = arith.constant 0 : index
    %get3A_0 = arith.constant 0 : index
    %get3A_1 = arith.constant 0 : index
    %get3A_2 = arith.constant 0 : index
    %get3A_3 = arith.constant 0 : index
    %get3A_4 = vector.load %arg2[%get3A, %get3A_0, %get3A_1, %get3A_2, %get3A_3] : memref<1x16x1x128x64xbf16, #tpu.memory_space<vmem>>, vector<1x16x1x128x64xbf16>
    %get3A_5 = vector.shape_cast %get3A_4 : vector<1x16x1x128x64xbf16> to vector<16x128x64xbf16>
    %reshape3A = vector.shape_cast %get3A_5 : vector<16x128x64xbf16> to vector<2048x64xbf16>
    %convert_element_type3A = arith.extf %reshape3A : vector<2048x64xbf16> to vector<2048x64xf32>
    %get3A_6 = arith.constant 0 : index
    %get3A_7 = arith.constant 0 : index
    %get3A_8 = vector.load %arg5[%get3A_6, %get3A_7] : memref<8x128xf32, #tpu.memory_space<vmem>>, vector<1x64xf32>
    %get3A_9 = arith.constant 1 : index
    %get3A_10 = arith.constant 0 : index
    %get3A_11 = vector.load %arg5[%get3A_9, %get3A_10] : memref<8x128xf32, #tpu.memory_space<vmem>>, vector<1x64xf32>
    %mul3A = vector.broadcast %get3A_8 : vector<1x64xf32> to vector<2048x64xf32>
    %mul3A_12 = arith.mulf %convert_element_type3A, %mul3A : vector<2048x64xf32>
    %add3A = vector.broadcast %get3A_11 : vector<1x64xf32> to vector<2048x64xf32>
    %add3A_13 = arith.addf %mul3A_12, %add3A : vector<2048x64xf32>
    %max3A = arith.constant 0.000000e+00 : f32
    %max3A_14 = vector.broadcast %max3A : f32 to vector<2048x64xf32>
    %max3A_15 = arith.maximumf %add3A_13, %max3A_14 : vector<2048x64xf32>
    %get3A_16 = arith.constant 0 : index
    %get3A_17 = arith.constant 0 : index
    %get3A_18 = vector.load %arg3[%get3A_16, %get3A_17] : memref<64x64xf32, #tpu.memory_space<vmem>>, vector<64x64xf32>
    %dot_general3A = arith.constant dense<0.000000e+00> : vector<2048x64xf32>
    %dot_general3A_19 = tpu.matmul %max3A_15, %get3A_18, %dot_general3A {dimension_numbers = #tpu.dot_dimension_numbers<[1], [0], [0], [1], [0, 0, 1, 1], [], []>, transpose_lhs_hint = false} : vector<2048x64xf32>, vector<64x64xf32>, vector<2048x64xf32> -> vector<2048x64xf32>
    %get3A_20 = arith.constant 2 : index
    %get3A_21 = arith.constant 0 : index
    %get3A_22 = vector.load %arg5[%get3A_20, %get3A_21] : memref<8x128xf32, #tpu.memory_space<vmem>>, vector<1x64xf32>
    %get3A_23 = arith.constant 3 : index
    %get3A_24 = arith.constant 0 : index
    %get3A_25 = vector.load %arg5[%get3A_23, %get3A_24] : memref<8x128xf32, #tpu.memory_space<vmem>>, vector<1x64xf32>
    %mul3A_26 = vector.broadcast %get3A_22 : vector<1x64xf32> to vector<2048x64xf32>
    %mul3A_27 = arith.mulf %dot_general3A_19, %mul3A_26 : vector<2048x64xf32>
    %add3A_28 = vector.broadcast %get3A_25 : vector<1x64xf32> to vector<2048x64xf32>
    %add3A_29 = arith.addf %mul3A_27, %add3A_28 : vector<2048x64xf32>
    %max3A_30 = arith.constant 0.000000e+00 : f32
    %max3A_31 = vector.broadcast %max3A_30 : f32 to vector<2048x64xf32>
    %max3A_32 = arith.maximumf %add3A_29, %max3A_31 : vector<2048x64xf32>
    %get3A_33 = arith.constant 0 : index
    %get3A_34 = arith.constant 0 : index
    %get3A_35 = vector.load %arg4[%get3A_33, %get3A_34] : memref<64x128xf32, #tpu.memory_space<vmem>>, vector<64x128xf32>
    %dot_general3A_36 = arith.constant dense<0.000000e+00> : vector<2048x128xf32>
    %dot_general3A_37 = tpu.matmul %max3A_32, %get3A_35, %dot_general3A_36 {dimension_numbers = #tpu.dot_dimension_numbers<[1], [0], [0], [1], [0, 0, 1, 1], [], []>, transpose_lhs_hint = false} : vector<2048x64xf32>, vector<64x128xf32>, vector<2048x128xf32> -> vector<2048x128xf32>
    %reshape3A_38 = vector.shape_cast %dot_general3A_37 : vector<2048x128xf32> to vector<16x128x128xf32>
    %reduce_max3A = arith.constant dense<0xFF800000> : vector<128x128xf32>
    %reduce_max3A_39 = vector.multi_reduction <maximumf>, %reshape3A_38, %reduce_max3A [0] : vector<16x128x128xf32> to vector<128x128xf32>
    %get3A_40 = arith.constant 4 : index
    %get3A_41 = arith.constant 0 : index
    %get3A_42 = vector.load %arg5[%get3A_40, %get3A_41] : memref<8x128xf32, #tpu.memory_space<vmem>>, vector<1x128xf32>
    %get3A_43 = arith.constant 5 : index
    %get3A_44 = arith.constant 0 : index
    %get3A_45 = vector.load %arg5[%get3A_43, %get3A_44] : memref<8x128xf32, #tpu.memory_space<vmem>>, vector<1x128xf32>
    %mul3A_46 = vector.broadcast %get3A_42 : vector<1x128xf32> to vector<128x128xf32>
    %mul3A_47 = arith.mulf %reduce_max3A_39, %mul3A_46 : vector<128x128xf32>
    %add3A_48 = vector.broadcast %get3A_45 : vector<1x128xf32> to vector<128x128xf32>
    %add3A_49 = arith.addf %mul3A_47, %add3A_48 : vector<128x128xf32>
    %max3A_50 = arith.constant 0.000000e+00 : f32
    %max3A_51 = vector.broadcast %max3A_50 : f32 to vector<128x128xf32>
    %max3A_52 = arith.maximumf %add3A_49, %max3A_51 : vector<128x128xf32>
    %transpose3A = tpu.transpose %max3A_52, [1, 0] : vector<128x128xf32> -> vector<128x128xf32>
    %swap3A = arith.constant 0 : index
    %swap3A_53 = arith.constant 0 : index
    %swap3A_54 = arith.constant 0 : index
    %swap3A_55 = vector.load %arg6[%swap3A, %swap3A_53, %swap3A_54] : memref<1x128x128xf32, #tpu.memory_space<vmem>>, vector<1x128x128xf32>
    %swap3A_56 = vector.shape_cast %swap3A_55 : vector<1x128x128xf32> to vector<128x128xf32>
    %swap3A_57 = vector.shape_cast %transpose3A : vector<128x128xf32> to vector<1x128x128xf32>
    tpu.vector_store %arg6[%swap3A, %swap3A_53, %swap3A_54], %swap3A_57 {strides = array<i32>} : memref<1x128x128xf32, #tpu.memory_space<vmem>>, vector<1x128x128xf32>,
    return
  }
  func.func @transform_0(%arg0: i32, %arg1: i32) -> (i32, i32, i32, i32, i32) {
    %c0_i32 = arith.constant 0 : i32
    %c0_i32_0 = arith.constant 0 : i32
    %c0_i32_1 = arith.constant 0 : i32
    %c0_i32_2 = arith.constant 0 : i32
    return %arg0, %c0_i32, %arg1, %c0_i32_0, %c0_i32_1 : i32, i32, i32, i32, i32
  }
  func.func @transform_1(%arg0: i32, %arg1: i32) -> (i32, i32) {
    %c0_i32 = arith.constant 0 : i32
    %c0_i32_0 = arith.constant 0 : i32
    %c0_i32_1 = arith.constant 0 : i32
    return %c0_i32, %c0_i32_0 : i32, i32
  }
  func.func @transform_2(%arg0: i32, %arg1: i32) -> (i32, i32) {
    %c0_i32 = arith.constant 0 : i32
    %c0_i32_0 = arith.constant 0 : i32
    %c0_i32_1 = arith.constant 0 : i32
    return %c0_i32, %c0_i32_0 : i32, i32
  }
  func.func @transform_3(%arg0: i32, %arg1: i32) -> (i32, i32) {
    %c0_i32 = arith.constant 0 : i32
    %c0_i32_0 = arith.constant 0 : i32
    %c0_i32_1 = arith.constant 0 : i32
    return %c0_i32, %c0_i32_0 : i32, i32
  }
  func.func @transform_4(%arg0: i32, %arg1: i32) -> (i32, i32, i32) {
    %c0_i32 = arith.constant 0 : i32
    %c0_i32_0 = arith.constant 0 : i32
    return %arg0, %c0_i32, %arg1 : i32, i32, i32
  }
}

</mosaic_0001>

<sc_bundles>
// kernel: kernel.7.cloned.1.call-start
scs
__scs_entry_jumppad:
0x0: {  	(pc) =	sbr.rel $0x88, $3  }
0x1: {  	(tag) =	ssettag $0x0;
	lr =	simm.s32 $0x1  }
0x2: {  	[smem:$0x3F94] =	sst lr;
	_ =	strace $0xD0000000  }
0x3: {  	_ = 	snop  }
0x4: {  	_ = 	snop  }
0x5: {  	_ = 	snop  }
0x6: {  	_ = 	snop  }
0x7: {  	_ = 	snop  }
__scs_overlays_trampoline_lowered:
0x8: {  	[smem:$0x3FA3] =	sst s0  }
0x9: {  	[smem:$0x3FA4] =	sst s1  }
0xa: {  	[smem:$0x3FA5] =	sst s2  }
0xb: {  	[smem:$0x3FA6] =	sst s3  }
0xc: {  	[smem:$0x3FA7] =	sst s4  }
0xd: {  	[smem:$0x3FA8] =	sst s5  }
0xe: {  	[smem:$0x3FA9] =	sst s6  }
0xf: {  	[smem:$0x3FAA] =	sst s7  }
0x10: {  	[smem:$0x3FAB] =	sst s8  }
0x11: {  	[smem:$0x3FAC] =	sst s9;
	s0 =	simm.s32 @!p0 $0x0  }
0x12: {  	s1 =	sld [smem:$0x3F92];
	s0 =	simm.s32 @p0 $0x1  }
0x13: {  	[smem:$0x3FAD] =	sst s0;
	s0 =	simm.s32 @!p1 $0x0  }
0x14: {  	s2 =	sld [smem:$0x3F91];
	s0 =	simm.s32 @p1 $0x1  }
0x15: {  	[smem:$0x3FAE] =	sst s0;
	s0 =	simm.s32 @!p2 $0x0  }
0x16: {  	s3 =	sld [smem:$0x3FDB];
	s0 =	simm.s32 @p2 $0x1  }
0x17: {  	s4 =	simm.s32 $0x1BF5;
	[smem:$0x3FB0] =	sst s0  }
0x18: {  	s0 =	sld [smem:$0x3F93];
	_ =	swait.ge [sflag:s4], $0x0  }
0x19: {  	s7 =	sld [smem:$0x3F94]  }
0x1a: {  	s8 =	sadd.s32 $0xFFFFE003, lr  }
0x1b: {  	s9 =	sadd.s32 $0xFFFFFEF7, lr;
	s5 =	simm.s32 $0xFFFFFFFF;
	p2 =	slt.u32 s8, $0xFFFFF086  }
0x1c: {  	p1 =	slt.u32 s9, $0xF7A;
	s5 =	simm.s32 @!p2 $0x0  }
0x1d: {  	s5 =	simm.s32 @p1 $0x1;
	p0 =	seq.s32 s7, s2  }
0x1e: {  	s7 =	smul.u32 @!p0 $0xF7A, s2;
	p2 =	seq.s32 @!p0 s5, $0x0  }
0x1f: {  	s9 =	smul.u32 $0xF7A, s1;
	s8 =	simm.s32 @!p0 $0x1BF5;
	p2 =	por !p2, p0  }
0x20: {  	[sflag:s8] =	ssyncset.s32 @!p0 $0xFFFFF086;
	s6 =	sadd.s32 @!p0 s3, s7;
	s7 =	simm.s32 @!p0 $0x108  }
0x21: {  	s3 =	sadd.s32 s3, s9;
	s6 =	sadd.s32 @!p0 $0x88, s6;
	s7 =	simm.s32 @p2 $0x1082  }
0x22: {  	[simem:s7], [sflag:s8] =	dma.local @!p0 [hbm:s6], $0xF7A  }
0x23: {  	s9 =	sor.u32 $0xD0000000, s2;
	s6 =	simm.s32 $0x108;
	_ =	swait.ge @!p0 [sflag:s8], $0x0  }
0x24: {  	s3 =	sadd.s32 $0x88, s3;
	s6 =	simm.s32 @!p1 $0x1082;
	[sflag:s4] =	ssyncset.s32 $0xFFFFF086  }
0x25: {  	[simem:s6], [sflag:s4] =	dma.local [hbm:s3], $0xF7A  }
0x26: {  	[smem:$0x3F94] =	sst s1;
	(tag) =	ssettag s2;
	_ =	strace s9  }
0x27: {  	s1 =	sld [smem:$0x3FA4]  }
0x28: {  	s2 =	sld [smem:$0x3FA5]  }
0x29: {  	s4 =	sld [smem:$0x3FA7]  }
0x2a: {  	p0 =	seq.s32 s5, $0x0;
	s5 =	sld [smem:$0x3FA8]  }
0x2b: {  	s6 =	sld [smem:$0x3FA9]  }
0x2c: {  	s7 =	sld [smem:$0x3FAA]  }
0x2d: {  	s3 =	simm.s32 $0x108;
	s8 =	sld [smem:$0x3FAB]  }
0x2e: {  	s3 =	simm.s32 @!p0 $0x1082;
	s9 =	sld [smem:$0x3FAC]  }
0x2f: {  	lr =	sadd.s32 s0, s3;
	s0 =	sld [smem:$0x3FA3]  }
0x30: {  	s3 =	sld [smem:$0x3FA6]  }
0x31: {  	[smem:$0x3FAF] =	sst s10  }
0x32: {  	s10 =	sld [smem:$0x3FAD];
	_ =	sdelay $0x3  }
0x33: {  	p0 =	seq.s32 s10, $0x1;
	s10 =	sld [smem:$0x3FAF];
	_ =	sdelay $0x3  }
0x34: {  	[smem:$0x3FAF] =	sst s10  }
0x35: {  	s10 =	sld [smem:$0x3FAE];
	_ =	sdelay $0x3  }
0x36: {  	p1 =	seq.s32 s10, $0x1;
	s10 =	sld [smem:$0x3FAF];
	_ =	sdelay $0x3  }
0x37: {  	[smem:$0x3FAF] =	sst s10  }
0x38: {  	s10 =	sld [smem:$0x3FB0]  }
0x39: {  	_ = 	snop;
	(pc) =	sbr.ind lr, $3  }
0x3a: {  	_ = 	snop  }
0x3b: {  	_ = 	snop  }
0x3c: {  	p2 =	seq.s32 s10, $0x1;
	s10 =	sld [smem:$0x3FAF]  }
0x3d: {  	_ =	shalt  }
0x3e: {  	_ =	shalt  }
0x3f: {  	_ =	shalt  }
0x40: {  	_ =	shalt  }
0x41: {  	_ =	shalt  }
0x42: {  	_ =	shalt  }
0x43: {  	_ =	shalt  }
0x44: {  	_ =	shalt  }
0x45: {  	_ =	shalt  }
0x46: {  	_ =	shalt  }
0x47: {  	_ =	shalt  }
0x48: {  	_ =	shalt  }
0x49: {  	_ =	shalt  }
0x4a: {  	_ =	shalt  }
0x4b: {  	_ =	shalt  }
0x4c: {  	_ =	shalt  }
0x4d: {  	_ =	shalt  }
0x4e: {  	_ =	shalt  }
0x4f: {  	_ =	shalt  }
0x50: {  	_ =	shalt  }
0x51: {  	_ =	shalt  }
0x52: {  	_ =	shalt  }
0x53: {  	_ =	shalt  }
0x54: {  	_ =	shalt  }
0x55: {  	_ =	shalt  }
0x56: {  	_ =	shalt  }
0x57: {  	_ =	shalt  }
0x58: {  	_ =	shalt  }
0x59: {  	_ =	shalt  }
0x5a: {  	_ =	shalt  }
0x5b: {  	_ =	shalt  }
0x5c: {  	_ =	shalt  }
0x5d: {  	_ =	shalt  }
0x5e: {  	_ =	shalt  }
0x5f: {  	_ =	shalt  }
0x60: {  	_ =	shalt  }
0x61: {  	_ =	shalt  }
0x62: {  	_ =	shalt  }
0x63: {  	_ =	shalt  }
0x64: {  	_ =	shalt  }
0x65: {  	_ =	shalt  }
0x66: {  	_ =	shalt  }
0x67: {  	_ =	shalt  }
0x68: {  	_ =	shalt  }
0x69: {  	_ =	shalt  }
0x6a: {  	_ =	shalt  }
0x6b: {  	_ =	shalt  }
0x6c: {  	_ =	shalt  }
0x6d: {  	_ =	shalt  }
0x6e: {  	_ =	shalt  }
0x6f: {  	_ =	shalt  }
0x70: {  	_ =	shalt  }
0x71: {  	_ =	shalt  }
0x72: {  	_ =	shalt  }
0x73: {  	_ =	shalt  }
0x74: {  	_ =	shalt  }
0x75: {  	_ =	shalt  }
0x76: {  	_ =	shalt  }
0x77: {  	_ =	shalt  }
0x78: {  	_ =	shalt  }
0x79: {  	_ =	shalt  }
0x7a: {  	_ =	shalt  }
0x7b: {  	_ =	shalt  }
0x7c: {  	_ =	shalt  }
0x7d: {  	_ =	shalt  }
0x7e: {  	_ =	shalt  }
0x7f: {  	_ =	shalt  }
0x80: {  	_ =	shalt  }
0x81: {  	_ =	shalt  }
0x82: {  	_ =	shalt  }
0x83: {  	_ =	shalt  }
0x84: {  	_ =	shalt  }
0x85: {  	_ =	shalt  }
0x86: {  	_ =	shalt  }
0x87: {  	_ =	shalt  }
.Lfunc_end0:
.L_simem_size_0:
called_computation_lowered:
.L_overlay_start_0:
0x88: {  	s2 =	sld [smem:$0x3FD9]  }
0x89: {  	s3 =	sld [smem:$0x3FFE];
	_ =	sdelay $0x1  }
0x8a: {  	s1 =	srdreg.scid  }
0x8b: {  	s0 =	sand.u32 $0x1, s1  }
0x8c: {  	s14 =	sshll.u32 s0, $0xA;
	s2 =	sadd.s32 s3, s2  }
0x8d: {  	s2 =	sadd.s32 s2, s14  }
0x8e: {  	[smem:$0x3FBB] =	sst s2  }
0x8f: {  	_ = 	snop  }
0x90: {  	s2 =	sld [smem:$0x3FD0];
	_ =	sdelay $0x2  }
0x91: {  	s15 =	simm.s32 $0xA;
	s4 =	simm.s32 $0x10  }
0x92: {  	[smem:s4], [sflag:s15] =	dma.local [hbm:s2], $0x1  }
0x93: {  	_ =	swait.eq [sflag:s15], $0x1  }
0x94: {  	[sflag:s15] =	ssyncset.done $0x0  }
0x95: {  	[sflag:s15] =	ssyncadd.s32 $0xFFFFFFFF  }
0x96: {  	s16 =	sld [smem:$0x11];
	(tm) =	ssettm $0x1  }
0x97: {  	s17 =	sld [smem:$0x3FFB];
	_ =	sdelay $0x3  }
0x98: {  	_ =	strace s17  }
0x99: {  	s3 =	sld [smem:$0x3FFC];
	_ =	sdelay $0x3  }
0x9a: {  	_ =	strace s3  }
0x9b: {  	s3 =	sld [smem:$0x3FFD];
	_ =	sdelay $0x3  }
0x9c: {  	_ =	strace s3  }
0x9d: {  	_ =	strace $0x8FFFFFFF  }
0x9e: {  	s18 =	sld [smem:$0x3FDB];
	_ =	sdelay $0x1  }
0x9f: {  	s19 =	simm.s32 $_scs_section_size  }
0xa0: {  	s5 =	simm.s32 $_size__tile_overlayer_lowered;
	s6 =	simm.s32 $_tile_overlayer_lowered  }
0xa1: {  	s22 =	simm.s32 $0x1BFF;
	s21 =	sshll.u32 s6, $0x1;
	s3 =	sadd.s32 s19, s18  }
0xa2: {  	s7 =	simm.s32 $0x0;
	s20 =	sshll.u32 s5, $0x1;
	s5 =	sadd.s32 s21, s3  }
0xa3: {  	[timem:s7], [sflag:s22] =	dma.local [hbm:s5], s20  }
0xa4: {  	_ =	swait.ge [sflag:s22], s20  }
0xa5: {  	s4 =	ssub.s32 $0x0, s20;
	[sflag:s22] =	ssyncset.done $0x0  }
0xa6: {  	[sflag:s22] =	ssyncadd.s32 s4;
	_ =	sdelay $0x1  }
0xa7: {  	s23 =	simm.s32 $0x1B8B  }
0xa8: {  	_ =	swait.ge [sflag:s23], $0x1  }
0xa9: {  	[sflag:s23] =	ssyncset.done $0x0  }
0xaa: {  	s25 =	simm.s32 $0x1B8E;
	s24 =	sld [smem:$0x3FFE];
	[sflag:s23] =	ssyncadd.s32 $0xFFFFFFFF  }
0xab: {  	s26 =	simm.s32 $execute0_lowered;
	[smem:$0x3FD2] =	sst s25  }
0xac: {  	s5 =	sshll.u32 s26, $0x1;
	_ =	strace $0x80000046;
	[dreg:$0x1] =	wrdreg $0xFFFFFFFF  }
0xad: {  	s28 =	simm.s32 $_size_execute0_lowered;
	s3 =	sadd.s32 s3, s5;
	[dreg:$0x0] =	wrdreg $0x0  }
0xae: {  	s5 =	sshll.u32 s28, $0x1;
	[dreg:$0x2] =	wrdreg s3  }
0xaf: {  	[dreg:$0x3] =	wrdreg s5  }
0xb0: {  	[dreg:$0x4] =	wrdreg $0xC0  }
0xb1: {  	_ =	task [dreg:s7], $0x5FFFF  }
0xb2: {  	[dreg:$0x1] =	wrdreg $0xFFFFFFFF  }
0xb3: {  	[dreg:$0x0] =	wrdreg $0x60  }
0xb4: {  	[dreg:$0x2] =	wrdreg s16  }
0xb5: {  	[dreg:$0x3] =	wrdreg s24  }
0xb6: {  	[dreg:$0x4] =	wrdreg $0x9  }
0xb7: {  	_ =	task.clear_ibuf [dreg:s7], $0x5FFFF;
	_ =	strace $0x90000046  }
0xb8: {  	s29 =	simm.s32 $0x9;
	_ =	strace $0x80000048  }
0xb9: {  	_ =	swait.ge [sflag:s29], $0x1  }
0xba: {  	[sflag:s29] =	ssyncadd.s32 $0xFFFFFFFF  }
0xbb: {  	_ =	strace $0x90000048  }
0xbc: {  	_ =	sfence  }
0xbd: {  	s30 =	sld [smem:$0x0];
	_ =	sdelay $0x2  }
0xbe: {  	s31 =	sshll.u32 s1, $0xD;
	s1 =	sshrl.u32 s1, $0x2  }
0xbf: {  	s3 =	sand.u32 $0x4000, s31;
	s1 =	sadd.s32 s1, s30  }
0xc0: {  	s0 =	sor.u32 s3, s0;
	s1 =	sshll.u32 s1, $0x11  }
0xc1: {  	s0 =	sor.u32 s1, s0  }
0xc2: {  	s0 =	sadd.s32 $0x8F2B, s0  }
0xc3: {  	[sflag:s0] =	ssyncadd.remote.s32 $0x1  }
0xc4: {  	_ =	sfence.sel $0xFFFF  }
0xc5: {  	[dreg:$0x0] =	wrdreg $0xFFFFFFFF;
	(pc) =	sbr.abs _section_cstart, $3  }
0xc6: {  	[dreg:$0x1] =	wrdreg $0xFFFFFFFF  }
0xc7: {  	_ =	task.clear_ibuf [dreg:s7], $0x2FFFF;
	_ =	strace $0x9FFFFFFF  }
0xc8: {  	(tm) =	ssettm $0x7FFFFFFF  }
0xc9: {  	_ =	shalt  }
tec
execute0_lowered:
.L_overlay_start_1:
0x0: {  	(tag) =	ssettag $0x1  }
0x1: {  	s1 =	rddreg [dreg:$0x0]  }
0x2: {  	s5 =	rddreg [dreg:$0x1]  }
0x3: {  	s2 =	simm.s32 $0x0;
	s3 =	srdreg.scid;
	s13 =	simm.s32 $0x200  }
0x4: {  	s14 =	simm.s32 $0x2;
	s15 =	simm.s32 $0x4200;
	s16 =	simm.s32 $0x3  }
0x5: {  	s17 =	simm.s32 $0x8200;
	s18 =	simm.s32 $0x4;
	s19 =	simm.s32 $0xC200  }
0x6: {  	s20 =	simm.s32 $0x0;
	[smem:$0x7FF] =	sst s2;
	s6 =	sand.u32 $0x1, s3  }
0x7: {  	s4 =	sadd.s32 $0x43000, s5;
	s3 =	stileid.u32;
	s9 =	sadd.s32 $0x4B000, s5  }
0x8: {  	_ =	strace $0x80000047;
	s7 =	ssub.s32 $0x2, s6;
	s28 =	sshll.u32 s3, $0x12  }
0x9: {  	s10 =	sshll.u32 s6, $0x11;
	s11 =	sshll.u32 s3, $0xB;
	s12 =	sshll.u32 s6, $0xA  }
0xa: {  	s8 =	sshrl.u32 s7, $0x1;
	s29 =	sadd.s32 s28, s9;
	s31 =	sor.u32 s12, s11  }
0xb: {  	s11 =	simm.s32 $0x180;
	s12 =	simm.s32 $0x1;
	s26 =	ssub.s32 s7, s8  }
0xc: {  	s7 =	sor.u32 s10, s28;
	s6 =	sadd.s32 s10, s29;
	[dreg:$0x3] =	wrdreg s31  }
0xd: {  	s10 =	simm.s32 $0x100;
	s5 =	smax.u32 s26, $0x1;
	s30 =	sadd.s32 s7, s9  }
0xe: {  	s9 =	simm.s32 $0x80;
	s7 =	sadd.s32 $0x1800, s30;
	s8 =	sadd.s32 $0x1000, s30  }
.LBB2_1:
0xf: {  	s21 =	rddreg [dreg:$0x3];
	s22 =	sand.u32 $0x40, s2  }
0x10: {  	s21 =	sadd.s32 $0x0, s21;
	s22 =	sadd.s32 s4, s22  }
0x11: {  	s23 =	sadd.s32 $0x10, s21;
	s24 =	sand.u32 $0x7F80, s21;
	s26 =	sadd.s32 $0x20, s21  }
0x12: {  	s23 =	sand.u32 $0x50, s23;
	s25 =	sadd.s32 s4, s24;
	s22 =	sadd.s32 s24, s22  }
0x13: {  	[tilespmem:s2], [sflag:$0x1] =	stream.linear.gather [hbm4b:s22+s2], $0x80, $0x38;
	[tilespmem:$0x10200] =	vst v63  }
0x14: {  	s21 =	sadd.s32 $0x30, s21;
	s29 =	sand.u32 $0x60, s26;
	s28 =	sadd.s32 s23, s25  }
0x15: {  	[tilespmem:s9], [sflag:$0x2] =	stream.linear.gather [hbm4b:s28+s2], $0x80, $0x38;
	[tilespmem:$0x10200] =	vst v63  }
0x16: {  	s21 =	sand.u32 $0x70, s21;
	s30 =	sadd.s32 s29, s25  }
0x17: {  	[tilespmem:s10], [sflag:$0x3] =	stream.linear.gather [hbm4b:s30+s2], $0x80, $0x38;
	[tilespmem:$0x10200] =	vst v63  }
0x18: {  	s21 =	sadd.s32 s21, s25  }
0x19: {  	[tilespmem:s11], [sflag:$0x4] =	stream.linear.gather [hbm4b:s21+s2], $0x80, $0x38;
	[tilespmem:$0x10200] =	vst v63  }
0x1a: {  	_ =	swait.ge [sflag:s12], $0x80  }
0x1b: {  	[sflag:s12] =	ssyncset.done $0x0  }
0x1c: {  	[sflag:s12] =	ssyncadd.s32 $0xFFFFFF80  }
0x1d: {  	[tilespmem:s13], [sflag:$0x1] =	stream.indirect.gather [hbm4b:s1+s9], $0x80, s2, s9, $0xb8;
	[tilespmem:$0x10200] =	vst v63  }
0x1e: {  	_ =	swait.ge [sflag:s14], $0x80  }
0x1f: {  	[sflag:s14] =	ssyncset.done $0x0  }
0x20: {  	[sflag:s14] =	ssyncadd.s32 $0xFFFFFF80  }
0x21: {  	[tilespmem:s15], [sflag:$0x2] =	stream.indirect.gather [hbm4b:s1+s9], $0x80, s9, s9, $0xb8;
	[tilespmem:$0x10200] =	vst v63  }
0x22: {  	_ =	swait.ge [sflag:s16], $0x80  }
0x23: {  	[sflag:s16] =	ssyncset.done $0x0  }
0x24: {  	[sflag:s16] =	ssyncadd.s32 $0xFFFFFF80  }
0x25: {  	[tilespmem:s17], [sflag:$0x3] =	stream.indirect.gather [hbm4b:s1+s9], $0x80, s10, s9, $0xb8;
	[tilespmem:$0x10200] =	vst v63  }
0x26: {  	_ =	swait.ge [sflag:s18], $0x80  }
0x27: {  	[sflag:s18] =	ssyncset.done $0x0  }
0x28: {  	[sflag:s18] =	ssyncadd.s32 $0xFFFFFF80  }
0x29: {  	[tilespmem:s19], [sflag:$0x4] =	stream.indirect.gather [hbm4b:s1+s9], $0x80, s11, s9, $0xb8;
	[tilespmem:$0x10200] =	vst v63  }
0x2a: {  	_ =	swait.ge [sflag:s12], $0x4000  }
0x2b: {  	[sflag:s12] =	ssyncset.done $0x0  }
0x2c: {  	[sflag:s12] =	ssyncadd.s32 $0xFFFFC000  }
0x2d: {  	[hbm4b:s6+s2] =	stream.linear.scatter [tilespmem:s13], [sflag:$0x1], $0x4000, $0x38;
	[tilespmem:$0x10200] =	vst v63  }
0x2e: {  	_ =	swait.ge [sflag:s14], $0x4000  }
0x2f: {  	[sflag:s14] =	ssyncset.done $0x0  }
0x30: {  	s31 =	sadd.s32 $0xFFFFF000, s7;
	[sflag:s14] =	ssyncadd.s32 $0xFFFFC000  }
0x31: {  	[hbm4b:s31+s2] =	stream.linear.scatter [tilespmem:s15], [sflag:$0x2], $0x4000, $0x38;
	[tilespmem:$0x10200] =	vst v63  }
0x32: {  	_ =	swait.ge [sflag:s16], $0x4000  }
0x33: {  	[sflag:s16] =	ssyncset.done $0x0  }
0x34: {  	[sflag:s16] =	ssyncadd.s32 $0xFFFFC000  }
0x35: {  	[hbm4b:s8+s2] =	stream.linear.scatter [tilespmem:s17], [sflag:$0x3], $0x4000, $0x38;
	[tilespmem:$0x10200] =	vst v63  }
0x36: {  	_ =	swait.ge [sflag:s18], $0x4000  }
0x37: {  	[sflag:s18] =	ssyncset.done $0x0  }
0x38: {  	[sflag:s18] =	ssyncadd.s32 $0xFFFFC000  }
0x39: {  	[hbm4b:s7+s2] =	stream.linear.scatter [tilespmem:s19], [sflag:$0x4], $0x4000, $0x38;
	[tilespmem:$0x10200] =	vst v63  }
0x3a: {  	_ =	swait.ge [sflag:s12], $0x4000  }
0x3b: {  	[sflag:s12] =	ssyncset.done $0x0  }
0x3c: {  	[sflag:s12] =	ssyncadd.s32 $0xFFFFC000  }
0x3d: {  	_ =	swait.ge [sflag:s14], $0x4000  }
0x3e: {  	[sflag:s14] =	ssyncset.done $0x0  }
0x3f: {  	[sflag:s14] =	ssyncadd.s32 $0xFFFFC000  }
0x40: {  	_ =	swait.ge [sflag:s16], $0x4000  }
0x41: {  	s24 =	simm.s32 $0x40;
	[sflag:s16] =	ssyncset.done $0x0  }
0x42: {  	s25 =	simm.s32 $0x80;
	s22 =	sadd.s32 $0x2000, s8;
	[sflag:s16] =	ssyncadd.s32 $0xFFFFC000  }
0x43: {  	s23 =	smov.u32 s6;
	s21 =	sadd.s32 $0x2000, s7;
	_ =	swait.ge [sflag:s18], $0x4000  }
.LBB2_2:
0x44: {  	s26 =	rddreg [dreg:$0x3];
	[sflag:s18] =	ssyncset.done $0x0;
	s28 =	smov.u32 s25  }
0x45: {  	s29 =	sand.u32 $0x40, s24;
	[sflag:s18] =	ssyncadd.s32 $0xFFFFC000;
	s26 =	sadd.s32 s24, s26  }
0x46: {  	s24 =	smov.u32 s28;
	s29 =	sadd.s32 s4, s29;
	s28 =	sand.u32 $0x7F80, s26  }
0x47: {  	s30 =	sadd.s32 $0x10, s26;
	s31 =	sadd.s32 $0x30, s26;
	s26 =	sadd.s32 $0x20, s26  }
0x48: {  	s30 =	sand.u32 $0x50, s30;
	s0 =	sadd.s32 s4, s28;
	s28 =	sadd.s32 s28, s29  }
0x49: {  	[tilespmem:s2], [sflag:$0x1] =	stream.linear.gather [hbm4b:s28+s2], $0x80, $0x38;
	[tilespmem:$0x10200] =	vst v63  }
0x4a: {  	s26 =	sand.u32 $0x60, s26;
	s29 =	sadd.s32 s30, s0  }
0x4b: {  	[tilespmem:s9], [sflag:$0x2] =	stream.linear.gather [hbm4b:s29+s2], $0x80, $0x38;
	[tilespmem:$0x10200] =	vst v63  }
0x4c: {  	s30 =	sand.u32 $0x70, s31;
	s26 =	sadd.s32 s26, s0  }
0x4d: {  	[tilespmem:s10], [sflag:$0x3] =	stream.linear.gather [hbm4b:s26+s2], $0x80, $0x38;
	[tilespmem:$0x10200] =	vst v63  }
0x4e: {  	s0 =	sadd.s32 s30, s0  }
0x4f: {  	[tilespmem:s11], [sflag:$0x4] =	stream.linear.gather [hbm4b:s0+s2], $0x80, $0x38;
	[tilespmem:$0x10200] =	vst v63  }
0x50: {  	_ =	swait.ge [sflag:s12], $0x80  }
0x51: {  	[sflag:s12] =	ssyncset.done $0x0  }
0x52: {  	[sflag:s12] =	ssyncadd.s32 $0xFFFFFF80  }
0x53: {  	[tilespmem:s13], [sflag:$0x1] =	stream.indirect.gather [hbm4b:s1+s9], $0x80, s2, s9, $0xb8;
	[tilespmem:$0x10200] =	vst v63  }
0x54: {  	_ =	swait.ge [sflag:s14], $0x80  }
0x55: {  	[sflag:s14] =	ssyncset.done $0x0  }
0x56: {  	[sflag:s14] =	ssyncadd.s32 $0xFFFFFF80  }
0x57: {  	[tilespmem:s15], [sflag:$0x2] =	stream.indirect.gather [hbm4b:s1+s9], $0x80, s9, s9, $0xb8;
	[tilespmem:$0x10200] =	vst v63  }
0x58: {  	_ =	swait.ge [sflag:s16], $0x80  }
0x59: {  	[sflag:s16] =	ssyncset.done $0x0  }
0x5a: {  	[sflag:s16] =	ssyncadd.s32 $0xFFFFFF80  }
0x5b: {  	[tilespmem:s17], [sflag:$0x3] =	stream.indirect.gather [hbm4b:s1+s9], $0x80, s10, s9, $0xb8;
	[tilespmem:$0x10200] =	vst v63  }
0x5c: {  	_ =	swait.ge [sflag:s18], $0x80  }
0x5d: {  	[sflag:s18] =	ssyncset.done $0x0  }
0x5e: {  	[sflag:s18] =	ssyncadd.s32 $0xFFFFFF80  }
0x5f: {  	[tilespmem:s19], [sflag:$0x4] =	stream.indirect.gather [hbm4b:s1+s9], $0x80, s11, s9, $0xb8;
	[tilespmem:$0x10200] =	vst v63  }
0x60: {  	_ =	swait.ge [sflag:s12], $0x4000  }
0x61: {  	[sflag:s12] =	ssyncset.done $0x0  }
0x62: {  	s23 =	sadd.s32 $0x2000, s23;
	[sflag:s12] =	ssyncadd.s32 $0xFFFFC000  }
0x63: {  	[hbm4b:s23+s2] =	stream.linear.scatter [tilespmem:s13], [sflag:$0x1], $0x4000, $0x38;
	[tilespmem:$0x10200] =	vst v63  }
0x64: {  	_ =	swait.ge [sflag:s14], $0x4000  }
0x65: {  	[sflag:s14] =	ssyncset.done $0x0  }
0x66: {  	s31 =	sadd.s32 $0xFFFFF000, s21;
	[sflag:s14] =	ssyncadd.s32 $0xFFFFC000  }
0x67: {  	[hbm4b:s31+s2] =	stream.linear.scatter [tilespmem:s15], [sflag:$0x2], $0x4000, $0x38;
	[tilespmem:$0x10200] =	vst v63  }
0x68: {  	_ =	swait.ge [sflag:s16], $0x4000  }
0x69: {  	[sflag:s16] =	ssyncset.done $0x0  }
0x6a: {  	[sflag:s16] =	ssyncadd.s32 $0xFFFFC000  }
0x6b: {  	[hbm4b:s22+s2] =	stream.linear.scatter [tilespmem:s17], [sflag:$0x3], $0x4000, $0x38;
	[tilespmem:$0x10200] =	vst v63  }
0x6c: {  	_ =	swait.ge [sflag:s18], $0x4000  }
0x6d: {  	[sflag:s18] =	ssyncset.done $0x0  }
0x6e: {  	[sflag:s18] =	ssyncadd.s32 $0xFFFFC000  }
0x6f: {  	[hbm4b:s21+s2] =	stream.linear.scatter [tilespmem:s19], [sflag:$0x4], $0x4000, $0x38;
	[tilespmem:$0x10200] =	vst v63  }
0x70: {  	_ =	swait.ge [sflag:s12], $0x4000  }
0x71: {  	[sflag:s12] =	ssyncset.done $0x0  }
0x72: {  	[sflag:s12] =	ssyncadd.s32 $0xFFFFC000  }
0x73: {  	_ =	swait.ge [sflag:s14], $0x4000  }
0x74: {  	p0 =	sne.s32 s25, $0x3C0;
	[sflag:s14] =	ssyncset.done $0x0  }
.Ltmp0:
0x75: {  	[sflag:s14] =	ssyncadd.s32 $0xFFFFC000;
	(pc) =	sbr.rel @p0 .LBB2_2-.Ltmp0, $4  }
0x76: {  	_ =	swait.ge [sflag:s16], $0x4000  }
0x77: {  	[sflag:s16] =	ssyncset.done $0x0  }
0x78: {  	s25 =	sadd.s32 $0x40, s25;
	[sflag:s16] =	ssyncadd.s32 $0xFFFFC000  }
0x79: {  	s22 =	sadd.s32 $0x2000, s22;
	s21 =	sadd.s32 $0x2000, s21;
	_ =	swait.ge [sflag:s18], $0x4000  }
0x7a: {  	s0 =	rddreg [dreg:$0x3];
	[sflag:s18] =	ssyncset.done $0x0;
	s30 =	sand.u32 $0x40, s24  }
0x7b: {  	s0 =	sadd.s32 s24, s0;
	[sflag:s18] =	ssyncadd.s32 $0xFFFFC000;
	s24 =	sadd.s32 s4, s30  }
0x7c: {  	s25 =	sadd.s32 $0x10, s0;
	s26 =	sand.u32 $0x7F80, s0;
	s31 =	sadd.s32 $0x20, s0  }
0x7d: {  	s25 =	sand.u32 $0x50, s25;
	s28 =	sadd.s32 s4, s26;
	s24 =	sadd.s32 s26, s24  }
0x7e: {  	[tilespmem:s2], [sflag:$0x1] =	stream.linear.gather [hbm4b:s24+s2], $0x80, $0x38;
	[tilespmem:$0x10200] =	vst v63  }
0x7f: {  	s0 =	sadd.s32 $0x30, s0;
	s26 =	sand.u32 $0x60, s31;
	s25 =	sadd.s32 s25, s28  }
0x80: {  	[tilespmem:s9], [sflag:$0x2] =	stream.linear.gather [hbm4b:s25+s2], $0x80, $0x38;
	[tilespmem:$0x10200] =	vst v63  }
0x81: {  	s0 =	sand.u32 $0x70, s0;
	s29 =	sadd.s32 s26, s28  }
0x82: {  	[tilespmem:s10], [sflag:$0x3] =	stream.linear.gather [hbm4b:s29+s2], $0x80, $0x38;
	[tilespmem:$0x10200] =	vst v63  }
0x83: {  	s0 =	sadd.s32 s0, s28  }
0x84: {  	[tilespmem:s11], [sflag:$0x4] =	stream.linear.gather [hbm4b:s0+s2], $0x80, $0x38;
	[tilespmem:$0x10200] =	vst v63  }
0x85: {  	_ =	swait.ge [sflag:s12], $0x80  }
0x86: {  	[sflag:s12] =	ssyncset.done $0x0  }
0x87: {  	[sflag:s12] =	ssyncadd.s32 $0xFFFFFF80  }
0x88: {  	[tilespmem:s13], [sflag:$0x1] =	stream.indirect.gather [hbm4b:s1+s9], $0x80, s2, s9, $0xb8;
	[tilespmem:$0x10200] =	vst v63  }
0x89: {  	_ =	swait.ge [sflag:s14], $0x80  }
0x8a: {  	[sflag:s14] =	ssyncset.done $0x0  }
0x8b: {  	[sflag:s14] =	ssyncadd.s32 $0xFFFFFF80  }
0x8c: {  	[tilespmem:s15], [sflag:$0x2] =	stream.indirect.gather [hbm4b:s1+s9], $0x80, s9, s9, $0xb8;
	[tilespmem:$0x10200] =	vst v63  }
0x8d: {  	_ =	swait.ge [sflag:s16], $0x80  }
0x8e: {  	[sflag:s16] =	ssyncset.done $0x0  }
0x8f: {  	[sflag:s16] =	ssyncadd.s32 $0xFFFFFF80  }
0x90: {  	[tilespmem:s17], [sflag:$0x3] =	stream.indirect.gather [hbm4b:s1+s9], $0x80, s10, s9, $0xb8;
	[tilespmem:$0x10200] =	vst v63  }
0x91: {  	_ =	swait.ge [sflag:s18], $0x80  }
0x92: {  	[sflag:s18] =	ssyncset.done $0x0  }
0x93: {  	[sflag:s18] =	ssyncadd.s32 $0xFFFFFF80  }
0x94: {  	[tilespmem:s19], [sflag:$0x4] =	stream.indirect.gather [hbm4b:s1+s9], $0x80, s11, s9, $0xb8;
	[tilespmem:$0x10200] =	vst v63  }
0x95: {  	_ =	swait.ge [sflag:s12], $0x4000  }
0x96: {  	[sflag:s12] =	ssyncset.done $0x0  }
0x97: {  	s30 =	sadd.s32 $0x2000, s23;
	[sflag:s12] =	ssyncadd.s32 $0xFFFFC000  }
0x98: {  	[hbm4b:s30+s2] =	stream.linear.scatter [tilespmem:s13], [sflag:$0x1], $0x4000, $0x38;
	[tilespmem:$0x10200] =	vst v63  }
0x99: {  	_ =	swait.ge [sflag:s14], $0x4000  }
0x9a: {  	[sflag:s14] =	ssyncset.done $0x0  }
0x9b: {  	s31 =	sadd.s32 $0xFFFFF000, s21;
	[sflag:s14] =	ssyncadd.s32 $0xFFFFC000  }
0x9c: {  	[hbm4b:s31+s2] =	stream.linear.scatter [tilespmem:s15], [sflag:$0x2], $0x4000, $0x38;
	[tilespmem:$0x10200] =	vst v63  }
0x9d: {  	_ =	swait.ge [sflag:s16], $0x4000  }
0x9e: {  	[sflag:s16] =	ssyncset.done $0x0  }
0x9f: {  	[sflag:s16] =	ssyncadd.s32 $0xFFFFC000  }
0xa0: {  	[hbm4b:s22+s2] =	stream.linear.scatter [tilespmem:s17], [sflag:$0x3], $0x4000, $0x38;
	[tilespmem:$0x10200] =	vst v63  }
0xa1: {  	_ =	swait.ge [sflag:s18], $0x4000  }
0xa2: {  	[sflag:s18] =	ssyncset.done $0x0  }
0xa3: {  	[sflag:s18] =	ssyncadd.s32 $0xFFFFC000  }
0xa4: {  	[hbm4b:s21+s2] =	stream.linear.scatter [tilespmem:s19], [sflag:$0x4], $0x4000, $0x38;
	[tilespmem:$0x10200] =	vst v63  }
0xa5: {  	_ =	swait.ge [sflag:s12], $0x4000  }
0xa6: {  	[sflag:s12] =	ssyncset.done $0x0  }
0xa7: {  	[sflag:s12] =	ssyncadd.s32 $0xFFFFC000  }
0xa8: {  	_ =	swait.ge [sflag:s14], $0x4000  }
0xa9: {  	[sflag:s14] =	ssyncset.done $0x0  }
0xaa: {  	s20 =	sadd.s32 $0x1, s20;
	[sflag:s14] =	ssyncadd.s32 $0xFFFFC000  }
0xab: {  	p0 =	sne.s32 s20, s5;
	_ =	swait.ge [sflag:s16], $0x4000  }
.Ltmp1:
0xac: {  	[sflag:s16] =	ssyncset.done $0x0;
	(pc) =	sbr.rel @p0 .LBB2_1-.Ltmp1, $4  }
0xad: {  	[sflag:s16] =	ssyncadd.s32 $0xFFFFC000  }
0xae: {  	_ =	swait.ge [sflag:s18], $0x4000  }
0xaf: {  	[sflag:s18] =	ssyncset.done $0x0  }
0xb0: {  	[sflag:s18] =	ssyncadd.s32 $0xFFFFC000  }
0xb1: {  	_ =	sfence.sel $0x180000  }
0xb2: {  	[bflag:$0x0] =	sbarrier.arrive $0xFFFF  }
0xb3: {  	_ =	strace $0x90000047  }
0xb4: {  	[bflag:$0x2] =	sbarrier.arrive $0xFFFF  }
0xb5: {  	p0 =	sne.s32 s3, $0x0;
	s0 =	rddreg [dreg:$0x2]  }
0xb6: {  	s0 =	sadd.s32 @!p0 $0x100000, s0  }
0xb7: {  	[sflag:s0] =	ssyncadd.tile.s32 @!p0 $0x1;
	_ =	shalt  }
.Lfunc_end2:
_tile_overlayer_lowered:
.L_overlay_start_2:
0xb8: {  	(tag) =	ssettag $0x2  }
0xb9: {  	s0 =	rddreg [dreg:$0x0];
	s2 =	stileid.u32  }
0xba: {  	s1 =	rddreg [dreg:$0x1];
	p0 =	sne.s32 s2, $0x0  }
0xbb: {  	s3 =	rddreg [dreg:$0x2];
	[bflag:$0x3] =	sbarrier.arrive $0xFFFF;
	s2 =	simm.s32 @!p0 $0x1C05  }
0xbc: {  	[timem:s3], [sflag:s2] =	dma.local @!p0 [hbm:s0], s1  }
0xbd: {  	s0 =	simm.s32 @!p0 $0x5  }
0xbe: {  	_ =	swait.ge @!p0 [sflag:s0], s1  }
0xbf: {  	s1 =	ssub.s32 @!p0 $0x0, s1;
	[sflag:s0] =	ssyncset.done @!p0 $0x0  }
0xc0: {  	[sflag:s0] =	ssyncadd.s32 @!p0 s1  }
0xc1: {  	[bflag:$0x3] =	sbarrier.arrive $0xFFFF  }
0xc2: {  	_ =	shalt  }

</sc_bundles>
